<compile_context>
chip_gen: v7x
topology: tpu7x:2x2x1
jax: 0.10.2.dev20260603
libtpu: 0.0.44.dev20260713+nightly
codegen_flags: <defaults>
</compile_context>

<pallas_src>
import functools

import jax
import jax.numpy as jnp
from jax import lax
from jax.experimental import pallas as pl
from jax.experimental.pallas import tpu as pltpu
from jax.experimental.pallas import tpu_sc as plsc

N = 10000
E = 320000
F = 128
ALPHA = 0.2

NC = 2
NS = 16
NW = NC * NS
CH = 48
NCHUNK = 210
EPT = CH * NCHUNK
EPAD = NW * EPT
NPAD = 10112
STRIPE = NPAD // NS



def _dense_body(x_ref, wt_ref, a1_ref, a2_ref, h_ref, s1_ref, s2_ref,
                m1_ref, m2_ref):
    h = jnp.dot(x_ref[...], wt_ref[...], preferred_element_type=jnp.float32)
    h_ref[...] = h
    s1 = jnp.dot(h, a1_ref[...], preferred_element_type=jnp.float32)
    s2 = jnp.dot(h, a2_ref[...], preferred_element_type=jnp.float32)
    s1_ref[...] = s1
    s2_ref[...] = s2

    @pl.when(pl.program_id(0) == 0)
    def _():
        m1_ref[0, 0] = -jnp.inf
        m2_ref[0, 0] = -jnp.inf

    m1_ref[0, 0] = jnp.maximum(m1_ref[0, 0], jnp.max(s1))
    m2_ref[0, 0] = jnp.maximum(m2_ref[0, 0], jnp.max(s2))


_RB = 1000

_dense = pl.pallas_call(
    _dense_body,
    grid=(N // _RB,),
    in_specs=[
        pl.BlockSpec((_RB, F), lambda i: (i, 0)),
        pl.BlockSpec((F, F), lambda i: (0, 0)),
        pl.BlockSpec((F, 1), lambda i: (0, 0)),
        pl.BlockSpec((F, 1), lambda i: (0, 0)),
    ],
    out_specs=[
        pl.BlockSpec((_RB, F), lambda i: (i, 0)),
        pl.BlockSpec((_RB, 1), lambda i: (i, 0)),
        pl.BlockSpec((_RB, 1), lambda i: (i, 0)),
        pl.BlockSpec((1, 1), lambda i: (0, 0), memory_space=pltpu.SMEM),
        pl.BlockSpec((1, 1), lambda i: (0, 0), memory_space=pltpu.SMEM),
    ],
    out_shape=[
        jax.ShapeDtypeStruct((N, F), jnp.float32),
        jax.ShapeDtypeStruct((N, 1), jnp.float32),
        jax.ShapeDtypeStruct((N, 1), jnp.float32),
        jax.ShapeDtypeStruct((1, 1), jnp.float32),
        jax.ShapeDtypeStruct((1, 1), jnp.float32),
    ],
)



def _edges_body(src_hbm, dst_hbm, s1_hbm, s2_hbm, m_hbm, h_hbm, z_hbm,
                num_hbm, den_hbm,
                src0, dst0, src1, dst1, src2, dst2, s1_v, s2_v, m_v,
                hbuf0, hbuf1, hbuf2, wbuf, den_v, acc,
                sem_g0, sem_g1, sem_g2, sem_s0, sem_s1, sem_s2):
    cid = lax.axis_index("c")
    sid = lax.axis_index("s")
    wid = sid * NC + cid
    lane = lax.iota(jnp.int32, 16)
    zi16 = jnp.zeros((16,), jnp.int32)
    zf16 = jnp.zeros((16,), jnp.float32)

    pltpu.sync_copy(s1_hbm, s1_v)
    pltpu.sync_copy(s2_hbm, s2_v)
    pltpu.sync_copy(m_hbm, m_v)
    mvec = m_v[...]

    @pl.loop(0, NPAD // 16)
    def _zden(j):
        plsc.store_scatter(den_v, [j * 16 + lane], zf16)

    pltpu.sync_copy(z_hbm, hbuf0)
    zbase = sid * STRIPE
    for q in range(STRIPE // CH):
        pltpu.sync_copy(hbuf0, acc.at[pl.ds(zbase + q * CH, CH)])
    _rem = STRIPE % CH
    if _rem:
        pltpu.sync_copy(hbuf0.at[pl.ds(0, _rem)],
                        acc.at[pl.ds(zbase + (STRIPE // CH) * CH, _rem)])
    plsc.subcore_barrier()

    def _compute(src_v, dst_v, hb):
        @plsc.parallel_loop(0, CH // 16, unroll=3)
        def _wgrp(t):
            si = plsc.load_gather(src_v, [zi16, t * 16 + lane])
            di = plsc.load_gather(dst_v, [zi16, t * 16 + lane])
            l = plsc.load_gather(s1_v, [si]) + plsc.load_gather(s2_v, [di])
            l = jnp.where(l > 0.0, l, ALPHA * l)
            plsc.store_scatter(wbuf, [t * 16 + lane], jnp.exp(l - mvec))

        @plsc.parallel_loop(0, CH, unroll=8)
        def _erow(j):
            jv = zi16 + j
            wspl = plsc.load_gather(wbuf, [jv])
            for k in range(F // 16):
                v = plsc.load_gather(hb, [jv, k * 16 + lane])
                plsc.store_scatter(hb, [jv, k * 16 + lane], v * wspl)
            dj = plsc.load_gather(dst_v, [zi16, jv])
            plsc.addupdate_scatter(den_v, [dj], wspl, mask=lane == 0)

    bufs = ((src0, dst0, hbuf0, sem_g0, sem_s0),
            (src1, dst1, hbuf1, sem_g1, sem_s1),
            (src2, dst2, hbuf2, sem_g2, sem_s2))

    for b in range(2):
        sv, dv, hb, sg, _ = bufs[b]
        pltpu.sync_copy(src_hbm.at[wid, b], sv.at[0])
        pltpu.sync_copy(dst_hbm.at[wid, b], dv.at[0])
        pltpu.async_copy(h_hbm.at[sv.at[0]], hb, sg)

    @pl.loop(0, NCHUNK // 3)
    def _trip(t):
        for b in range(3):
            g = 3 * t + b
            sv, dv, hb, sg, ss = bufs[b]
            sv2, dv2, hb2, sg2, ss2 = bufs[(b + 2) % 3]
            pltpu.make_async_copy(h_hbm.at[sv.at[0]], hb, sg).wait()
            _compute(sv, dv, hb)
            pltpu.async_copy(hb, acc.at[dv.at[0]], ss, add=True)

            @pl.when(g + 2 < NCHUNK)
            def _():
                @pl.when(g > 0)
                def _():
                    pltpu.make_async_copy(hb2, acc.at[dv2.at[0]],
                                          ss2).wait()
                pltpu.sync_copy(src_hbm.at[wid, g + 2], sv2.at[0])
                pltpu.sync_copy(dst_hbm.at[wid, g + 2], dv2.at[0])
                pltpu.async_copy(h_hbm.at[sv2.at[0]], hb2, sg2)

    for g in (NCHUNK - 3, NCHUNK - 2, NCHUNK - 1):
        sv, dv, hb, _, ss = bufs[g % 3]
        pltpu.make_async_copy(hb, acc.at[dv.at[0]], ss).wait()

    plsc.subcore_barrier()
    pltpu.sync_copy(acc.at[pl.ds(zbase, STRIPE)],
                    num_hbm.at[cid, pl.ds(zbase, STRIPE)])
    pltpu.sync_copy(den_v, den_hbm.at[wid])


_edges = functools.partial(
    pl.kernel,
    out_type=[
        jax.ShapeDtypeStruct((NC, NPAD, F), jnp.float32),
        jax.ShapeDtypeStruct((NW, NPAD), jnp.float32),
    ],
    mesh=plsc.VectorSubcoreMesh(core_axis_name="c", subcore_axis_name="s"),
    compiler_params=pltpu.CompilerParams(needs_layout_passes=False),
    scratch_types=[
        pltpu.VMEM((1, CH), jnp.int32),
        pltpu.VMEM((1, CH), jnp.int32),
        pltpu.VMEM((1, CH), jnp.int32),
        pltpu.VMEM((1, CH), jnp.int32),
        pltpu.VMEM((1, CH), jnp.int32),
        pltpu.VMEM((1, CH), jnp.int32),
        pltpu.VMEM((NPAD,), jnp.float32),
        pltpu.VMEM((NPAD,), jnp.float32),
        pltpu.VMEM((16,), jnp.float32),
        pltpu.VMEM((CH, F), jnp.float32),
        pltpu.VMEM((CH, F), jnp.float32),
        pltpu.VMEM((CH, F), jnp.float32),
        pltpu.VMEM((CH,), jnp.float32),
        pltpu.VMEM((NPAD,), jnp.float32),
        pltpu.VMEM_SHARED((NPAD, F), jnp.float32),
        pltpu.SemaphoreType.DMA,
        pltpu.SemaphoreType.DMA,
        pltpu.SemaphoreType.DMA,
        pltpu.SemaphoreType.DMA,
        pltpu.SemaphoreType.DMA,
        pltpu.SemaphoreType.DMA,
    ],
)(_edges_body)



def _finish_body(num_ref, den_ref, o_ref):
    num = num_ref[0] + num_ref[1]
    den = jnp.sum(den_ref[...], axis=1)
    r = num / (den[:, None] + 1e-16)
    o_ref[...] = jnp.where(r > 0.0, r, jnp.exp(jnp.minimum(r, 0.0)) - 1.0)


_CB = 1000

_finish = pl.pallas_call(
    _finish_body,
    grid=(N // _CB,),
    in_specs=[
        pl.BlockSpec((NC, _CB, F), lambda i: (0, i, 0)),
        pl.BlockSpec((_CB, NW), lambda i: (i, 0)),
    ],
    out_specs=pl.BlockSpec((_CB, F), lambda i: (i, 0)),
    out_shape=jax.ShapeDtypeStruct((N, F), jnp.float32),
)



def kernel(x, edge_index, W, a):
    h, s1, s2, m1, m2 = _dense(x, W.T, a[:F], a[F:])
    mtot = m1[0, 0] + m2[0, 0]
    bound = jnp.where(mtot > 0.0, mtot, ALPHA * mtot)
    mvec = jnp.full((16,), bound, jnp.float32)

    src = edge_index[0]
    dst = edge_index[1]
    pad = EPAD - E
    srcp = jnp.concatenate([src, jnp.zeros((pad,), jnp.int32)]).reshape(
        NW, NCHUNK, CH)
    dstp = jnp.concatenate([dst, jnp.full((pad,), N, jnp.int32)]).reshape(
        NW, NCHUNK, CH)
    spad = jnp.zeros((NPAD - N,), jnp.float32)
    s1p = jnp.concatenate([s1.reshape(N), spad])
    s2p = jnp.concatenate([s2.reshape(N), spad])
    zeros = jnp.zeros((CH, F), jnp.float32)

    num, den = _edges(srcp, dstp, s1p, s2p, mvec, h, zeros)
    return _finish(num, den.T)

# --- scband reference (transcript-rebuilt; emitter-appended) ---
"""Pipeline reference for scband-gatlayer-22153441313024 (READ-ONLY COPY).

The authoritative reference and input builder live on the scoring server;
editing this copy changes nothing except your own understanding.
"""

import jax, jax.numpy as jnp
import numpy as np

N = 10000
E = 320000
IN_F = 128
OUT_F = 128
ALPHA = 0.2


def setup_inputs(seed: int = 0) -> dict:
    key = jax.random.key(seed)
    k1, k2, k3, k4 = jax.random.split(key, 4)
    x = jax.random.normal(k1, (N, IN_F), dtype=jnp.float32)
    edge_index = jax.random.randint(k2, (2, E), 0, N).astype(jnp.int32)
    # Xavier-uniform style init for W (shape [out, in], torch Linear convention)
    limit_w = np.sqrt(6.0 / (IN_F + OUT_F))
    W = jax.random.uniform(k3, (OUT_F, IN_F), dtype=jnp.float32, minval=-limit_w, maxval=limit_w)
    limit_a = 1.414 * np.sqrt(6.0 / (2 * OUT_F + 1))
    a = jax.random.uniform(k4, (2 * OUT_F, 1), dtype=jnp.float32, minval=-limit_a, maxval=limit_a)
    return {"x": x, "edge_index": edge_index, "W": W, "a": a}


def reference(x, edge_index, W, a):
    # Linear transform (no bias)
    h = x @ W.T
    src = edge_index[0]
    dst = edge_index[1]
    h_src = h[src]
    h_dst = h[dst]
    # attention logits: LeakyReLU(a^T [h_i || h_j])
    e = (jnp.concatenate([h_src, h_dst], axis=1) @ a)[:, 0]
    e = jnp.where(e > 0, e, ALPHA * e)
    # softmax per target node (numerically stable)
    max_s = jax.ops.segment_max(e, dst, num_segments=N)
    max_s = jnp.where(jnp.isneginf(max_s), 0.0, max_s)
    exp_s = jnp.exp(e - max_s[dst])
    sum_s = jax.ops.segment_sum(exp_s, dst, num_segments=N)
    attention = exp_s / (sum_s[dst] + 1e-16)
    # dropout rate is 0.0 -> identity
    weighted = h[src] * attention[:, None]
    h_prime = jax.ops.segment_sum(weighted, dst, num_segments=N)
    # concat=True -> ELU activation
    return jax.nn.elu(h_prime)

if __name__ == "__main__":
    import jax
    _d = setup_inputs()
    print(jax.jit(kernel)(*tuple(_d.values())))

</pallas_src>

<mosaic_0001>
#map = affine_map<(d0, d1) -> (0, 0, 0)>
#map1 = affine_map<(d0, d1) -> (0)>
#map2 = affine_map<(d0, d1) -> (0, 0)>
module attributes {stable_mosaic.version = 14 : i64} {
  func.func @_edges_body(%arg0: i32, %arg1: i32, %arg2: memref<32x210x48xi32, #tpu.memory_space<hbm>>, %arg3: memref<32x210x48xi32, #tpu.memory_space<hbm>>, %arg4: memref<10112xf32, #tpu.memory_space<hbm>>, %arg5: memref<10112xf32, #tpu.memory_space<hbm>>, %arg6: memref<16xf32, #tpu.memory_space<hbm>>, %arg7: memref<10000x128xf32, #tpu.memory_space<hbm>>, %arg8: memref<48x128xf32, #tpu.memory_space<hbm>>, %arg9: memref<2x10112x128xf32, #tpu.memory_space<hbm>>, %arg10: memref<32x10112xf32, #tpu.memory_space<hbm>>, %arg11: memref<1x48xi32, #tpu.memory_space<vmem>>, %arg12: memref<1x48xi32, #tpu.memory_space<vmem>>, %arg13: memref<1x48xi32, #tpu.memory_space<vmem>>, %arg14: memref<1x48xi32, #tpu.memory_space<vmem>>, %arg15: memref<1x48xi32, #tpu.memory_space<vmem>>, %arg16: memref<1x48xi32, #tpu.memory_space<vmem>>, %arg17: memref<10112xf32, #tpu.memory_space<vmem>>, %arg18: memref<10112xf32, #tpu.memory_space<vmem>>, %arg19: memref<16xf32, #tpu.memory_space<vmem>>, %arg20: memref<48x128xf32, #tpu.memory_space<vmem>>, %arg21: memref<48x128xf32, #tpu.memory_space<vmem>>, %arg22: memref<48x128xf32, #tpu.memory_space<vmem>>, %arg23: memref<48xf32, #tpu.memory_space<vmem>>, %arg24: memref<10112xf32, #tpu.memory_space<vmem>>, %arg25: memref<10112x128xf32, #tpu.memory_space<vmem_shared>>, %arg26: memref<!tpu.dma_semaphore, #tpu.memory_space<semaphore_mem>>, %arg27: memref<!tpu.dma_semaphore, #tpu.memory_space<semaphore_mem>>, %arg28: memref<!tpu.dma_semaphore, #tpu.memory_space<semaphore_mem>>, %arg29: memref<!tpu.dma_semaphore, #tpu.memory_space<semaphore_mem>>, %arg30: memref<!tpu.dma_semaphore, #tpu.memory_space<semaphore_mem>>, %arg31: memref<!tpu.dma_semaphore, #tpu.memory_space<semaphore_mem>>) attributes {dimension_semantics = [#tpu.dimension_semantics<core_parallel>, #tpu.dimension_semantics<subcore_parallel>], iteration_bounds = array<i64: 2, 16>, scalar_prefetch = 0 : i64, scratch_operands = 21 : i64, tpu.core_type = #tpu.core_type<sc_vector_subcore>, window_params = [{transform_indices = #map}, {transform_indices = #map}, {transform_indices = #map1}, {transform_indices = #map1}, {transform_indices = #map1}, {transform_indices = #map2}, {transform_indices = #map2}, {transform_indices = #map}, {transform_indices = #map2}]} {
    %mul3A = arith.constant 2 : i32
    %mul3A_0 = arith.muli %arg1, %mul3A : i32
    %add3A = arith.addi %mul3A_0, %arg0 : i32
    %iota3A = tpu.iota {dimensions = array<i32: 0>} : vector<16xi32>
    %broadcast_in_dim3A = arith.constant 0 : i32
    %broadcast_in_dim3A_1 = vector.broadcast %broadcast_in_dim3A : i32 to vector<16xi32>
    %broadcast_in_dim3A_2 = arith.constant 0.000000e+00 : f32
    %broadcast_in_dim3A_3 = vector.broadcast %broadcast_in_dim3A_2 : f32 to vector<16xf32>
    "tpu.region"() ({
      %run_scoped3A_85 = tpu.sem_alloc : memref<!tpu.dma_semaphore, #tpu.memory_space<semaphore_mem>>
      tpu.enqueue_dma source(%arg4 : memref<10112xf32, #tpu.memory_space<hbm>>) target(%arg17 : memref<10112xf32, #tpu.memory_space<vmem>>) target_semaphore(%run_scoped3A_85 : memref<!tpu.dma_semaphore, #tpu.memory_space<semaphore_mem>>)
      tpu.wait_dma2 semaphore(%run_scoped3A_85 : memref<!tpu.dma_semaphore, #tpu.memory_space<semaphore_mem>>) src(%arg4 : memref<10112xf32, #tpu.memory_space<hbm>>) dst(%arg17 : memref<10112xf32, #tpu.memory_space<vmem>>)
      tpu.yield
    }) : () -> ()
    "tpu.region"() ({
      %run_scoped3A_85 = tpu.sem_alloc : memref<!tpu.dma_semaphore, #tpu.memory_space<semaphore_mem>>
      tpu.enqueue_dma source(%arg5 : memref<10112xf32, #tpu.memory_space<hbm>>) target(%arg18 : memref<10112xf32, #tpu.memory_space<vmem>>) target_semaphore(%run_scoped3A_85 : memref<!tpu.dma_semaphore, #tpu.memory_space<semaphore_mem>>)
      tpu.wait_dma2 semaphore(%run_scoped3A_85 : memref<!tpu.dma_semaphore, #tpu.memory_space<semaphore_mem>>) src(%arg5 : memref<10112xf32, #tpu.memory_space<hbm>>) dst(%arg18 : memref<10112xf32, #tpu.memory_space<vmem>>)
      tpu.yield
    }) : () -> ()
    "tpu.region"() ({
      %run_scoped3A_85 = tpu.sem_alloc : memref<!tpu.dma_semaphore, #tpu.memory_space<semaphore_mem>>
      tpu.enqueue_dma source(%arg6 : memref<16xf32, #tpu.memory_space<hbm>>) target(%arg19 : memref<16xf32, #tpu.memory_space<vmem>>) target_semaphore(%run_scoped3A_85 : memref<!tpu.dma_semaphore, #tpu.memory_space<semaphore_mem>>)
      tpu.wait_dma2 semaphore(%run_scoped3A_85 : memref<!tpu.dma_semaphore, #tpu.memory_space<semaphore_mem>>) src(%arg6 : memref<16xf32, #tpu.memory_space<hbm>>) dst(%arg19 : memref<16xf32, #tpu.memory_space<vmem>>)
      tpu.yield
    }) : () -> ()
    %get3A = arith.constant 0 : index
    %get3A_4 = tpu.vector_load %arg19[%get3A] {strides = array<i32>} : memref<16xf32, #tpu.memory_space<vmem>>, vector<16xf32>,
    %scan3A = arith.constant 0 : i32
    %scan3A_5 = arith.constant 632 : i32
    %scan3A_6 = arith.addi %scan3A, %scan3A_5 : i32
    %scan3A_7 = arith.constant 1 : i32
    scf.for %scan3A_85 = %scan3A to %scan3A_6 step %scan3A_7  : i32 {
      %mul3A_86 = arith.constant 1 : i32
      %mul3A_87 = arith.muli %scan3A_85, %mul3A_86 : i32
      %add3A_88 = arith.constant 0 : i32
      %add3A_89 = arith.addi %add3A_88, %mul3A_87 : i32
      %mul3A_90 = arith.constant 16 : i32
      %mul3A_91 = arith.muli %add3A_89, %mul3A_90 : i32
      %add3A_92 = vector.broadcast %mul3A_91 : i32 to vector<16xi32>
      %add3A_93 = arith.addi %add3A_92, %iota3A : vector<16xi32>
      tpu.vector_store_idx %arg24[%add3A_93], %broadcast_in_dim3A_3 : memref<10112xf32, #tpu.memory_space<vmem>>[vector<16xi32>], vector<16xf32>,
    }
    %scan3A_8 = arith.constant 632 : i32
    "tpu.region"() ({
      %run_scoped3A_85 = tpu.sem_alloc : memref<!tpu.dma_semaphore, #tpu.memory_space<semaphore_mem>>
      tpu.enqueue_dma source(%arg8 : memref<48x128xf32, #tpu.memory_space<hbm>>) target(%arg20 : memref<48x128xf32, #tpu.memory_space<vmem>>) target_semaphore(%run_scoped3A_85 : memref<!tpu.dma_semaphore, #tpu.memory_space<semaphore_mem>>)
      tpu.wait_dma2 semaphore(%run_scoped3A_85 : memref<!tpu.dma_semaphore, #tpu.memory_space<semaphore_mem>>) src(%arg8 : memref<48x128xf32, #tpu.memory_space<hbm>>) dst(%arg20 : memref<48x128xf32, #tpu.memory_space<vmem>>)
      tpu.yield
    }) : () -> ()
    %mul3A_9 = arith.constant 632 : i32
    %mul3A_10 = arith.muli %arg1, %mul3A_9 : i32
    %add3A_11 = arith.constant 0 : i32
    %add3A_12 = arith.addi %mul3A_10, %add3A_11 : i32
    "tpu.region"() ({
      %run_scoped3A_85 = tpu.sem_alloc : memref<!tpu.dma_semaphore, #tpu.memory_space<semaphore_mem>>
      %dma_start3A_86 = arith.constant 0 : i32
      %dma_start3A_87 = tpu.memref_slice %arg25[%add3A_12, %dma_start3A_86] : memref<10112x128xf32, #tpu.memory_space<vmem_shared>> -> memref<48x128xf32, #tpu.memory_space<vmem_shared>>
      %dma_start3A_88 = arith.constant 0 : i32
      %dma_start3A_89 = tpu.memref_slice %arg25[%add3A_12, %dma_start3A_88] : memref<10112x128xf32, #tpu.memory_space<vmem_shared>> -> memref<48x128xf32, #tpu.memory_space<vmem_shared>>
      tpu.enqueue_dma source(%arg20 : memref<48x128xf32, #tpu.memory_space<vmem>>) target(%dma_start3A_89 : memref<48x128xf32, #tpu.memory_space<vmem_shared>>) target_semaphore(%run_scoped3A_85 : memref<!tpu.dma_semaphore, #tpu.memory_space<semaphore_mem>>)
      %dma_wait3A_90 = arith.constant 0 : i32
      %dma_wait3A_91 = tpu.memref_slice %arg25[%add3A_12, %dma_wait3A_90] : memref<10112x128xf32, #tpu.memory_space<vmem_shared>> -> memref<48x128xf32, #tpu.memory_space<vmem_shared>>
      %dma_wait3A_92 = arith.constant 0 : i32
      %dma_wait3A_93 = tpu.memref_slice %arg25[%add3A_12, %dma_wait3A_92] : memref<10112x128xf32, #tpu.memory_space<vmem_shared>> -> memref<48x128xf32, #tpu.memory_space<vmem_shared>>
      tpu.wait_dma2 semaphore(%run_scoped3A_85 : memref<!tpu.dma_semaphore, #tpu.memory_space<semaphore_mem>>) src(%arg20 : memref<48x128xf32, #tpu.memory_space<vmem>>) dst(%dma_wait3A_93 : memref<48x128xf32, #tpu.memory_space<vmem_shared>>)
      tpu.yield
    }) : () -> ()
    %add3A_13 = arith.constant 48 : i32
    %add3A_14 = arith.addi %mul3A_10, %add3A_13 : i32
    "tpu.region"() ({
      %run_scoped3A_85 = tpu.sem_alloc : memref<!tpu.dma_semaphore, #tpu.memory_space<semaphore_mem>>
      %dma_start3A_86 = arith.constant 0 : i32
      %dma_start3A_87 = tpu.memref_slice %arg25[%add3A_14, %dma_start3A_86] : memref<10112x128xf32, #tpu.memory_space<vmem_shared>> -> memref<48x128xf32, #tpu.memory_space<vmem_shared>>
      %dma_start3A_88 = arith.constant 0 : i32
      %dma_start3A_89 = tpu.memref_slice %arg25[%add3A_14, %dma_start3A_88] : memref<10112x128xf32, #tpu.memory_space<vmem_shared>> -> memref<48x128xf32, #tpu.memory_space<vmem_shared>>
      tpu.enqueue_dma source(%arg20 : memref<48x128xf32, #tpu.memory_space<vmem>>) target(%dma_start3A_89 : memref<48x128xf32, #tpu.memory_space<vmem_shared>>) target_semaphore(%run_scoped3A_85 : memref<!tpu.dma_semaphore, #tpu.memory_space<semaphore_mem>>)
      %dma_wait3A_90 = arith.constant 0 : i32
      %dma_wait3A_91 = tpu.memref_slice %arg25[%add3A_14, %dma_wait3A_90] : memref<10112x128xf32, #tpu.memory_space<vmem_shared>> -> memref<48x128xf32, #tpu.memory_space<vmem_shared>>
      %dma_wait3A_92 = arith.constant 0 : i32
      %dma_wait3A_93 = tpu.memref_slice %arg25[%add3A_14, %dma_wait3A_92] : memref<10112x128xf32, #tpu.memory_space<vmem_shared>> -> memref<48x128xf32, #tpu.memory_space<vmem_shared>>
      tpu.wait_dma2 semaphore(%run_scoped3A_85 : memref<!tpu.dma_semaphore, #tpu.memory_space<semaphore_mem>>) src(%arg20 : memref<48x128xf32, #tpu.memory_space<vmem>>) dst(%dma_wait3A_93 : memref<48x128xf32, #tpu.memory_space<vmem_shared>>)
      tpu.yield
    }) : () -> ()
    %add3A_15 = arith.constant 96 : i32
    %add3A_16 = arith.addi %mul3A_10, %add3A_15 : i32
    "tpu.region"() ({
      %run_scoped3A_85 = tpu.sem_alloc : memref<!tpu.dma_semaphore, #tpu.memory_space<semaphore_mem>>
      %dma_start3A_86 = arith.constant 0 : i32
      %dma_start3A_87 = tpu.memref_slice %arg25[%add3A_16, %dma_start3A_86] : memref<10112x128xf32, #tpu.memory_space<vmem_shared>> -> memref<48x128xf32, #tpu.memory_space<vmem_shared>>
      %dma_start3A_88 = arith.constant 0 : i32
      %dma_start3A_89 = tpu.memref_slice %arg25[%add3A_16, %dma_start3A_88] : memref<10112x128xf32, #tpu.memory_space<vmem_shared>> -> memref<48x128xf32, #tpu.memory_space<vmem_shared>>
      tpu.enqueue_dma source(%arg20 : memref<48x128xf32, #tpu.memory_space<vmem>>) target(%dma_start3A_89 : memref<48x128xf32, #tpu.memory_space<vmem_shared>>) target_semaphore(%run_scoped3A_85 : memref<!tpu.dma_semaphore, #tpu.memory_space<semaphore_mem>>)
      %dma_wait3A_90 = arith.constant 0 : i32
      %dma_wait3A_91 = tpu.memref_slice %arg25[%add3A_16, %dma_wait3A_90] : memref<10112x128xf32, #tpu.memory_space<vmem_shared>> -> memref<48x128xf32, #tpu.memory_space<vmem_shared>>
      %dma_wait3A_92 = arith.constant 0 : i32
      %dma_wait3A_93 = tpu.memref_slice %arg25[%add3A_16, %dma_wait3A_92] : memref<10112x128xf32, #tpu.memory_space<vmem_shared>> -> memref<48x128xf32, #tpu.memory_space<vmem_shared>>
      tpu.wait_dma2 semaphore(%run_scoped3A_85 : memref<!tpu.dma_semaphore, #tpu.memory_space<semaphore_mem>>) src(%arg20 : memref<48x128xf32, #tpu.memory_space<vmem>>) dst(%dma_wait3A_93 : memref<48x128xf32, #tpu.memory_space<vmem_shared>>)
      tpu.yield
    }) : () -> ()
    %add3A_17 = arith.constant 144 : i32
    %add3A_18 = arith.addi %mul3A_10, %add3A_17 : i32
    "tpu.region"() ({
      %run_scoped3A_85 = tpu.sem_alloc : memref<!tpu.dma_semaphore, #tpu.memory_space<semaphore_mem>>
      %dma_start3A_86 = arith.constant 0 : i32
      %dma_start3A_87 = tpu.memref_slice %arg25[%add3A_18, %dma_start3A_86] : memref<10112x128xf32, #tpu.memory_space<vmem_shared>> -> memref<48x128xf32, #tpu.memory_space<vmem_shared>>
      %dma_start3A_88 = arith.constant 0 : i32
      %dma_start3A_89 = tpu.memref_slice %arg25[%add3A_18, %dma_start3A_88] : memref<10112x128xf32, #tpu.memory_space<vmem_shared>> -> memref<48x128xf32, #tpu.memory_space<vmem_shared>>
      tpu.enqueue_dma source(%arg20 : memref<48x128xf32, #tpu.memory_space<vmem>>) target(%dma_start3A_89 : memref<48x128xf32, #tpu.memory_space<vmem_shared>>) target_semaphore(%run_scoped3A_85 : memref<!tpu.dma_semaphore, #tpu.memory_space<semaphore_mem>>)
      %dma_wait3A_90 = arith.constant 0 : i32
      %dma_wait3A_91 = tpu.memref_slice %arg25[%add3A_18, %dma_wait3A_90] : memref<10112x128xf32, #tpu.memory_space<vmem_shared>> -> memref<48x128xf32, #tpu.memory_space<vmem_shared>>
      %dma_wait3A_92 = arith.constant 0 : i32
      %dma_wait3A_93 = tpu.memref_slice %arg25[%add3A_18, %dma_wait3A_92] : memref<10112x128xf32, #tpu.memory_space<vmem_shared>> -> memref<48x128xf32, #tpu.memory_space<vmem_shared>>
      tpu.wait_dma2 semaphore(%run_scoped3A_85 : memref<!tpu.dma_semaphore, #tpu.memory_space<semaphore_mem>>) src(%arg20 : memref<48x128xf32, #tpu.memory_space<vmem>>) dst(%dma_wait3A_93 : memref<48x128xf32, #tpu.memory_space<vmem_shared>>)
      tpu.yield
    }) : () -> ()
    %add3A_19 = arith.constant 192 : i32
    %add3A_20 = arith.addi %mul3A_10, %add3A_19 : i32
    "tpu.region"() ({
      %run_scoped3A_85 = tpu.sem_alloc : memref<!tpu.dma_semaphore, #tpu.memory_space<semaphore_mem>>
      %dma_start3A_86 = arith.constant 0 : i32
      %dma_start3A_87 = tpu.memref_slice %arg25[%add3A_20, %dma_start3A_86] : memref<10112x128xf32, #tpu.memory_space<vmem_shared>> -> memref<48x128xf32, #tpu.memory_space<vmem_shared>>
      %dma_start3A_88 = arith.constant 0 : i32
      %dma_start3A_89 = tpu.memref_slice %arg25[%add3A_20, %dma_start3A_88] : memref<10112x128xf32, #tpu.memory_space<vmem_shared>> -> memref<48x128xf32, #tpu.memory_space<vmem_shared>>
      tpu.enqueue_dma source(%arg20 : memref<48x128xf32, #tpu.memory_space<vmem>>) target(%dma_start3A_89 : memref<48x128xf32, #tpu.memory_space<vmem_shared>>) target_semaphore(%run_scoped3A_85 : memref<!tpu.dma_semaphore, #tpu.memory_space<semaphore_mem>>)
      %dma_wait3A_90 = arith.constant 0 : i32
      %dma_wait3A_91 = tpu.memref_slice %arg25[%add3A_20, %dma_wait3A_90] : memref<10112x128xf32, #tpu.memory_space<vmem_shared>> -> memref<48x128xf32, #tpu.memory_space<vmem_shared>>
      %dma_wait3A_92 = arith.constant 0 : i32
      %dma_wait3A_93 = tpu.memref_slice %arg25[%add3A_20, %dma_wait3A_92] : memref<10112x128xf32, #tpu.memory_space<vmem_shared>> -> memref<48x128xf32, #tpu.memory_space<vmem_shared>>
      tpu.wait_dma2 semaphore(%run_scoped3A_85 : memref<!tpu.dma_semaphore, #tpu.memory_space<semaphore_mem>>) src(%arg20 : memref<48x128xf32, #tpu.memory_space<vmem>>) dst(%dma_wait3A_93 : memref<48x128xf32, #tpu.memory_space<vmem_shared>>)
      tpu.yield
    }) : () -> ()
    %add3A_21 = arith.constant 240 : i32
    %add3A_22 = arith.addi %mul3A_10, %add3A_21 : i32
    "tpu.region"() ({
      %run_scoped3A_85 = tpu.sem_alloc : memref<!tpu.dma_semaphore, #tpu.memory_space<semaphore_mem>>
      %dma_start3A_86 = arith.constant 0 : i32
      %dma_start3A_87 = tpu.memref_slice %arg25[%add3A_22, %dma_start3A_86] : memref<10112x128xf32, #tpu.memory_space<vmem_shared>> -> memref<48x128xf32, #tpu.memory_space<vmem_shared>>
      %dma_start3A_88 = arith.constant 0 : i32
      %dma_start3A_89 = tpu.memref_slice %arg25[%add3A_22, %dma_start3A_88] : memref<10112x128xf32, #tpu.memory_space<vmem_shared>> -> memref<48x128xf32, #tpu.memory_space<vmem_shared>>
      tpu.enqueue_dma source(%arg20 : memref<48x128xf32, #tpu.memory_space<vmem>>) target(%dma_start3A_89 : memref<48x128xf32, #tpu.memory_space<vmem_shared>>) target_semaphore(%run_scoped3A_85 : memref<!tpu.dma_semaphore, #tpu.memory_space<semaphore_mem>>)
      %dma_wait3A_90 = arith.constant 0 : i32
      %dma_wait3A_91 = tpu.memref_slice %arg25[%add3A_22, %dma_wait3A_90] : memref<10112x128xf32, #tpu.memory_space<vmem_shared>> -> memref<48x128xf32, #tpu.memory_space<vmem_shared>>
      %dma_wait3A_92 = arith.constant 0 : i32
      %dma_wait3A_93 = tpu.memref_slice %arg25[%add3A_22, %dma_wait3A_92] : memref<10112x128xf32, #tpu.memory_space<vmem_shared>> -> memref<48x128xf32, #tpu.memory_space<vmem_shared>>
      tpu.wait_dma2 semaphore(%run_scoped3A_85 : memref<!tpu.dma_semaphore, #tpu.memory_space<semaphore_mem>>) src(%arg20 : memref<48x128xf32, #tpu.memory_space<vmem>>) dst(%dma_wait3A_93 : memref<48x128xf32, #tpu.memory_space<vmem_shared>>)
      tpu.yield
    }) : () -> ()
    %add3A_23 = arith.constant 288 : i32
    %add3A_24 = arith.addi %mul3A_10, %add3A_23 : i32
    "tpu.region"() ({
      %run_scoped3A_85 = tpu.sem_alloc : memref<!tpu.dma_semaphore, #tpu.memory_space<semaphore_mem>>
      %dma_start3A_86 = arith.constant 0 : i32
      %dma_start3A_87 = tpu.memref_slice %arg25[%add3A_24, %dma_start3A_86] : memref<10112x128xf32, #tpu.memory_space<vmem_shared>> -> memref<48x128xf32, #tpu.memory_space<vmem_shared>>
      %dma_start3A_88 = arith.constant 0 : i32
      %dma_start3A_89 = tpu.memref_slice %arg25[%add3A_24, %dma_start3A_88] : memref<10112x128xf32, #tpu.memory_space<vmem_shared>> -> memref<48x128xf32, #tpu.memory_space<vmem_shared>>
      tpu.enqueue_dma source(%arg20 : memref<48x128xf32, #tpu.memory_space<vmem>>) target(%dma_start3A_89 : memref<48x128xf32, #tpu.memory_space<vmem_shared>>) target_semaphore(%run_scoped3A_85 : memref<!tpu.dma_semaphore, #tpu.memory_space<semaphore_mem>>)
      %dma_wait3A_90 = arith.constant 0 : i32
      %dma_wait3A_91 = tpu.memref_slice %arg25[%add3A_24, %dma_wait3A_90] : memref<10112x128xf32, #tpu.memory_space<vmem_shared>> -> memref<48x128xf32, #tpu.memory_space<vmem_shared>>
      %dma_wait3A_92 = arith.constant 0 : i32
      %dma_wait3A_93 = tpu.memref_slice %arg25[%add3A_24, %dma_wait3A_92] : memref<10112x128xf32, #tpu.memory_space<vmem_shared>> -> memref<48x128xf32, #tpu.memory_space<vmem_shared>>
      tpu.wait_dma2 semaphore(%run_scoped3A_85 : memref<!tpu.dma_semaphore, #tpu.memory_space<semaphore_mem>>) src(%arg20 : memref<48x128xf32, #tpu.memory_space<vmem>>) dst(%dma_wait3A_93 : memref<48x128xf32, #tpu.memory_space<vmem_shared>>)
      tpu.yield
    }) : () -> ()
    %add3A_25 = arith.constant 336 : i32
    %add3A_26 = arith.addi %mul3A_10, %add3A_25 : i32
    "tpu.region"() ({
      %run_scoped3A_85 = tpu.sem_alloc : memref<!tpu.dma_semaphore, #tpu.memory_space<semaphore_mem>>
      %dma_start3A_86 = arith.constant 0 : i32
      %dma_start3A_87 = tpu.memref_slice %arg25[%add3A_26, %dma_start3A_86] : memref<10112x128xf32, #tpu.memory_space<vmem_shared>> -> memref<48x128xf32, #tpu.memory_space<vmem_shared>>
      %dma_start3A_88 = arith.constant 0 : i32
      %dma_start3A_89 = tpu.memref_slice %arg25[%add3A_26, %dma_start3A_88] : memref<10112x128xf32, #tpu.memory_space<vmem_shared>> -> memref<48x128xf32, #tpu.memory_space<vmem_shared>>
      tpu.enqueue_dma source(%arg20 : memref<48x128xf32, #tpu.memory_space<vmem>>) target(%dma_start3A_89 : memref<48x128xf32, #tpu.memory_space<vmem_shared>>) target_semaphore(%run_scoped3A_85 : memref<!tpu.dma_semaphore, #tpu.memory_space<semaphore_mem>>)
      %dma_wait3A_90 = arith.constant 0 : i32
      %dma_wait3A_91 = tpu.memref_slice %arg25[%add3A_26, %dma_wait3A_90] : memref<10112x128xf32, #tpu.memory_space<vmem_shared>> -> memref<48x128xf32, #tpu.memory_space<vmem_shared>>
      %dma_wait3A_92 = arith.constant 0 : i32
      %dma_wait3A_93 = tpu.memref_slice %arg25[%add3A_26, %dma_wait3A_92] : memref<10112x128xf32, #tpu.memory_space<vmem_shared>> -> memref<48x128xf32, #tpu.memory_space<vmem_shared>>
      tpu.wait_dma2 semaphore(%run_scoped3A_85 : memref<!tpu.dma_semaphore, #tpu.memory_space<semaphore_mem>>) src(%arg20 : memref<48x128xf32, #tpu.memory_space<vmem>>) dst(%dma_wait3A_93 : memref<48x128xf32, #tpu.memory_space<vmem_shared>>)
      tpu.yield
    }) : () -> ()
    %add3A_27 = arith.constant 384 : i32
    %add3A_28 = arith.addi %mul3A_10, %add3A_27 : i32
    "tpu.region"() ({
      %run_scoped3A_85 = tpu.sem_alloc : memref<!tpu.dma_semaphore, #tpu.memory_space<semaphore_mem>>
      %dma_start3A_86 = arith.constant 0 : i32
      %dma_start3A_87 = tpu.memref_slice %arg25[%add3A_28, %dma_start3A_86] : memref<10112x128xf32, #tpu.memory_space<vmem_shared>> -> memref<48x128xf32, #tpu.memory_space<vmem_shared>>
      %dma_start3A_88 = arith.constant 0 : i32
      %dma_start3A_89 = tpu.memref_slice %arg25[%add3A_28, %dma_start3A_88] : memref<10112x128xf32, #tpu.memory_space<vmem_shared>> -> memref<48x128xf32, #tpu.memory_space<vmem_shared>>
      tpu.enqueue_dma source(%arg20 : memref<48x128xf32, #tpu.memory_space<vmem>>) target(%dma_start3A_89 : memref<48x128xf32, #tpu.memory_space<vmem_shared>>) target_semaphore(%run_scoped3A_85 : memref<!tpu.dma_semaphore, #tpu.memory_space<semaphore_mem>>)
      %dma_wait3A_90 = arith.constant 0 : i32
      %dma_wait3A_91 = tpu.memref_slice %arg25[%add3A_28, %dma_wait3A_90] : memref<10112x128xf32, #tpu.memory_space<vmem_shared>> -> memref<48x128xf32, #tpu.memory_space<vmem_shared>>
      %dma_wait3A_92 = arith.constant 0 : i32
      %dma_wait3A_93 = tpu.memref_slice %arg25[%add3A_28, %dma_wait3A_92] : memref<10112x128xf32, #tpu.memory_space<vmem_shared>> -> memref<48x128xf32, #tpu.memory_space<vmem_shared>>
      tpu.wait_dma2 semaphore(%run_scoped3A_85 : memref<!tpu.dma_semaphore, #tpu.memory_space<semaphore_mem>>) src(%arg20 : memref<48x128xf32, #tpu.memory_space<vmem>>) dst(%dma_wait3A_93 : memref<48x128xf32, #tpu.memory_space<vmem_shared>>)
      tpu.yield
    }) : () -> ()
    %add3A_29 = arith.constant 432 : i32
    %add3A_30 = arith.addi %mul3A_10, %add3A_29 : i32
    "tpu.region"() ({
      %run_scoped3A_85 = tpu.sem_alloc : memref<!tpu.dma_semaphore, #tpu.memory_space<semaphore_mem>>
      %dma_start3A_86 = arith.constant 0 : i32
      %dma_start3A_87 = tpu.memref_slice %arg25[%add3A_30, %dma_start3A_86] : memref<10112x128xf32, #tpu.memory_space<vmem_shared>> -> memref<48x128xf32, #tpu.memory_space<vmem_shared>>
      %dma_start3A_88 = arith.constant 0 : i32
      %dma_start3A_89 = tpu.memref_slice %arg25[%add3A_30, %dma_start3A_88] : memref<10112x128xf32, #tpu.memory_space<vmem_shared>> -> memref<48x128xf32, #tpu.memory_space<vmem_shared>>
      tpu.enqueue_dma source(%arg20 : memref<48x128xf32, #tpu.memory_space<vmem>>) target(%dma_start3A_89 : memref<48x128xf32, #tpu.memory_space<vmem_shared>>) target_semaphore(%run_scoped3A_85 : memref<!tpu.dma_semaphore, #tpu.memory_space<semaphore_mem>>)
      %dma_wait3A_90 = arith.constant 0 : i32
      %dma_wait3A_91 = tpu.memref_slice %arg25[%add3A_30, %dma_wait3A_90] : memref<10112x128xf32, #tpu.memory_space<vmem_shared>> -> memref<48x128xf32, #tpu.memory_space<vmem_shared>>
      %dma_wait3A_92 = arith.constant 0 : i32
      %dma_wait3A_93 = tpu.memref_slice %arg25[%add3A_30, %dma_wait3A_92] : memref<10112x128xf32, #tpu.memory_space<vmem_shared>> -> memref<48x128xf32, #tpu.memory_space<vmem_shared>>
      tpu.wait_dma2 semaphore(%run_scoped3A_85 : memref<!tpu.dma_semaphore, #tpu.memory_space<semaphore_mem>>) src(%arg20 : memref<48x128xf32, #tpu.memory_space<vmem>>) dst(%dma_wait3A_93 : memref<48x128xf32, #tpu.memory_space<vmem_shared>>)
      tpu.yield
    }) : () -> ()
    %add3A_31 = arith.constant 480 : i32
    %add3A_32 = arith.addi %mul3A_10, %add3A_31 : i32
    "tpu.region"() ({
      %run_scoped3A_85 = tpu.sem_alloc : memref<!tpu.dma_semaphore, #tpu.memory_space<semaphore_mem>>
      %dma_start3A_86 = arith.constant 0 : i32
      %dma_start3A_87 = tpu.memref_slice %arg25[%add3A_32, %dma_start3A_86] : memref<10112x128xf32, #tpu.memory_space<vmem_shared>> -> memref<48x128xf32, #tpu.memory_space<vmem_shared>>
      %dma_start3A_88 = arith.constant 0 : i32
      %dma_start3A_89 = tpu.memref_slice %arg25[%add3A_32, %dma_start3A_88] : memref<10112x128xf32, #tpu.memory_space<vmem_shared>> -> memref<48x128xf32, #tpu.memory_space<vmem_shared>>
      tpu.enqueue_dma source(%arg20 : memref<48x128xf32, #tpu.memory_space<vmem>>) target(%dma_start3A_89 : memref<48x128xf32, #tpu.memory_space<vmem_shared>>) target_semaphore(%run_scoped3A_85 : memref<!tpu.dma_semaphore, #tpu.memory_space<semaphore_mem>>)
      %dma_wait3A_90 = arith.constant 0 : i32
      %dma_wait3A_91 = tpu.memref_slice %arg25[%add3A_32, %dma_wait3A_90] : memref<10112x128xf32, #tpu.memory_space<vmem_shared>> -> memref<48x128xf32, #tpu.memory_space<vmem_shared>>
      %dma_wait3A_92 = arith.constant 0 : i32
      %dma_wait3A_93 = tpu.memref_slice %arg25[%add3A_32, %dma_wait3A_92] : memref<10112x128xf32, #tpu.memory_space<vmem_shared>> -> memref<48x128xf32, #tpu.memory_space<vmem_shared>>
      tpu.wait_dma2 semaphore(%run_scoped3A_85 : memref<!tpu.dma_semaphore, #tpu.memory_space<semaphore_mem>>) src(%arg20 : memref<48x128xf32, #tpu.memory_space<vmem>>) dst(%dma_wait3A_93 : memref<48x128xf32, #tpu.memory_space<vmem_shared>>)
      tpu.yield
    }) : () -> ()
    %add3A_33 = arith.constant 528 : i32
    %add3A_34 = arith.addi %mul3A_10, %add3A_33 : i32
    "tpu.region"() ({
      %run_scoped3A_85 = tpu.sem_alloc : memref<!tpu.dma_semaphore, #tpu.memory_space<semaphore_mem>>
      %dma_start3A_86 = arith.constant 0 : i32
      %dma_start3A_87 = tpu.memref_slice %arg25[%add3A_34, %dma_start3A_86] : memref<10112x128xf32, #tpu.memory_space<vmem_shared>> -> memref<48x128xf32, #tpu.memory_space<vmem_shared>>
      %dma_start3A_88 = arith.constant 0 : i32
      %dma_start3A_89 = tpu.memref_slice %arg25[%add3A_34, %dma_start3A_88] : memref<10112x128xf32, #tpu.memory_space<vmem_shared>> -> memref<48x128xf32, #tpu.memory_space<vmem_shared>>
      tpu.enqueue_dma source(%arg20 : memref<48x128xf32, #tpu.memory_space<vmem>>) target(%dma_start3A_89 : memref<48x128xf32, #tpu.memory_space<vmem_shared>>) target_semaphore(%run_scoped3A_85 : memref<!tpu.dma_semaphore, #tpu.memory_space<semaphore_mem>>)
      %dma_wait3A_90 = arith.constant 0 : i32
      %dma_wait3A_91 = tpu.memref_slice %arg25[%add3A_34, %dma_wait3A_90] : memref<10112x128xf32, #tpu.memory_space<vmem_shared>> -> memref<48x128xf32, #tpu.memory_space<vmem_shared>>
      %dma_wait3A_92 = arith.constant 0 : i32
      %dma_wait3A_93 = tpu.memref_slice %arg25[%add3A_34, %dma_wait3A_92] : memref<10112x128xf32, #tpu.memory_space<vmem_shared>> -> memref<48x128xf32, #tpu.memory_space<vmem_shared>>
      tpu.wait_dma2 semaphore(%run_scoped3A_85 : memref<!tpu.dma_semaphore, #tpu.memory_space<semaphore_mem>>) src(%arg20 : memref<48x128xf32, #tpu.memory_space<vmem>>) dst(%dma_wait3A_93 : memref<48x128xf32, #tpu.memory_space<vmem_shared>>)
      tpu.yield
    }) : () -> ()
    %add3A_35 = arith.constant 576 : i32
    %add3A_36 = arith.addi %mul3A_10, %add3A_35 : i32
    "tpu.region"() ({
      %run_scoped3A_85 = tpu.sem_alloc : memref<!tpu.dma_semaphore, #tpu.memory_space<semaphore_mem>>
      %dma_start3A_86 = arith.constant 0 : i32
      %dma_start3A_87 = tpu.memref_slice %arg25[%add3A_36, %dma_start3A_86] : memref<10112x128xf32, #tpu.memory_space<vmem_shared>> -> memref<48x128xf32, #tpu.memory_space<vmem_shared>>
      %dma_start3A_88 = arith.constant 0 : i32
      %dma_start3A_89 = tpu.memref_slice %arg25[%add3A_36, %dma_start3A_88] : memref<10112x128xf32, #tpu.memory_space<vmem_shared>> -> memref<48x128xf32, #tpu.memory_space<vmem_shared>>
      tpu.enqueue_dma source(%arg20 : memref<48x128xf32, #tpu.memory_space<vmem>>) target(%dma_start3A_89 : memref<48x128xf32, #tpu.memory_space<vmem_shared>>) target_semaphore(%run_scoped3A_85 : memref<!tpu.dma_semaphore, #tpu.memory_space<semaphore_mem>>)
      %dma_wait3A_90 = arith.constant 0 : i32
      %dma_wait3A_91 = tpu.memref_slice %arg25[%add3A_36, %dma_wait3A_90] : memref<10112x128xf32, #tpu.memory_space<vmem_shared>> -> memref<48x128xf32, #tpu.memory_space<vmem_shared>>
      %dma_wait3A_92 = arith.constant 0 : i32
      %dma_wait3A_93 = tpu.memref_slice %arg25[%add3A_36, %dma_wait3A_92] : memref<10112x128xf32, #tpu.memory_space<vmem_shared>> -> memref<48x128xf32, #tpu.memory_space<vmem_shared>>
      tpu.wait_dma2 semaphore(%run_scoped3A_85 : memref<!tpu.dma_semaphore, #tpu.memory_space<semaphore_mem>>) src(%arg20 : memref<48x128xf32, #tpu.memory_space<vmem>>) dst(%dma_wait3A_93 : memref<48x128xf32, #tpu.memory_space<vmem_shared>>)
      tpu.yield
    }) : () -> ()
    %add3A_37 = arith.constant 624 : i32
    %add3A_38 = arith.addi %mul3A_10, %add3A_37 : i32
    "tpu.region"() ({
      %run_scoped3A_85 = tpu.sem_alloc : memref<!tpu.dma_semaphore, #tpu.memory_space<semaphore_mem>>
      %dma_start3A_86 = arith.constant 0 : i32
      %dma_start3A_87 = arith.constant 0 : i32
      %dma_start3A_88 = tpu.memref_slice %arg20[%dma_start3A_86, %dma_start3A_87] : memref<48x128xf32, #tpu.memory_space<vmem>> -> memref<8x128xf32, #tpu.memory_space<vmem>>
      %dma_start3A_89 = arith.constant 0 : i32
      %dma_start3A_90 = tpu.memref_slice %arg25[%add3A_38, %dma_start3A_89] : memref<10112x128xf32, #tpu.memory_space<vmem_shared>> -> memref<8x128xf32, #tpu.memory_space<vmem_shared>>
      %dma_start3A_91 = arith.constant 0 : i32
      %dma_start3A_92 = tpu.memref_slice %arg25[%add3A_38, %dma_start3A_91] : memref<10112x128xf32, #tpu.memory_space<vmem_shared>> -> memref<8x128xf32, #tpu.memory_space<vmem_shared>>
      %dma_start3A_93 = arith.constant 0 : i32
      %dma_start3A_94 = arith.constant 0 : i32
      %dma_start3A_95 = tpu.memref_slice %arg20[%dma_start3A_93, %dma_start3A_94] : memref<48x128xf32, #tpu.memory_space<vmem>> -> memref<8x128xf32, #tpu.memory_space<vmem>>
      tpu.enqueue_dma source(%dma_start3A_95 : memref<8x128xf32, #tpu.memory_space<vmem>>) target(%dma_start3A_92 : memref<8x128xf32, #tpu.memory_space<vmem_shared>>) target_semaphore(%run_scoped3A_85 : memref<!tpu.dma_semaphore, #tpu.memory_space<semaphore_mem>>)
      %dma_wait3A_96 = arith.constant 0 : i32
      %dma_wait3A_97 = arith.constant 0 : i32
      %dma_wait3A_98 = tpu.memref_slice %arg20[%dma_wait3A_96, %dma_wait3A_97] : memref<48x128xf32, #tpu.memory_space<vmem>> -> memref<8x128xf32, #tpu.memory_space<vmem>>
      %dma_wait3A_99 = arith.constant 0 : i32
      %dma_wait3A_100 = tpu.memref_slice %arg25[%add3A_38, %dma_wait3A_99] : memref<10112x128xf32, #tpu.memory_space<vmem_shared>> -> memref<8x128xf32, #tpu.memory_space<vmem_shared>>
      %dma_wait3A_101 = arith.constant 0 : i32
      %dma_wait3A_102 = tpu.memref_slice %arg25[%add3A_38, %dma_wait3A_101] : memref<10112x128xf32, #tpu.memory_space<vmem_shared>> -> memref<8x128xf32, #tpu.memory_space<vmem_shared>>
      %dma_wait3A_103 = arith.constant 0 : i32
      %dma_wait3A_104 = arith.constant 0 : i32
      %dma_wait3A_105 = tpu.memref_slice %arg20[%dma_wait3A_103, %dma_wait3A_104] : memref<48x128xf32, #tpu.memory_space<vmem>> -> memref<8x128xf32, #tpu.memory_space<vmem>>
      tpu.wait_dma2 semaphore(%run_scoped3A_85 : memref<!tpu.dma_semaphore, #tpu.memory_space<semaphore_mem>>) src(%dma_wait3A_105 : memref<8x128xf32, #tpu.memory_space<vmem>>) dst(%dma_wait3A_102 : memref<8x128xf32, #tpu.memory_space<vmem_shared>>)
      tpu.yield
    }) : () -> ()
    %barrier3A = arith.constant 0 : index
    tpu.barrier barrier_id(%barrier3A)
    %run_scoped3A = arith.constant 0 : i32
    %run_scoped3A_39 = arith.constant 0 : i32
    "tpu.region"() ({
      %run_scoped3A_85 = tpu.sem_alloc : memref<!tpu.dma_semaphore, #tpu.memory_space<semaphore_mem>>
      %dma_start3A_86 = arith.constant 0 : i32
      %dma_start3A_87 = tpu.memref_slice %arg11[%run_scoped3A_39, %dma_start3A_86] : memref<1x48xi32, #tpu.memory_space<vmem>> -> memref<1x48xi32, #tpu.memory_space<vmem>>
      %dma_start3A_88 = tpu.memref_squeeze %dma_start3A_87 : memref<1x48xi32, #tpu.memory_space<vmem>> -> memref<48xi32, #tpu.memory_space<vmem>>
      %dma_start3A_89 = arith.constant 0 : i32
      %dma_start3A_90 = tpu.memref_slice %arg2[%add3A, %run_scoped3A, %dma_start3A_89] : memref<32x210x48xi32, #tpu.memory_space<hbm>> -> memref<1x1x48xi32, #tpu.memory_space<hbm>>
      %dma_start3A_91 = tpu.memref_squeeze %dma_start3A_90 : memref<1x1x48xi32, #tpu.memory_space<hbm>> -> memref<48xi32, #tpu.memory_space<hbm>>
      %dma_start3A_92 = arith.constant 0 : i32
      %dma_start3A_93 = tpu.memref_slice %arg11[%run_scoped3A_39, %dma_start3A_92] : memref<1x48xi32, #tpu.memory_space<vmem>> -> memref<1x48xi32, #tpu.memory_space<vmem>>
      %dma_start3A_94 = tpu.memref_squeeze %dma_start3A_93 : memref<1x48xi32, #tpu.memory_space<vmem>> -> memref<48xi32, #tpu.memory_space<vmem>>
      %dma_start3A_95 = arith.constant 0 : i32
      %dma_start3A_96 = tpu.memref_slice %arg2[%add3A, %run_scoped3A, %dma_start3A_95] : memref<32x210x48xi32, #tpu.memory_space<hbm>> -> memref<1x1x48xi32, #tpu.memory_space<hbm>>
      %dma_start3A_97 = tpu.memref_squeeze %dma_start3A_96 : memref<1x1x48xi32, #tpu.memory_space<hbm>> -> memref<48xi32, #tpu.memory_space<hbm>>
      tpu.enqueue_dma source(%dma_start3A_97 : memref<48xi32, #tpu.memory_space<hbm>>) target(%dma_start3A_94 : memref<48xi32, #tpu.memory_space<vmem>>) target_semaphore(%run_scoped3A_85 : memref<!tpu.dma_semaphore, #tpu.memory_space<semaphore_mem>>)
      %dma_wait3A_98 = arith.constant 0 : i32
      %dma_wait3A_99 = tpu.memref_slice %arg11[%run_scoped3A_39, %dma_wait3A_98] : memref<1x48xi32, #tpu.memory_space<vmem>> -> memref<1x48xi32, #tpu.memory_space<vmem>>
      %dma_wait3A_100 = tpu.memref_squeeze %dma_wait3A_99 : memref<1x48xi32, #tpu.memory_space<vmem>> -> memref<48xi32, #tpu.memory_space<vmem>>
      %dma_wait3A_101 = arith.constant 0 : i32
      %dma_wait3A_102 = tpu.memref_slice %arg2[%add3A, %run_scoped3A, %dma_wait3A_101] : memref<32x210x48xi32, #tpu.memory_space<hbm>> -> memref<1x1x48xi32, #tpu.memory_space<hbm>>
      %dma_wait3A_103 = tpu.memref_squeeze %dma_wait3A_102 : memref<1x1x48xi32, #tpu.memory_space<hbm>> -> memref<48xi32, #tpu.memory_space<hbm>>
      %dma_wait3A_104 = arith.constant 0 : i32
      %dma_wait3A_105 = tpu.memref_slice %arg11[%run_scoped3A_39, %dma_wait3A_104] : memref<1x48xi32, #tpu.memory_space<vmem>> -> memref<1x48xi32, #tpu.memory_space<vmem>>
      %dma_wait3A_106 = tpu.memref_squeeze %dma_wait3A_105 : memref<1x48xi32, #tpu.memory_space<vmem>> -> memref<48xi32, #tpu.memory_space<vmem>>
      %dma_wait3A_107 = arith.constant 0 : i32
      %dma_wait3A_108 = tpu.memref_slice %arg2[%add3A, %run_scoped3A, %dma_wait3A_107] : memref<32x210x48xi32, #tpu.memory_space<hbm>> -> memref<1x1x48xi32, #tpu.memory_space<hbm>>
      %dma_wait3A_109 = tpu.memref_squeeze %dma_wait3A_108 : memref<1x1x48xi32, #tpu.memory_space<hbm>> -> memref<48xi32, #tpu.memory_space<hbm>>
      tpu.wait_dma2 semaphore(%run_scoped3A_85 : memref<!tpu.dma_semaphore, #tpu.memory_space<semaphore_mem>>) src(%dma_wait3A_109 : memref<48xi32, #tpu.memory_space<hbm>>) dst(%dma_wait3A_106 : memref<48xi32, #tpu.memory_space<vmem>>)
      tpu.yield
    }) : () -> ()
    %run_scoped3A_40 = arith.constant 0 : i32
    %run_scoped3A_41 = arith.constant 0 : i32
    "tpu.region"() ({
      %run_scoped3A_85 = tpu.sem_alloc : memref<!tpu.dma_semaphore, #tpu.memory_space<semaphore_mem>>
      %dma_start3A_86 = arith.constant 0 : i32
      %dma_start3A_87 = tpu.memref_slice %arg12[%run_scoped3A_41, %dma_start3A_86] : memref<1x48xi32, #tpu.memory_space<vmem>> -> memref<1x48xi32, #tpu.memory_space<vmem>>
      %dma_start3A_88 = tpu.memref_squeeze %dma_start3A_87 : memref<1x48xi32, #tpu.memory_space<vmem>> -> memref<48xi32, #tpu.memory_space<vmem>>
      %dma_start3A_89 = arith.constant 0 : i32
      %dma_start3A_90 = tpu.memref_slice %arg3[%add3A, %run_scoped3A_40, %dma_start3A_89] : memref<32x210x48xi32, #tpu.memory_space<hbm>> -> memref<1x1x48xi32, #tpu.memory_space<hbm>>
      %dma_start3A_91 = tpu.memref_squeeze %dma_start3A_90 : memref<1x1x48xi32, #tpu.memory_space<hbm>> -> memref<48xi32, #tpu.memory_space<hbm>>
      %dma_start3A_92 = arith.constant 0 : i32
      %dma_start3A_93 = tpu.memref_slice %arg12[%run_scoped3A_41, %dma_start3A_92] : memref<1x48xi32, #tpu.memory_space<vmem>> -> memref<1x48xi32, #tpu.memory_space<vmem>>
      %dma_start3A_94 = tpu.memref_squeeze %dma_start3A_93 : memref<1x48xi32, #tpu.memory_space<vmem>> -> memref<48xi32, #tpu.memory_space<vmem>>
      %dma_start3A_95 = arith.constant 0 : i32
      %dma_start3A_96 = tpu.memref_slice %arg3[%add3A, %run_scoped3A_40, %dma_start3A_95] : memref<32x210x48xi32, #tpu.memory_space<hbm>> -> memref<1x1x48xi32, #tpu.memory_space<hbm>>
      %dma_start3A_97 = tpu.memref_squeeze %dma_start3A_96 : memref<1x1x48xi32, #tpu.memory_space<hbm>> -> memref<48xi32, #tpu.memory_space<hbm>>
      tpu.enqueue_dma source(%dma_start3A_97 : memref<48xi32, #tpu.memory_space<hbm>>) target(%dma_start3A_94 : memref<48xi32, #tpu.memory_space<vmem>>) target_semaphore(%run_scoped3A_85 : memref<!tpu.dma_semaphore, #tpu.memory_space<semaphore_mem>>)
      %dma_wait3A_98 = arith.constant 0 : i32
      %dma_wait3A_99 = tpu.memref_slice %arg12[%run_scoped3A_41, %dma_wait3A_98] : memref<1x48xi32, #tpu.memory_space<vmem>> -> memref<1x48xi32, #tpu.memory_space<vmem>>
      %dma_wait3A_100 = tpu.memref_squeeze %dma_wait3A_99 : memref<1x48xi32, #tpu.memory_space<vmem>> -> memref<48xi32, #tpu.memory_space<vmem>>
      %dma_wait3A_101 = arith.constant 0 : i32
      %dma_wait3A_102 = tpu.memref_slice %arg3[%add3A, %run_scoped3A_40, %dma_wait3A_101] : memref<32x210x48xi32, #tpu.memory_space<hbm>> -> memref<1x1x48xi32, #tpu.memory_space<hbm>>
      %dma_wait3A_103 = tpu.memref_squeeze %dma_wait3A_102 : memref<1x1x48xi32, #tpu.memory_space<hbm>> -> memref<48xi32, #tpu.memory_space<hbm>>
      %dma_wait3A_104 = arith.constant 0 : i32
      %dma_wait3A_105 = tpu.memref_slice %arg12[%run_scoped3A_41, %dma_wait3A_104] : memref<1x48xi32, #tpu.memory_space<vmem>> -> memref<1x48xi32, #tpu.memory_space<vmem>>
      %dma_wait3A_106 = tpu.memref_squeeze %dma_wait3A_105 : memref<1x48xi32, #tpu.memory_space<vmem>> -> memref<48xi32, #tpu.memory_space<vmem>>
      %dma_wait3A_107 = arith.constant 0 : i32
      %dma_wait3A_108 = tpu.memref_slice %arg3[%add3A, %run_scoped3A_40, %dma_wait3A_107] : memref<32x210x48xi32, #tpu.memory_space<hbm>> -> memref<1x1x48xi32, #tpu.memory_space<hbm>>
      %dma_wait3A_109 = tpu.memref_squeeze %dma_wait3A_108 : memref<1x1x48xi32, #tpu.memory_space<hbm>> -> memref<48xi32, #tpu.memory_space<hbm>>
      tpu.wait_dma2 semaphore(%run_scoped3A_85 : memref<!tpu.dma_semaphore, #tpu.memory_space<semaphore_mem>>) src(%dma_wait3A_109 : memref<48xi32, #tpu.memory_space<hbm>>) dst(%dma_wait3A_106 : memref<48xi32, #tpu.memory_space<vmem>>)
      tpu.yield
    }) : () -> ()
    %dma_start3A = arith.constant 0 : i32
    %dma_start3A_42 = arith.constant 0 : i32
    %dma_start3A_43 = tpu.memref_slice %arg11[%dma_start3A, %dma_start3A_42] : memref<1x48xi32, #tpu.memory_space<vmem>> -> memref<1x48xi32, #tpu.memory_space<vmem>>
    %dma_start3A_44 = tpu.memref_squeeze %dma_start3A_43 : memref<1x48xi32, #tpu.memory_space<vmem>> -> memref<48xi32, #tpu.memory_space<vmem>>
    %dma_start3A_45 = arith.constant 0 : i32
    %dma_start3A_46 = arith.constant 0 : i32
    %dma_start3A_47 = tpu.memref_slice %arg7[%dma_start3A_45, %dma_start3A_46] : memref<10000x128xf32, #tpu.memory_space<hbm>> -> memref<10000x128xf32, #tpu.memory_space<hbm>>
    tpu.enqueue_indirect_dma source(%dma_start3A_47 : memref<10000x128xf32, #tpu.memory_space<hbm>>) target(%arg20 : memref<48x128xf32, #tpu.memory_space<vmem>>) offsets(%dma_start3A_44 : memref<48xi32, #tpu.memory_space<vmem>>) semaphore(%arg26 : memref<!tpu.dma_semaphore, #tpu.memory_space<semaphore_mem>>)
    %run_scoped3A_48 = arith.constant 1 : i32
    %run_scoped3A_49 = arith.constant 0 : i32
    "tpu.region"() ({
      %run_scoped3A_85 = tpu.sem_alloc : memref<!tpu.dma_semaphore, #tpu.memory_space<semaphore_mem>>
      %dma_start3A_86 = arith.constant 0 : i32
      %dma_start3A_87 = tpu.memref_slice %arg13[%run_scoped3A_49, %dma_start3A_86] : memref<1x48xi32, #tpu.memory_space<vmem>> -> memref<1x48xi32, #tpu.memory_space<vmem>>
      %dma_start3A_88 = tpu.memref_squeeze %dma_start3A_87 : memref<1x48xi32, #tpu.memory_space<vmem>> -> memref<48xi32, #tpu.memory_space<vmem>>
      %dma_start3A_89 = arith.constant 0 : i32
      %dma_start3A_90 = tpu.memref_slice %arg2[%add3A, %run_scoped3A_48, %dma_start3A_89] : memref<32x210x48xi32, #tpu.memory_space<hbm>> -> memref<1x1x48xi32, #tpu.memory_space<hbm>>
      %dma_start3A_91 = tpu.memref_squeeze %dma_start3A_90 : memref<1x1x48xi32, #tpu.memory_space<hbm>> -> memref<48xi32, #tpu.memory_space<hbm>>
      %dma_start3A_92 = arith.constant 0 : i32
      %dma_start3A_93 = tpu.memref_slice %arg13[%run_scoped3A_49, %dma_start3A_92] : memref<1x48xi32, #tpu.memory_space<vmem>> -> memref<1x48xi32, #tpu.memory_space<vmem>>
      %dma_start3A_94 = tpu.memref_squeeze %dma_start3A_93 : memref<1x48xi32, #tpu.memory_space<vmem>> -> memref<48xi32, #tpu.memory_space<vmem>>
      %dma_start3A_95 = arith.constant 0 : i32
      %dma_start3A_96 = tpu.memref_slice %arg2[%add3A, %run_scoped3A_48, %dma_start3A_95] : memref<32x210x48xi32, #tpu.memory_space<hbm>> -> memref<1x1x48xi32, #tpu.memory_space<hbm>>
      %dma_start3A_97 = tpu.memref_squeeze %dma_start3A_96 : memref<1x1x48xi32, #tpu.memory_space<hbm>> -> memref<48xi32, #tpu.memory_space<hbm>>
      tpu.enqueue_dma source(%dma_start3A_97 : memref<48xi32, #tpu.memory_space<hbm>>) target(%dma_start3A_94 : memref<48xi32, #tpu.memory_space<vmem>>) target_semaphore(%run_scoped3A_85 : memref<!tpu.dma_semaphore, #tpu.memory_space<semaphore_mem>>)
      %dma_wait3A_98 = arith.constant 0 : i32
      %dma_wait3A_99 = tpu.memref_slice %arg13[%run_scoped3A_49, %dma_wait3A_98] : memref<1x48xi32, #tpu.memory_space<vmem>> -> memref<1x48xi32, #tpu.memory_space<vmem>>
      %dma_wait3A_100 = tpu.memref_squeeze %dma_wait3A_99 : memref<1x48xi32, #tpu.memory_space<vmem>> -> memref<48xi32, #tpu.memory_space<vmem>>
      %dma_wait3A_101 = arith.constant 0 : i32
      %dma_wait3A_102 = tpu.memref_slice %arg2[%add3A, %run_scoped3A_48, %dma_wait3A_101] : memref<32x210x48xi32, #tpu.memory_space<hbm>> -> memref<1x1x48xi32, #tpu.memory_space<hbm>>
      %dma_wait3A_103 = tpu.memref_squeeze %dma_wait3A_102 : memref<1x1x48xi32, #tpu.memory_space<hbm>> -> memref<48xi32, #tpu.memory_space<hbm>>
      %dma_wait3A_104 = arith.constant 0 : i32
      %dma_wait3A_105 = tpu.memref_slice %arg13[%run_scoped3A_49, %dma_wait3A_104] : memref<1x48xi32, #tpu.memory_space<vmem>> -> memref<1x48xi32, #tpu.memory_space<vmem>>
      %dma_wait3A_106 = tpu.memref_squeeze %dma_wait3A_105 : memref<1x48xi32, #tpu.memory_space<vmem>> -> memref<48xi32, #tpu.memory_space<vmem>>
      %dma_wait3A_107 = arith.constant 0 : i32
      %dma_wait3A_108 = tpu.memref_slice %arg2[%add3A, %run_scoped3A_48, %dma_wait3A_107] : memref<32x210x48xi32, #tpu.memory_space<hbm>> -> memref<1x1x48xi32, #tpu.memory_space<hbm>>
      %dma_wait3A_109 = tpu.memref_squeeze %dma_wait3A_108 : memref<1x1x48xi32, #tpu.memory_space<hbm>> -> memref<48xi32, #tpu.memory_space<hbm>>
      tpu.wait_dma2 semaphore(%run_scoped3A_85 : memref<!tpu.dma_semaphore, #tpu.memory_space<semaphore_mem>>) src(%dma_wait3A_109 : memref<48xi32, #tpu.memory_space<hbm>>) dst(%dma_wait3A_106 : memref<48xi32, #tpu.memory_space<vmem>>)
      tpu.yield
    }) : () -> ()
    %run_scoped3A_50 = arith.constant 1 : i32
    %run_scoped3A_51 = arith.constant 0 : i32
    "tpu.region"() ({
      %run_scoped3A_85 = tpu.sem_alloc : memref<!tpu.dma_semaphore, #tpu.memory_space<semaphore_mem>>
      %dma_start3A_86 = arith.constant 0 : i32
      %dma_start3A_87 = tpu.memref_slice %arg14[%run_scoped3A_51, %dma_start3A_86] : memref<1x48xi32, #tpu.memory_space<vmem>> -> memref<1x48xi32, #tpu.memory_space<vmem>>
      %dma_start3A_88 = tpu.memref_squeeze %dma_start3A_87 : memref<1x48xi32, #tpu.memory_space<vmem>> -> memref<48xi32, #tpu.memory_space<vmem>>
      %dma_start3A_89 = arith.constant 0 : i32
      %dma_start3A_90 = tpu.memref_slice %arg3[%add3A, %run_scoped3A_50, %dma_start3A_89] : memref<32x210x48xi32, #tpu.memory_space<hbm>> -> memref<1x1x48xi32, #tpu.memory_space<hbm>>
      %dma_start3A_91 = tpu.memref_squeeze %dma_start3A_90 : memref<1x1x48xi32, #tpu.memory_space<hbm>> -> memref<48xi32, #tpu.memory_space<hbm>>
      %dma_start3A_92 = arith.constant 0 : i32
      %dma_start3A_93 = tpu.memref_slice %arg14[%run_scoped3A_51, %dma_start3A_92] : memref<1x48xi32, #tpu.memory_space<vmem>> -> memref<1x48xi32, #tpu.memory_space<vmem>>
      %dma_start3A_94 = tpu.memref_squeeze %dma_start3A_93 : memref<1x48xi32, #tpu.memory_space<vmem>> -> memref<48xi32, #tpu.memory_space<vmem>>
      %dma_start3A_95 = arith.constant 0 : i32
      %dma_start3A_96 = tpu.memref_slice %arg3[%add3A, %run_scoped3A_50, %dma_start3A_95] : memref<32x210x48xi32, #tpu.memory_space<hbm>> -> memref<1x1x48xi32, #tpu.memory_space<hbm>>
      %dma_start3A_97 = tpu.memref_squeeze %dma_start3A_96 : memref<1x1x48xi32, #tpu.memory_space<hbm>> -> memref<48xi32, #tpu.memory_space<hbm>>
      tpu.enqueue_dma source(%dma_start3A_97 : memref<48xi32, #tpu.memory_space<hbm>>) target(%dma_start3A_94 : memref<48xi32, #tpu.memory_space<vmem>>) target_semaphore(%run_scoped3A_85 : memref<!tpu.dma_semaphore, #tpu.memory_space<semaphore_mem>>)
      %dma_wait3A_98 = arith.constant 0 : i32
      %dma_wait3A_99 = tpu.memref_slice %arg14[%run_scoped3A_51, %dma_wait3A_98] : memref<1x48xi32, #tpu.memory_space<vmem>> -> memref<1x48xi32, #tpu.memory_space<vmem>>
      %dma_wait3A_100 = tpu.memref_squeeze %dma_wait3A_99 : memref<1x48xi32, #tpu.memory_space<vmem>> -> memref<48xi32, #tpu.memory_space<vmem>>
      %dma_wait3A_101 = arith.constant 0 : i32
      %dma_wait3A_102 = tpu.memref_slice %arg3[%add3A, %run_scoped3A_50, %dma_wait3A_101] : memref<32x210x48xi32, #tpu.memory_space<hbm>> -> memref<1x1x48xi32, #tpu.memory_space<hbm>>
      %dma_wait3A_103 = tpu.memref_squeeze %dma_wait3A_102 : memref<1x1x48xi32, #tpu.memory_space<hbm>> -> memref<48xi32, #tpu.memory_space<hbm>>
      %dma_wait3A_104 = arith.constant 0 : i32
      %dma_wait3A_105 = tpu.memref_slice %arg14[%run_scoped3A_51, %dma_wait3A_104] : memref<1x48xi32, #tpu.memory_space<vmem>> -> memref<1x48xi32, #tpu.memory_space<vmem>>
      %dma_wait3A_106 = tpu.memref_squeeze %dma_wait3A_105 : memref<1x48xi32, #tpu.memory_space<vmem>> -> memref<48xi32, #tpu.memory_space<vmem>>
      %dma_wait3A_107 = arith.constant 0 : i32
      %dma_wait3A_108 = tpu.memref_slice %arg3[%add3A, %run_scoped3A_50, %dma_wait3A_107] : memref<32x210x48xi32, #tpu.memory_space<hbm>> -> memref<1x1x48xi32, #tpu.memory_space<hbm>>
      %dma_wait3A_109 = tpu.memref_squeeze %dma_wait3A_108 : memref<1x1x48xi32, #tpu.memory_space<hbm>> -> memref<48xi32, #tpu.memory_space<hbm>>
      tpu.wait_dma2 semaphore(%run_scoped3A_85 : memref<!tpu.dma_semaphore, #tpu.memory_space<semaphore_mem>>) src(%dma_wait3A_109 : memref<48xi32, #tpu.memory_space<hbm>>) dst(%dma_wait3A_106 : memref<48xi32, #tpu.memory_space<vmem>>)
      tpu.yield
    }) : () -> ()
    %dma_start3A_52 = arith.constant 0 : i32
    %dma_start3A_53 = arith.constant 0 : i32
    %dma_start3A_54 = tpu.memref_slice %arg13[%dma_start3A_52, %dma_start3A_53] : memref<1x48xi32, #tpu.memory_space<vmem>> -> memref<1x48xi32, #tpu.memory_space<vmem>>
    %dma_start3A_55 = tpu.memref_squeeze %dma_start3A_54 : memref<1x48xi32, #tpu.memory_space<vmem>> -> memref<48xi32, #tpu.memory_space<vmem>>
    %dma_start3A_56 = arith.constant 0 : i32
    %dma_start3A_57 = arith.constant 0 : i32
    %dma_start3A_58 = tpu.memref_slice %arg7[%dma_start3A_56, %dma_start3A_57] : memref<10000x128xf32, #tpu.memory_space<hbm>> -> memref<10000x128xf32, #tpu.memory_space<hbm>>
    tpu.enqueue_indirect_dma source(%dma_start3A_58 : memref<10000x128xf32, #tpu.memory_space<hbm>>) target(%arg21 : memref<48x128xf32, #tpu.memory_space<vmem>>) offsets(%dma_start3A_55 : memref<48xi32, #tpu.memory_space<vmem>>) semaphore(%arg27 : memref<!tpu.dma_semaphore, #tpu.memory_space<semaphore_mem>>)
    %scan3A_59 = arith.constant 0 : i32
    %scan3A_60 = arith.constant 70 : i32
    %scan3A_61 = arith.addi %scan3A_59, %scan3A_60 : i32
    %scan3A_62 = arith.constant 1 : i32
    scf.for %scan3A_85 = %scan3A_59 to %scan3A_61 step %scan3A_62  : i32 {
      %mul3A_86 = arith.constant 1 : i32
      %mul3A_87 = arith.muli %scan3A_85, %mul3A_86 : i32
      %add3A_88 = arith.constant 0 : i32
      %add3A_89 = arith.addi %add3A_88, %mul3A_87 : i32
      %mul3A_90 = arith.constant 3 : i32
      %mul3A_91 = arith.muli %mul3A_90, %add3A_89 : i32
      %add3A_92 = arith.constant 0 : i32
      %add3A_93 = arith.addi %mul3A_91, %add3A_92 : i32
      %dma_wait3A_94 = arith.constant 0 : i32
      %dma_wait3A_95 = arith.constant 0 : i32
      %dma_wait3A_96 = tpu.memref_slice %arg11[%dma_wait3A_94, %dma_wait3A_95] : memref<1x48xi32, #tpu.memory_space<vmem>> -> memref<1x48xi32, #tpu.memory_space<vmem>>
      %dma_wait3A_97 = tpu.memref_squeeze %dma_wait3A_96 : memref<1x48xi32, #tpu.memory_space<vmem>> -> memref<48xi32, #tpu.memory_space<vmem>>
      %dma_wait3A_98 = arith.constant 0 : i32
      %dma_wait3A_99 = arith.constant 0 : i32
      %dma_wait3A_100 = tpu.memref_slice %arg7[%dma_wait3A_98, %dma_wait3A_99] : memref<10000x128xf32, #tpu.memory_space<hbm>> -> memref<10000x128xf32, #tpu.memory_space<hbm>>
      tpu.wait_indirect_dma semaphore(%arg26 : memref<!tpu.dma_semaphore, #tpu.memory_space<semaphore_mem>>) src(%dma_wait3A_100 : memref<10000x128xf32, #tpu.memory_space<hbm>>) dst(%arg20 : memref<48x128xf32, #tpu.memory_space<vmem>>)
      %parallel_loop3A = arith.constant 0 : i32
      %parallel_loop3A_101 = arith.constant 3 : i32
      %parallel_loop3A_102 = arith.constant 1 : i32
      scf.for %parallel_loop3A_179 = %parallel_loop3A to %parallel_loop3A_101 step %parallel_loop3A_102  : i32 {
        %parallel_loop3A_180 = arith.constant 16 : i32
        %parallel_loop3A_181 = arith.muli %parallel_loop3A_179, %parallel_loop3A_180 : i32
        %parallel_loop3A_182 = vector.broadcast %parallel_loop3A_181 : i32 to vector<16xi32>
        %parallel_loop3A_183 = arith.addi %parallel_loop3A_182, %iota3A : vector<16xi32>
        %parallel_loop3A_184 = tpu.vector_load_idx %arg11[%broadcast_in_dim3A_1, %parallel_loop3A_183] : memref<1x48xi32, #tpu.memory_space<vmem>>[vector<16xi32>, vector<16xi32>], vector<16xi32>,
        %parallel_loop3A_185 = arith.constant 16 : i32
        %parallel_loop3A_186 = arith.muli %parallel_loop3A_179, %parallel_loop3A_185 : i32
        %parallel_loop3A_187 = vector.broadcast %parallel_loop3A_186 : i32 to vector<16xi32>
        %parallel_loop3A_188 = arith.addi %parallel_loop3A_187, %iota3A : vector<16xi32>
        %parallel_loop3A_189 = tpu.vector_load_idx %arg12[%broadcast_in_dim3A_1, %parallel_loop3A_188] : memref<1x48xi32, #tpu.memory_space<vmem>>[vector<16xi32>, vector<16xi32>], vector<16xi32>,
        %parallel_loop3A_190 = tpu.vector_load_idx %arg17[%parallel_loop3A_184] : memref<10112xf32, #tpu.memory_space<vmem>>[vector<16xi32>], vector<16xf32>,
        %parallel_loop3A_191 = tpu.vector_load_idx %arg18[%parallel_loop3A_189] : memref<10112xf32, #tpu.memory_space<vmem>>[vector<16xi32>], vector<16xf32>,
        %parallel_loop3A_192 = arith.addf %parallel_loop3A_190, %parallel_loop3A_191 : vector<16xf32>
        %parallel_loop3A_193 = arith.constant 0.000000e+00 : f32
        %parallel_loop3A_194 = vector.broadcast %parallel_loop3A_193 : f32 to vector<16xf32>
        %parallel_loop3A_195 = arith.cmpf ogt, %parallel_loop3A_192, %parallel_loop3A_194 : vector<16xf32>
        %parallel_loop3A_196 = arith.constant 2.000000e-01 : f32
        %parallel_loop3A_197 = vector.broadcast %parallel_loop3A_196 : f32 to vector<16xf32>
        %parallel_loop3A_198 = arith.mulf %parallel_loop3A_197, %parallel_loop3A_192 : vector<16xf32>
        %parallel_loop3A_199 = arith.select %parallel_loop3A_195, %parallel_loop3A_192, %parallel_loop3A_198 : vector<16xi1>, vector<16xf32>
        %parallel_loop3A_200 = arith.constant 16 : i32
        %parallel_loop3A_201 = arith.muli %parallel_loop3A_179, %parallel_loop3A_200 : i32
        %parallel_loop3A_202 = vector.broadcast %parallel_loop3A_201 : i32 to vector<16xi32>
        %parallel_loop3A_203 = arith.addi %parallel_loop3A_202, %iota3A : vector<16xi32>
        %parallel_loop3A_204 = arith.subf %parallel_loop3A_199, %get3A_4 : vector<16xf32>
        %parallel_loop3A_205 = math.exp %parallel_loop3A_204 : vector<16xf32>
        tpu.vector_store_idx %arg23[%parallel_loop3A_203], %parallel_loop3A_205 : memref<48xf32, #tpu.memory_space<vmem>>[vector<16xi32>], vector<16xf32>,
      } {sc.loop_unroll_factor = 3 : i64, sc.parallel_access}
      %parallel_loop3A_103 = arith.constant 0 : i32
      %parallel_loop3A_104 = arith.constant 48 : i32
      %parallel_loop3A_105 = arith.constant 1 : i32
      scf.for %parallel_loop3A_179 = %parallel_loop3A_103 to %parallel_loop3A_104 step %parallel_loop3A_105  : i32 {
        %parallel_loop3A_180 = vector.broadcast %parallel_loop3A_179 : i32 to vector<16xi32>
        %parallel_loop3A_181 = arith.addi %broadcast_in_dim3A_1, %parallel_loop3A_180 : vector<16xi32>
        %parallel_loop3A_182 = tpu.vector_load_idx %arg23[%parallel_loop3A_181] : memref<48xf32, #tpu.memory_space<vmem>>[vector<16xi32>], vector<16xf32>,
        %parallel_loop3A_183 = arith.constant 0 : i32
        %parallel_loop3A_184 = vector.broadcast %parallel_loop3A_183 : i32 to vector<16xi32>
        %parallel_loop3A_185 = arith.addi %parallel_loop3A_184, %iota3A : vector<16xi32>
        %parallel_loop3A_186 = tpu.vector_load_idx %arg20[%parallel_loop3A_181, %parallel_loop3A_185] : memref<48x128xf32, #tpu.memory_space<vmem>>[vector<16xi32>, vector<16xi32>], vector<16xf32>,
        %parallel_loop3A_187 = arith.constant 0 : i32
        %parallel_loop3A_188 = vector.broadcast %parallel_loop3A_187 : i32 to vector<16xi32>
        %parallel_loop3A_189 = arith.addi %parallel_loop3A_188, %iota3A : vector<16xi32>
        %parallel_loop3A_190 = arith.mulf %parallel_loop3A_186, %parallel_loop3A_182 : vector<16xf32>
        tpu.vector_store_idx %arg20[%parallel_loop3A_181, %parallel_loop3A_189], %parallel_loop3A_190 : memref<48x128xf32, #tpu.memory_space<vmem>>[vector<16xi32>, vector<16xi32>], vector<16xf32>,
        %parallel_loop3A_191 = arith.constant 16 : i32
        %parallel_loop3A_192 = vector.broadcast %parallel_loop3A_191 : i32 to vector<16xi32>
        %parallel_loop3A_193 = arith.addi %parallel_loop3A_192, %iota3A : vector<16xi32>
        %parallel_loop3A_194 = tpu.vector_load_idx %arg20[%parallel_loop3A_181, %parallel_loop3A_193] : memref<48x128xf32, #tpu.memory_space<vmem>>[vector<16xi32>, vector<16xi32>], vector<16xf32>,
        %parallel_loop3A_195 = arith.constant 16 : i32
        %parallel_loop3A_196 = vector.broadcast %parallel_loop3A_195 : i32 to vector<16xi32>
        %parallel_loop3A_197 = arith.addi %parallel_loop3A_196, %iota3A : vector<16xi32>
        %parallel_loop3A_198 = arith.mulf %parallel_loop3A_194, %parallel_loop3A_182 : vector<16xf32>
        tpu.vector_store_idx %arg20[%parallel_loop3A_181, %parallel_loop3A_197], %parallel_loop3A_198 : memref<48x128xf32, #tpu.memory_space<vmem>>[vector<16xi32>, vector<16xi32>], vector<16xf32>,
        %parallel_loop3A_199 = arith.constant 32 : i32
        %parallel_loop3A_200 = vector.broadcast %parallel_loop3A_199 : i32 to vector<16xi32>
        %parallel_loop3A_201 = arith.addi %parallel_loop3A_200, %iota3A : vector<16xi32>
        %parallel_loop3A_202 = tpu.vector_load_idx %arg20[%parallel_loop3A_181, %parallel_loop3A_201] : memref<48x128xf32, #tpu.memory_space<vmem>>[vector<16xi32>, vector<16xi32>], vector<16xf32>,
        %parallel_loop3A_203 = arith.constant 32 : i32
        %parallel_loop3A_204 = vector.broadcast %parallel_loop3A_203 : i32 to vector<16xi32>
        %parallel_loop3A_205 = arith.addi %parallel_loop3A_204, %iota3A : vector<16xi32>
        %parallel_loop3A_206 = arith.mulf %parallel_loop3A_202, %parallel_loop3A_182 : vector<16xf32>
        tpu.vector_store_idx %arg20[%parallel_loop3A_181, %parallel_loop3A_205], %parallel_loop3A_206 : memref<48x128xf32, #tpu.memory_space<vmem>>[vector<16xi32>, vector<16xi32>], vector<16xf32>,
        %parallel_loop3A_207 = arith.constant 48 : i32
        %parallel_loop3A_208 = vector.broadcast %parallel_loop3A_207 : i32 to vector<16xi32>
        %parallel_loop3A_209 = arith.addi %parallel_loop3A_208, %iota3A : vector<16xi32>
        %parallel_loop3A_210 = tpu.vector_load_idx %arg20[%parallel_loop3A_181, %parallel_loop3A_209] : memref<48x128xf32, #tpu.memory_space<vmem>>[vector<16xi32>, vector<16xi32>], vector<16xf32>,
        %parallel_loop3A_211 = arith.constant 48 : i32
        %parallel_loop3A_212 = vector.broadcast %parallel_loop3A_211 : i32 to vector<16xi32>
        %parallel_loop3A_213 = arith.addi %parallel_loop3A_212, %iota3A : vector<16xi32>
        %parallel_loop3A_214 = arith.mulf %parallel_loop3A_210, %parallel_loop3A_182 : vector<16xf32>
        tpu.vector_store_idx %arg20[%parallel_loop3A_181, %parallel_loop3A_213], %parallel_loop3A_214 : memref<48x128xf32, #tpu.memory_space<vmem>>[vector<16xi32>, vector<16xi32>], vector<16xf32>,
        %parallel_loop3A_215 = arith.constant 64 : i32
        %parallel_loop3A_216 = vector.broadcast %parallel_loop3A_215 : i32 to vector<16xi32>
        %parallel_loop3A_217 = arith.addi %parallel_loop3A_216, %iota3A : vector<16xi32>
        %parallel_loop3A_218 = tpu.vector_load_idx %arg20[%parallel_loop3A_181, %parallel_loop3A_217] : memref<48x128xf32, #tpu.memory_space<vmem>>[vector<16xi32>, vector<16xi32>], vector<16xf32>,
        %parallel_loop3A_219 = arith.constant 64 : i32
        %parallel_loop3A_220 = vector.broadcast %parallel_loop3A_219 : i32 to vector<16xi32>
        %parallel_loop3A_221 = arith.addi %parallel_loop3A_220, %iota3A : vector<16xi32>
        %parallel_loop3A_222 = arith.mulf %parallel_loop3A_218, %parallel_loop3A_182 : vector<16xf32>
        tpu.vector_store_idx %arg20[%parallel_loop3A_181, %parallel_loop3A_221], %parallel_loop3A_222 : memref<48x128xf32, #tpu.memory_space<vmem>>[vector<16xi32>, vector<16xi32>], vector<16xf32>,
        %parallel_loop3A_223 = arith.constant 80 : i32
        %parallel_loop3A_224 = vector.broadcast %parallel_loop3A_223 : i32 to vector<16xi32>
        %parallel_loop3A_225 = arith.addi %parallel_loop3A_224, %iota3A : vector<16xi32>
        %parallel_loop3A_226 = tpu.vector_load_idx %arg20[%parallel_loop3A_181, %parallel_loop3A_225] : memref<48x128xf32, #tpu.memory_space<vmem>>[vector<16xi32>, vector<16xi32>], vector<16xf32>,
        %parallel_loop3A_227 = arith.constant 80 : i32
        %parallel_loop3A_228 = vector.broadcast %parallel_loop3A_227 : i32 to vector<16xi32>
        %parallel_loop3A_229 = arith.addi %parallel_loop3A_228, %iota3A : vector<16xi32>
        %parallel_loop3A_230 = arith.mulf %parallel_loop3A_226, %parallel_loop3A_182 : vector<16xf32>
        tpu.vector_store_idx %arg20[%parallel_loop3A_181, %parallel_loop3A_229], %parallel_loop3A_230 : memref<48x128xf32, #tpu.memory_space<vmem>>[vector<16xi32>, vector<16xi32>], vector<16xf32>,
        %parallel_loop3A_231 = arith.constant 96 : i32
        %parallel_loop3A_232 = vector.broadcast %parallel_loop3A_231 : i32 to vector<16xi32>
        %parallel_loop3A_233 = arith.addi %parallel_loop3A_232, %iota3A : vector<16xi32>
        %parallel_loop3A_234 = tpu.vector_load_idx %arg20[%parallel_loop3A_181, %parallel_loop3A_233] : memref<48x128xf32, #tpu.memory_space<vmem>>[vector<16xi32>, vector<16xi32>], vector<16xf32>,
        %parallel_loop3A_235 = arith.constant 96 : i32
        %parallel_loop3A_236 = vector.broadcast %parallel_loop3A_235 : i32 to vector<16xi32>
        %parallel_loop3A_237 = arith.addi %parallel_loop3A_236, %iota3A : vector<16xi32>
        %parallel_loop3A_238 = arith.mulf %parallel_loop3A_234, %parallel_loop3A_182 : vector<16xf32>
        tpu.vector_store_idx %arg20[%parallel_loop3A_181, %parallel_loop3A_237], %parallel_loop3A_238 : memref<48x128xf32, #tpu.memory_space<vmem>>[vector<16xi32>, vector<16xi32>], vector<16xf32>,
        %parallel_loop3A_239 = arith.constant 112 : i32
        %parallel_loop3A_240 = vector.broadcast %parallel_loop3A_239 : i32 to vector<16xi32>
        %parallel_loop3A_241 = arith.addi %parallel_loop3A_240, %iota3A : vector<16xi32>
        %parallel_loop3A_242 = tpu.vector_load_idx %arg20[%parallel_loop3A_181, %parallel_loop3A_241] : memref<48x128xf32, #tpu.memory_space<vmem>>[vector<16xi32>, vector<16xi32>], vector<16xf32>,
        %parallel_loop3A_243 = arith.constant 112 : i32
        %parallel_loop3A_244 = vector.broadcast %parallel_loop3A_243 : i32 to vector<16xi32>
        %parallel_loop3A_245 = arith.addi %parallel_loop3A_244, %iota3A : vector<16xi32>
        %parallel_loop3A_246 = arith.mulf %parallel_loop3A_242, %parallel_loop3A_182 : vector<16xf32>
        tpu.vector_store_idx %arg20[%parallel_loop3A_181, %parallel_loop3A_245], %parallel_loop3A_246 : memref<48x128xf32, #tpu.memory_space<vmem>>[vector<16xi32>, vector<16xi32>], vector<16xf32>,
        %parallel_loop3A_247 = tpu.vector_load_idx %arg12[%broadcast_in_dim3A_1, %parallel_loop3A_181] : memref<1x48xi32, #tpu.memory_space<vmem>>[vector<16xi32>, vector<16xi32>], vector<16xi32>,
        %parallel_loop3A_248 = arith.constant 0 : i32
        %parallel_loop3A_249 = vector.broadcast %parallel_loop3A_248 : i32 to vector<16xi32>
        %parallel_loop3A_250 = arith.cmpi eq, %iota3A, %parallel_loop3A_249 : vector<16xi32>
        tpu.vector_store_idx %arg24[%parallel_loop3A_247], %parallel_loop3A_182 masked %parallel_loop3A_250 {add = true} : memref<10112xf32, #tpu.memory_space<vmem>>[vector<16xi32>], vector<16xf32>, vector<16xi1>
      } {sc.loop_unroll_factor = 8 : i64, sc.parallel_access}
      %dma_start3A_106 = arith.constant 0 : i32
      %dma_start3A_107 = arith.constant 0 : i32
      %dma_start3A_108 = tpu.memref_slice %arg12[%dma_start3A_106, %dma_start3A_107] : memref<1x48xi32, #tpu.memory_space<vmem>> -> memref<1x48xi32, #tpu.memory_space<vmem>>
      %dma_start3A_109 = tpu.memref_squeeze %dma_start3A_108 : memref<1x48xi32, #tpu.memory_space<vmem>> -> memref<48xi32, #tpu.memory_space<vmem>>
      %dma_start3A_110 = arith.constant 0 : i32
      %dma_start3A_111 = arith.constant 0 : i32
      %dma_start3A_112 = tpu.memref_slice %arg25[%dma_start3A_110, %dma_start3A_111] : memref<10112x128xf32, #tpu.memory_space<vmem_shared>> -> memref<10112x128xf32, #tpu.memory_space<vmem_shared>>
      tpu.enqueue_indirect_dma source(%arg20 : memref<48x128xf32, #tpu.memory_space<vmem>>) target(%dma_start3A_112 : memref<10112x128xf32, #tpu.memory_space<vmem_shared>>) offsets(%dma_start3A_109 : memref<48xi32, #tpu.memory_space<vmem>>) semaphore(%arg29 : memref<!tpu.dma_semaphore, #tpu.memory_space<semaphore_mem>>) {add = true}
      %add3A_113 = arith.constant 2 : i32
      %add3A_114 = arith.addi %add3A_93, %add3A_113 : i32
      %lt3A = arith.constant 210 : i32
      %lt3A_115 = arith.cmpi slt, %add3A_114, %lt3A : i32
      %convert_element_type3A = arith.extui %lt3A_115 : i1 to i32
      %cond3A = arith.constant 0 : i32
      %cond3A_116 = arith.cmpi ne, %convert_element_type3A, %cond3A : i32
      scf.if %cond3A_116 {
        %gt3A = arith.constant 0 : i32
        %gt3A_179 = arith.cmpi sgt, %add3A_93, %gt3A : i32
        %convert_element_type3A_180 = arith.extui %gt3A_179 : i1 to i32
        %cond3A_181 = arith.constant 0 : i32
        %cond3A_182 = arith.cmpi ne, %convert_element_type3A_180, %cond3A_181 : i32
        scf.if %cond3A_182 {
          %dma_wait3A_196 = arith.constant 0 : i32
          %dma_wait3A_197 = arith.constant 0 : i32
          %dma_wait3A_198 = tpu.memref_slice %arg16[%dma_wait3A_196, %dma_wait3A_197] : memref<1x48xi32, #tpu.memory_space<vmem>> -> memref<1x48xi32, #tpu.memory_space<vmem>>
          %dma_wait3A_199 = tpu.memref_squeeze %dma_wait3A_198 : memref<1x48xi32, #tpu.memory_space<vmem>> -> memref<48xi32, #tpu.memory_space<vmem>>
          %dma_wait3A_200 = arith.constant 0 : i32
          %dma_wait3A_201 = arith.constant 0 : i32
          %dma_wait3A_202 = tpu.memref_slice %arg25[%dma_wait3A_200, %dma_wait3A_201] : memref<10112x128xf32, #tpu.memory_space<vmem_shared>> -> memref<10112x128xf32, #tpu.memory_space<vmem_shared>>
          tpu.wait_indirect_dma semaphore(%arg31 : memref<!tpu.dma_semaphore, #tpu.memory_space<semaphore_mem>>) src(%arg22 : memref<48x128xf32, #tpu.memory_space<vmem>>) dst(%dma_wait3A_202 : memref<10112x128xf32, #tpu.memory_space<vmem_shared>>)
        } else {
        }
        %add3A_183 = arith.constant 2 : i32
        %add3A_184 = arith.addi %add3A_93, %add3A_183 : i32
        %run_scoped3A_185 = arith.constant 0 : i32
        "tpu.region"() ({
          %run_scoped3A_196 = tpu.sem_alloc : memref<!tpu.dma_semaphore, #tpu.memory_space<semaphore_mem>>
          %dma_start3A_197 = arith.constant 0 : i32
          %dma_start3A_198 = tpu.memref_slice %arg15[%run_scoped3A_185, %dma_start3A_197] : memref<1x48xi32, #tpu.memory_space<vmem>> -> memref<1x48xi32, #tpu.memory_space<vmem>>
          %dma_start3A_199 = tpu.memref_squeeze %dma_start3A_198 : memref<1x48xi32, #tpu.memory_space<vmem>> -> memref<48xi32, #tpu.memory_space<vmem>>
          %dma_start3A_200 = arith.constant 0 : i32
          %dma_start3A_201 = tpu.memref_slice %arg2[%add3A, %add3A_184, %dma_start3A_200] : memref<32x210x48xi32, #tpu.memory_space<hbm>> -> memref<1x1x48xi32, #tpu.memory_space<hbm>>
          %dma_start3A_202 = tpu.memref_squeeze %dma_start3A_201 : memref<1x1x48xi32, #tpu.memory_space<hbm>> -> memref<48xi32, #tpu.memory_space<hbm>>
          %dma_start3A_203 = arith.constant 0 : i32
          %dma_start3A_204 = tpu.memref_slice %arg15[%run_scoped3A_185, %dma_start3A_203] : memref<1x48xi32, #tpu.memory_space<vmem>> -> memref<1x48xi32, #tpu.memory_space<vmem>>
          %dma_start3A_205 = tpu.memref_squeeze %dma_start3A_204 : memref<1x48xi32, #tpu.memory_space<vmem>> -> memref<48xi32, #tpu.memory_space<vmem>>
          %dma_start3A_206 = arith.constant 0 : i32
          %dma_start3A_207 = tpu.memref_slice %arg2[%add3A, %add3A_184, %dma_start3A_206] : memref<32x210x48xi32, #tpu.memory_space<hbm>> -> memref<1x1x48xi32, #tpu.memory_space<hbm>>
          %dma_start3A_208 = tpu.memref_squeeze %dma_start3A_207 : memref<1x1x48xi32, #tpu.memory_space<hbm>> -> memref<48xi32, #tpu.memory_space<hbm>>
          tpu.enqueue_dma source(%dma_start3A_208 : memref<48xi32, #tpu.memory_space<hbm>>) target(%dma_start3A_205 : memref<48xi32, #tpu.memory_space<vmem>>) target_semaphore(%run_scoped3A_196 : memref<!tpu.dma_semaphore, #tpu.memory_space<semaphore_mem>>)
          %dma_wait3A_209 = arith.constant 0 : i32
          %dma_wait3A_210 = tpu.memref_slice %arg15[%run_scoped3A_185, %dma_wait3A_209] : memref<1x48xi32, #tpu.memory_space<vmem>> -> memref<1x48xi32, #tpu.memory_space<vmem>>
          %dma_wait3A_211 = tpu.memref_squeeze %dma_wait3A_210 : memref<1x48xi32, #tpu.memory_space<vmem>> -> memref<48xi32, #tpu.memory_space<vmem>>
          %dma_wait3A_212 = arith.constant 0 : i32
          %dma_wait3A_213 = tpu.memref_slice %arg2[%add3A, %add3A_184, %dma_wait3A_212] : memref<32x210x48xi32, #tpu.memory_space<hbm>> -> memref<1x1x48xi32, #tpu.memory_space<hbm>>
          %dma_wait3A_214 = tpu.memref_squeeze %dma_wait3A_213 : memref<1x1x48xi32, #tpu.memory_space<hbm>> -> memref<48xi32, #tpu.memory_space<hbm>>
          %dma_wait3A_215 = arith.constant 0 : i32
          %dma_wait3A_216 = tpu.memref_slice %arg15[%run_scoped3A_185, %dma_wait3A_215] : memref<1x48xi32, #tpu.memory_space<vmem>> -> memref<1x48xi32, #tpu.memory_space<vmem>>
          %dma_wait3A_217 = tpu.memref_squeeze %dma_wait3A_216 : memref<1x48xi32, #tpu.memory_space<vmem>> -> memref<48xi32, #tpu.memory_space<vmem>>
          %dma_wait3A_218 = arith.constant 0 : i32
          %dma_wait3A_219 = tpu.memref_slice %arg2[%add3A, %add3A_184, %dma_wait3A_218] : memref<32x210x48xi32, #tpu.memory_space<hbm>> -> memref<1x1x48xi32, #tpu.memory_space<hbm>>
          %dma_wait3A_220 = tpu.memref_squeeze %dma_wait3A_219 : memref<1x1x48xi32, #tpu.memory_space<hbm>> -> memref<48xi32, #tpu.memory_space<hbm>>
          tpu.wait_dma2 semaphore(%run_scoped3A_196 : memref<!tpu.dma_semaphore, #tpu.memory_space<semaphore_mem>>) src(%dma_wait3A_220 : memref<48xi32, #tpu.memory_space<hbm>>) dst(%dma_wait3A_217 : memref<48xi32, #tpu.memory_space<vmem>>)
          tpu.yield
        }) : () -> ()
        %add3A_186 = arith.constant 2 : i32
        %add3A_187 = arith.addi %add3A_93, %add3A_186 : i32
        %run_scoped3A_188 = arith.constant 0 : i32
        "tpu.region"() ({
          %run_scoped3A_196 = tpu.sem_alloc : memref<!tpu.dma_semaphore, #tpu.memory_space<semaphore_mem>>
          %dma_start3A_197 = arith.constant 0 : i32
          %dma_start3A_198 = tpu.memref_slice %arg16[%run_scoped3A_188, %dma_start3A_197] : memref<1x48xi32, #tpu.memory_space<vmem>> -> memref<1x48xi32, #tpu.memory_space<vmem>>
          %dma_start3A_199 = tpu.memref_squeeze %dma_start3A_198 : memref<1x48xi32, #tpu.memory_space<vmem>> -> memref<48xi32, #tpu.memory_space<vmem>>
          %dma_start3A_200 = arith.constant 0 : i32
          %dma_start3A_201 = tpu.memref_slice %arg3[%add3A, %add3A_187, %dma_start3A_200] : memref<32x210x48xi32, #tpu.memory_space<hbm>> -> memref<1x1x48xi32, #tpu.memory_space<hbm>>
          %dma_start3A_202 = tpu.memref_squeeze %dma_start3A_201 : memref<1x1x48xi32, #tpu.memory_space<hbm>> -> memref<48xi32, #tpu.memory_space<hbm>>
          %dma_start3A_203 = arith.constant 0 : i32
          %dma_start3A_204 = tpu.memref_slice %arg16[%run_scoped3A_188, %dma_start3A_203] : memref<1x48xi32, #tpu.memory_space<vmem>> -> memref<1x48xi32, #tpu.memory_space<vmem>>
          %dma_start3A_205 = tpu.memref_squeeze %dma_start3A_204 : memref<1x48xi32, #tpu.memory_space<vmem>> -> memref<48xi32, #tpu.memory_space<vmem>>
          %dma_start3A_206 = arith.constant 0 : i32
          %dma_start3A_207 = tpu.memref_slice %arg3[%add3A, %add3A_187, %dma_start3A_206] : memref<32x210x48xi32, #tpu.memory_space<hbm>> -> memref<1x1x48xi32, #tpu.memory_space<hbm>>
          %dma_start3A_208 = tpu.memref_squeeze %dma_start3A_207 : memref<1x1x48xi32, #tpu.memory_space<hbm>> -> memref<48xi32, #tpu.memory_space<hbm>>
          tpu.enqueue_dma source(%dma_start3A_208 : memref<48xi32, #tpu.memory_space<hbm>>) target(%dma_start3A_205 : memref<48xi32, #tpu.memory_space<vmem>>) target_semaphore(%run_scoped3A_196 : memref<!tpu.dma_semaphore, #tpu.memory_space<semaphore_mem>>)
          %dma_wait3A_209 = arith.constant 0 : i32
          %dma_wait3A_210 = tpu.memref_slice %arg16[%run_scoped3A_188, %dma_wait3A_209] : memref<1x48xi32, #tpu.memory_space<vmem>> -> memref<1x48xi32, #tpu.memory_space<vmem>>
          %dma_wait3A_211 = tpu.memref_squeeze %dma_wait3A_210 : memref<1x48xi32, #tpu.memory_space<vmem>> -> memref<48xi32, #tpu.memory_space<vmem>>
          %dma_wait3A_212 = arith.constant 0 : i32
          %dma_wait3A_213 = tpu.memref_slice %arg3[%add3A, %add3A_187, %dma_wait3A_212] : memref<32x210x48xi32, #tpu.memory_space<hbm>> -> memref<1x1x48xi32, #tpu.memory_space<hbm>>
          %dma_wait3A_214 = tpu.memref_squeeze %dma_wait3A_213 : memref<1x1x48xi32, #tpu.memory_space<hbm>> -> memref<48xi32, #tpu.memory_space<hbm>>
          %dma_wait3A_215 = arith.constant 0 : i32
          %dma_wait3A_216 = tpu.memref_slice %arg16[%run_scoped3A_188, %dma_wait3A_215] : memref<1x48xi32, #tpu.memory_space<vmem>> -> memref<1x48xi32, #tpu.memory_space<vmem>>
          %dma_wait3A_217 = tpu.memref_squeeze %dma_wait3A_216 : memref<1x48xi32, #tpu.memory_space<vmem>> -> memref<48xi32, #tpu.memory_space<vmem>>
          %dma_wait3A_218 = arith.constant 0 : i32
          %dma_wait3A_219 = tpu.memref_slice %arg3[%add3A, %add3A_187, %dma_wait3A_218] : memref<32x210x48xi32, #tpu.memory_space<hbm>> -> memref<1x1x48xi32, #tpu.memory_space<hbm>>
          %dma_wait3A_220 = tpu.memref_squeeze %dma_wait3A_219 : memref<1x1x48xi32, #tpu.memory_space<hbm>> -> memref<48xi32, #tpu.memory_space<hbm>>
          tpu.wait_dma2 semaphore(%run_scoped3A_196 : memref<!tpu.dma_semaphore, #tpu.memory_space<semaphore_mem>>) src(%dma_wait3A_220 : memref<48xi32, #tpu.memory_space<hbm>>) dst(%dma_wait3A_217 : memref<48xi32, #tpu.memory_space<vmem>>)
          tpu.yield
        }) : () -> ()
        %dma_start3A_189 = arith.constant 0 : i32
        %dma_start3A_190 = arith.constant 0 : i32
        %dma_start3A_191 = tpu.memref_slice %arg15[%dma_start3A_189, %dma_start3A_190] : memref<1x48xi32, #tpu.memory_space<vmem>> -> memref<1x48xi32, #tpu.memory_space<vmem>>
        %dma_start3A_192 = tpu.memref_squeeze %dma_start3A_191 : memref<1x48xi32, #tpu.memory_space<vmem>> -> memref<48xi32, #tpu.memory_space<vmem>>
        %dma_start3A_193 = arith.constant 0 : i32
        %dma_start3A_194 = arith.constant 0 : i32
        %dma_start3A_195 = tpu.memref_slice %arg7[%dma_start3A_193, %dma_start3A_194] : memref<10000x128xf32, #tpu.memory_space<hbm>> -> memref<10000x128xf32, #tpu.memory_space<hbm>>
        tpu.enqueue_indirect_dma source(%dma_start3A_195 : memref<10000x128xf32, #tpu.memory_space<hbm>>) target(%arg22 : memref<48x128xf32, #tpu.memory_space<vmem>>) offsets(%dma_start3A_192 : memref<48xi32, #tpu.memory_space<vmem>>) semaphore(%arg28 : memref<!tpu.dma_semaphore, #tpu.memory_space<semaphore_mem>>)
      } else {
      }
      %mul3A_117 = arith.constant 3 : i32
      %mul3A_118 = arith.muli %mul3A_117, %add3A_89 : i32
      %add3A_119 = arith.constant 1 : i32
      %add3A_120 = arith.addi %mul3A_118, %add3A_119 : i32
      %dma_wait3A_121 = arith.constant 0 : i32
      %dma_wait3A_122 = arith.constant 0 : i32
      %dma_wait3A_123 = tpu.memref_slice %arg13[%dma_wait3A_121, %dma_wait3A_122] : memref<1x48xi32, #tpu.memory_space<vmem>> -> memref<1x48xi32, #tpu.memory_space<vmem>>
      %dma_wait3A_124 = tpu.memref_squeeze %dma_wait3A_123 : memref<1x48xi32, #tpu.memory_space<vmem>> -> memref<48xi32, #tpu.memory_space<vmem>>
      %dma_wait3A_125 = arith.constant 0 : i32
      %dma_wait3A_126 = arith.constant 0 : i32
      %dma_wait3A_127 = tpu.memref_slice %arg7[%dma_wait3A_125, %dma_wait3A_126] : memref<10000x128xf32, #tpu.memory_space<hbm>> -> memref<10000x128xf32, #tpu.memory_space<hbm>>
      tpu.wait_indirect_dma semaphore(%arg27 : memref<!tpu.dma_semaphore, #tpu.memory_space<semaphore_mem>>) src(%dma_wait3A_127 : memref<10000x128xf32, #tpu.memory_space<hbm>>) dst(%arg21 : memref<48x128xf32, #tpu.memory_space<vmem>>)
      %parallel_loop3A_128 = arith.constant 0 : i32
      %parallel_loop3A_129 = arith.constant 3 : i32
      %parallel_loop3A_130 = arith.constant 1 : i32
      scf.for %parallel_loop3A_179 = %parallel_loop3A_128 to %parallel_loop3A_129 step %parallel_loop3A_130  : i32 {
        %parallel_loop3A_180 = arith.constant 16 : i32
        %parallel_loop3A_181 = arith.muli %parallel_loop3A_179, %parallel_loop3A_180 : i32
        %parallel_loop3A_182 = vector.broadcast %parallel_loop3A_181 : i32 to vector<16xi32>
        %parallel_loop3A_183 = arith.addi %parallel_loop3A_182, %iota3A : vector<16xi32>
        %parallel_loop3A_184 = tpu.vector_load_idx %arg13[%broadcast_in_dim3A_1, %parallel_loop3A_183] : memref<1x48xi32, #tpu.memory_space<vmem>>[vector<16xi32>, vector<16xi32>], vector<16xi32>,
        %parallel_loop3A_185 = arith.constant 16 : i32
        %parallel_loop3A_186 = arith.muli %parallel_loop3A_179, %parallel_loop3A_185 : i32
        %parallel_loop3A_187 = vector.broadcast %parallel_loop3A_186 : i32 to vector<16xi32>
        %parallel_loop3A_188 = arith.addi %parallel_loop3A_187, %iota3A : vector<16xi32>
        %parallel_loop3A_189 = tpu.vector_load_idx %arg14[%broadcast_in_dim3A_1, %parallel_loop3A_188] : memref<1x48xi32, #tpu.memory_space<vmem>>[vector<16xi32>, vector<16xi32>], vector<16xi32>,
        %parallel_loop3A_190 = tpu.vector_load_idx %arg17[%parallel_loop3A_184] : memref<10112xf32, #tpu.memory_space<vmem>>[vector<16xi32>], vector<16xf32>,
        %parallel_loop3A_191 = tpu.vector_load_idx %arg18[%parallel_loop3A_189] : memref<10112xf32, #tpu.memory_space<vmem>>[vector<16xi32>], vector<16xf32>,
        %parallel_loop3A_192 = arith.addf %parallel_loop3A_190, %parallel_loop3A_191 : vector<16xf32>
        %parallel_loop3A_193 = arith.constant 0.000000e+00 : f32
        %parallel_loop3A_194 = vector.broadcast %parallel_loop3A_193 : f32 to vector<16xf32>
        %parallel_loop3A_195 = arith.cmpf ogt, %parallel_loop3A_192, %parallel_loop3A_194 : vector<16xf32>
        %parallel_loop3A_196 = arith.constant 2.000000e-01 : f32
        %parallel_loop3A_197 = vector.broadcast %parallel_loop3A_196 : f32 to vector<16xf32>
        %parallel_loop3A_198 = arith.mulf %parallel_loop3A_197, %parallel_loop3A_192 : vector<16xf32>
        %parallel_loop3A_199 = arith.select %parallel_loop3A_195, %parallel_loop3A_192, %parallel_loop3A_198 : vector<16xi1>, vector<16xf32>
        %parallel_loop3A_200 = arith.constant 16 : i32
        %parallel_loop3A_201 = arith.muli %parallel_loop3A_179, %parallel_loop3A_200 : i32
        %parallel_loop3A_202 = vector.broadcast %parallel_loop3A_201 : i32 to vector<16xi32>
        %parallel_loop3A_203 = arith.addi %parallel_loop3A_202, %iota3A : vector<16xi32>
        %parallel_loop3A_204 = arith.subf %parallel_loop3A_199, %get3A_4 : vector<16xf32>
        %parallel_loop3A_205 = math.exp %parallel_loop3A_204 : vector<16xf32>
        tpu.vector_store_idx %arg23[%parallel_loop3A_203], %parallel_loop3A_205 : memref<48xf32, #tpu.memory_space<vmem>>[vector<16xi32>], vector<16xf32>,
      } {sc.loop_unroll_factor = 3 : i64, sc.parallel_access}
      %parallel_loop3A_131 = arith.constant 0 : i32
      %parallel_loop3A_132 = arith.constant 48 : i32
      %parallel_loop3A_133 = arith.constant 1 : i32
      scf.for %parallel_loop3A_179 = %parallel_loop3A_131 to %parallel_loop3A_132 step %parallel_loop3A_133  : i32 {
        %parallel_loop3A_180 = vector.broadcast %parallel_loop3A_179 : i32 to vector<16xi32>
        %parallel_loop3A_181 = arith.addi %broadcast_in_dim3A_1, %parallel_loop3A_180 : vector<16xi32>
        %parallel_loop3A_182 = tpu.vector_load_idx %arg23[%parallel_loop3A_181] : memref<48xf32, #tpu.memory_space<vmem>>[vector<16xi32>], vector<16xf32>,
        %parallel_loop3A_183 = arith.constant 0 : i32
        %parallel_loop3A_184 = vector.broadcast %parallel_loop3A_183 : i32 to vector<16xi32>
        %parallel_loop3A_185 = arith.addi %parallel_loop3A_184, %iota3A : vector<16xi32>
        %parallel_loop3A_186 = tpu.vector_load_idx %arg21[%parallel_loop3A_181, %parallel_loop3A_185] : memref<48x128xf32, #tpu.memory_space<vmem>>[vector<16xi32>, vector<16xi32>], vector<16xf32>,
        %parallel_loop3A_187 = arith.constant 0 : i32
        %parallel_loop3A_188 = vector.broadcast %parallel_loop3A_187 : i32 to vector<16xi32>
        %parallel_loop3A_189 = arith.addi %parallel_loop3A_188, %iota3A : vector<16xi32>
        %parallel_loop3A_190 = arith.mulf %parallel_loop3A_186, %parallel_loop3A_182 : vector<16xf32>
        tpu.vector_store_idx %arg21[%parallel_loop3A_181, %parallel_loop3A_189], %parallel_loop3A_190 : memref<48x128xf32, #tpu.memory_space<vmem>>[vector<16xi32>, vector<16xi32>], vector<16xf32>,
        %parallel_loop3A_191 = arith.constant 16 : i32
        %parallel_loop3A_192 = vector.broadcast %parallel_loop3A_191 : i32 to vector<16xi32>
        %parallel_loop3A_193 = arith.addi %parallel_loop3A_192, %iota3A : vector<16xi32>
        %parallel_loop3A_194 = tpu.vector_load_idx %arg21[%parallel_loop3A_181, %parallel_loop3A_193] : memref<48x128xf32, #tpu.memory_space<vmem>>[vector<16xi32>, vector<16xi32>], vector<16xf32>,
        %parallel_loop3A_195 = arith.constant 16 : i32
        %parallel_loop3A_196 = vector.broadcast %parallel_loop3A_195 : i32 to vector<16xi32>
        %parallel_loop3A_197 = arith.addi %parallel_loop3A_196, %iota3A : vector<16xi32>
        %parallel_loop3A_198 = arith.mulf %parallel_loop3A_194, %parallel_loop3A_182 : vector<16xf32>
        tpu.vector_store_idx %arg21[%parallel_loop3A_181, %parallel_loop3A_197], %parallel_loop3A_198 : memref<48x128xf32, #tpu.memory_space<vmem>>[vector<16xi32>, vector<16xi32>], vector<16xf32>,
        %parallel_loop3A_199 = arith.constant 32 : i32
        %parallel_loop3A_200 = vector.broadcast %parallel_loop3A_199 : i32 to vector<16xi32>
        %parallel_loop3A_201 = arith.addi %parallel_loop3A_200, %iota3A : vector<16xi32>
        %parallel_loop3A_202 = tpu.vector_load_idx %arg21[%parallel_loop3A_181, %parallel_loop3A_201] : memref<48x128xf32, #tpu.memory_space<vmem>>[vector<16xi32>, vector<16xi32>], vector<16xf32>,
        %parallel_loop3A_203 = arith.constant 32 : i32
        %parallel_loop3A_204 = vector.broadcast %parallel_loop3A_203 : i32 to vector<16xi32>
        %parallel_loop3A_205 = arith.addi %parallel_loop3A_204, %iota3A : vector<16xi32>
        %parallel_loop3A_206 = arith.mulf %parallel_loop3A_202, %parallel_loop3A_182 : vector<16xf32>
        tpu.vector_store_idx %arg21[%parallel_loop3A_181, %parallel_loop3A_205], %parallel_loop3A_206 : memref<48x128xf32, #tpu.memory_space<vmem>>[vector<16xi32>, vector<16xi32>], vector<16xf32>,
        %parallel_loop3A_207 = arith.constant 48 : i32
        %parallel_loop3A_208 = vector.broadcast %parallel_loop3A_207 : i32 to vector<16xi32>
        %parallel_loop3A_209 = arith.addi %parallel_loop3A_208, %iota3A : vector<16xi32>
        %parallel_loop3A_210 = tpu.vector_load_idx %arg21[%parallel_loop3A_181, %parallel_loop3A_209] : memref<48x128xf32, #tpu.memory_space<vmem>>[vector<16xi32>, vector<16xi32>], vector<16xf32>,
        %parallel_loop3A_211 = arith.constant 48 : i32
        %parallel_loop3A_212 = vector.broadcast %parallel_loop3A_211 : i32 to vector<16xi32>
        %parallel_loop3A_213 = arith.addi %parallel_loop3A_212, %iota3A : vector<16xi32>
        %parallel_loop3A_214 = arith.mulf %parallel_loop3A_210, %parallel_loop3A_182 : vector<16xf32>
        tpu.vector_store_idx %arg21[%parallel_loop3A_181, %parallel_loop3A_213], %parallel_loop3A_214 : memref<48x128xf32, #tpu.memory_space<vmem>>[vector<16xi32>, vector<16xi32>], vector<16xf32>,
        %parallel_loop3A_215 = arith.constant 64 : i32
        %parallel_loop3A_216 = vector.broadcast %parallel_loop3A_215 : i32 to vector<16xi32>
        %parallel_loop3A_217 = arith.addi %parallel_loop3A_216, %iota3A : vector<16xi32>
        %parallel_loop3A_218 = tpu.vector_load_idx %arg21[%parallel_loop3A_181, %parallel_loop3A_217] : memref<48x128xf32, #tpu.memory_space<vmem>>[vector<16xi32>, vector<16xi32>], vector<16xf32>,
        %parallel_loop3A_219 = arith.constant 64 : i32
        %parallel_loop3A_220 = vector.broadcast %parallel_loop3A_219 : i32 to vector<16xi32>
        %parallel_loop3A_221 = arith.addi %parallel_loop3A_220, %iota3A : vector<16xi32>
        %parallel_loop3A_222 = arith.mulf %parallel_loop3A_218, %parallel_loop3A_182 : vector<16xf32>
        tpu.vector_store_idx %arg21[%parallel_loop3A_181, %parallel_loop3A_221], %parallel_loop3A_222 : memref<48x128xf32, #tpu.memory_space<vmem>>[vector<16xi32>, vector<16xi32>], vector<16xf32>,
        %parallel_loop3A_223 = arith.constant 80 : i32
        %parallel_loop3A_224 = vector.broadcast %parallel_loop3A_223 : i32 to vector<16xi32>
        %parallel_loop3A_225 = arith.addi %parallel_loop3A_224, %iota3A : vector<16xi32>
        %parallel_loop3A_226 = tpu.vector_load_idx %arg21[%parallel_loop3A_181, %parallel_loop3A_225] : memref<48x128xf32, #tpu.memory_space<vmem>>[vector<16xi32>, vector<16xi32>], vector<16xf32>,
        %parallel_loop3A_227 = arith.constant 80 : i32
        %parallel_loop3A_228 = vector.broadcast %parallel_loop3A_227 : i32 to vector<16xi32>
        %parallel_loop3A_229 = arith.addi %parallel_loop3A_228, %iota3A : vector<16xi32>
        %parallel_loop3A_230 = arith.mulf %parallel_loop3A_226, %parallel_loop3A_182 : vector<16xf32>
        tpu.vector_store_idx %arg21[%parallel_loop3A_181, %parallel_loop3A_229], %parallel_loop3A_230 : memref<48x128xf32, #tpu.memory_space<vmem>>[vector<16xi32>, vector<16xi32>], vector<16xf32>,
        %parallel_loop3A_231 = arith.constant 96 : i32
        %parallel_loop3A_232 = vector.broadcast %parallel_loop3A_231 : i32 to vector<16xi32>
        %parallel_loop3A_233 = arith.addi %parallel_loop3A_232, %iota3A : vector<16xi32>
        %parallel_loop3A_234 = tpu.vector_load_idx %arg21[%parallel_loop3A_181, %parallel_loop3A_233] : memref<48x128xf32, #tpu.memory_space<vmem>>[vector<16xi32>, vector<16xi32>], vector<16xf32>,
        %parallel_loop3A_235 = arith.constant 96 : i32
        %parallel_loop3A_236 = vector.broadcast %parallel_loop3A_235 : i32 to vector<16xi32>
        %parallel_loop3A_237 = arith.addi %parallel_loop3A_236, %iota3A : vector<16xi32>
        %parallel_loop3A_238 = arith.mulf %parallel_loop3A_234, %parallel_loop3A_182 : vector<16xf32>
        tpu.vector_store_idx %arg21[%parallel_loop3A_181, %parallel_loop3A_237], %parallel_loop3A_238 : memref<48x128xf32, #tpu.memory_space<vmem>>[vector<16xi32>, vector<16xi32>], vector<16xf32>,
        %parallel_loop3A_239 = arith.constant 112 : i32
        %parallel_loop3A_240 = vector.broadcast %parallel_loop3A_239 : i32 to vector<16xi32>
        %parallel_loop3A_241 = arith.addi %parallel_loop3A_240, %iota3A : vector<16xi32>
        %parallel_loop3A_242 = tpu.vector_load_idx %arg21[%parallel_loop3A_181, %parallel_loop3A_241] : memref<48x128xf32, #tpu.memory_space<vmem>>[vector<16xi32>, vector<16xi32>], vector<16xf32>,
        %parallel_loop3A_243 = arith.constant 112 : i32
        %parallel_loop3A_244 = vector.broadcast %parallel_loop3A_243 : i32 to vector<16xi32>
        %parallel_loop3A_245 = arith.addi %parallel_loop3A_244, %iota3A : vector<16xi32>
        %parallel_loop3A_246 = arith.mulf %parallel_loop3A_242, %parallel_loop3A_182 : vector<16xf32>
        tpu.vector_store_idx %arg21[%parallel_loop3A_181, %parallel_loop3A_245], %parallel_loop3A_246 : memref<48x128xf32, #tpu.memory_space<vmem>>[vector<16xi32>, vector<16xi32>], vector<16xf32>,
        %parallel_loop3A_247 = tpu.vector_load_idx %arg14[%broadcast_in_dim3A_1, %parallel_loop3A_181] : memref<1x48xi32, #tpu.memory_space<vmem>>[vector<16xi32>, vector<16xi32>], vector<16xi32>,
        %parallel_loop3A_248 = arith.constant 0 : i32
        %parallel_loop3A_249 = vector.broadcast %parallel_loop3A_248 : i32 to vector<16xi32>
        %parallel_loop3A_250 = arith.cmpi eq, %iota3A, %parallel_loop3A_249 : vector<16xi32>
        tpu.vector_store_idx %arg24[%parallel_loop3A_247], %parallel_loop3A_182 masked %parallel_loop3A_250 {add = true} : memref<10112xf32, #tpu.memory_space<vmem>>[vector<16xi32>], vector<16xf32>, vector<16xi1>
      } {sc.loop_unroll_factor = 8 : i64, sc.parallel_access}
      %dma_start3A_134 = arith.constant 0 : i32
      %dma_start3A_135 = arith.constant 0 : i32
      %dma_start3A_136 = tpu.memref_slice %arg14[%dma_start3A_134, %dma_start3A_135] : memref<1x48xi32, #tpu.memory_space<vmem>> -> memref<1x48xi32, #tpu.memory_space<vmem>>
      %dma_start3A_137 = tpu.memref_squeeze %dma_start3A_136 : memref<1x48xi32, #tpu.memory_space<vmem>> -> memref<48xi32, #tpu.memory_space<vmem>>
      %dma_start3A_138 = arith.constant 0 : i32
      %dma_start3A_139 = arith.constant 0 : i32
      %dma_start3A_140 = tpu.memref_slice %arg25[%dma_start3A_138, %dma_start3A_139] : memref<10112x128xf32, #tpu.memory_space<vmem_shared>> -> memref<10112x128xf32, #tpu.memory_space<vmem_shared>>
      tpu.enqueue_indirect_dma source(%arg21 : memref<48x128xf32, #tpu.memory_space<vmem>>) target(%dma_start3A_140 : memref<10112x128xf32, #tpu.memory_space<vmem_shared>>) offsets(%dma_start3A_137 : memref<48xi32, #tpu.memory_space<vmem>>) semaphore(%arg30 : memref<!tpu.dma_semaphore, #tpu.memory_space<semaphore_mem>>) {add = true}
      %add3A_141 = arith.constant 2 : i32
      %add3A_142 = arith.addi %add3A_120, %add3A_141 : i32
      %lt3A_143 = arith.constant 210 : i32
      %lt3A_144 = arith.cmpi slt, %add3A_142, %lt3A_143 : i32
      %convert_element_type3A_145 = arith.extui %lt3A_144 : i1 to i32
      %cond3A_146 = arith.constant 0 : i32
      %cond3A_147 = arith.cmpi ne, %convert_element_type3A_145, %cond3A_146 : i32
      scf.if %cond3A_147 {
        %gt3A = arith.constant 0 : i32
        %gt3A_179 = arith.cmpi sgt, %add3A_120, %gt3A : i32
        %convert_element_type3A_180 = arith.extui %gt3A_179 : i1 to i32
        %cond3A_181 = arith.constant 0 : i32
        %cond3A_182 = arith.cmpi ne, %convert_element_type3A_180, %cond3A_181 : i32
        scf.if %cond3A_182 {
          %dma_wait3A_196 = arith.constant 0 : i32
          %dma_wait3A_197 = arith.constant 0 : i32
          %dma_wait3A_198 = tpu.memref_slice %arg12[%dma_wait3A_196, %dma_wait3A_197] : memref<1x48xi32, #tpu.memory_space<vmem>> -> memref<1x48xi32, #tpu.memory_space<vmem>>
          %dma_wait3A_199 = tpu.memref_squeeze %dma_wait3A_198 : memref<1x48xi32, #tpu.memory_space<vmem>> -> memref<48xi32, #tpu.memory_space<vmem>>
          %dma_wait3A_200 = arith.constant 0 : i32
          %dma_wait3A_201 = arith.constant 0 : i32
          %dma_wait3A_202 = tpu.memref_slice %arg25[%dma_wait3A_200, %dma_wait3A_201] : memref<10112x128xf32, #tpu.memory_space<vmem_shared>> -> memref<10112x128xf32, #tpu.memory_space<vmem_shared>>
          tpu.wait_indirect_dma semaphore(%arg29 : memref<!tpu.dma_semaphore, #tpu.memory_space<semaphore_mem>>) src(%arg20 : memref<48x128xf32, #tpu.memory_space<vmem>>) dst(%dma_wait3A_202 : memref<10112x128xf32, #tpu.memory_space<vmem_shared>>)
        } else {
        }
        %add3A_183 = arith.constant 2 : i32
        %add3A_184 = arith.addi %add3A_120, %add3A_183 : i32
        %run_scoped3A_185 = arith.constant 0 : i32
        "tpu.region"() ({
          %run_scoped3A_196 = tpu.sem_alloc : memref<!tpu.dma_semaphore, #tpu.memory_space<semaphore_mem>>
          %dma_start3A_197 = arith.constant 0 : i32
          %dma_start3A_198 = tpu.memref_slice %arg11[%run_scoped3A_185, %dma_start3A_197] : memref<1x48xi32, #tpu.memory_space<vmem>> -> memref<1x48xi32, #tpu.memory_space<vmem>>
          %dma_start3A_199 = tpu.memref_squeeze %dma_start3A_198 : memref<1x48xi32, #tpu.memory_space<vmem>> -> memref<48xi32, #tpu.memory_space<vmem>>
          %dma_start3A_200 = arith.constant 0 : i32
          %dma_start3A_201 = tpu.memref_slice %arg2[%add3A, %add3A_184, %dma_start3A_200] : memref<32x210x48xi32, #tpu.memory_space<hbm>> -> memref<1x1x48xi32, #tpu.memory_space<hbm>>
          %dma_start3A_202 = tpu.memref_squeeze %dma_start3A_201 : memref<1x1x48xi32, #tpu.memory_space<hbm>> -> memref<48xi32, #tpu.memory_space<hbm>>
          %dma_start3A_203 = arith.constant 0 : i32
          %dma_start3A_204 = tpu.memref_slice %arg11[%run_scoped3A_185, %dma_start3A_203] : memref<1x48xi32, #tpu.memory_space<vmem>> -> memref<1x48xi32, #tpu.memory_space<vmem>>
          %dma_start3A_205 = tpu.memref_squeeze %dma_start3A_204 : memref<1x48xi32, #tpu.memory_space<vmem>> -> memref<48xi32, #tpu.memory_space<vmem>>
          %dma_start3A_206 = arith.constant 0 : i32
          %dma_start3A_207 = tpu.memref_slice %arg2[%add3A, %add3A_184, %dma_start3A_206] : memref<32x210x48xi32, #tpu.memory_space<hbm>> -> memref<1x1x48xi32, #tpu.memory_space<hbm>>
          %dma_start3A_208 = tpu.memref_squeeze %dma_start3A_207 : memref<1x1x48xi32, #tpu.memory_space<hbm>> -> memref<48xi32, #tpu.memory_space<hbm>>
          tpu.enqueue_dma source(%dma_start3A_208 : memref<48xi32, #tpu.memory_space<hbm>>) target(%dma_start3A_205 : memref<48xi32, #tpu.memory_space<vmem>>) target_semaphore(%run_scoped3A_196 : memref<!tpu.dma_semaphore, #tpu.memory_space<semaphore_mem>>)
          %dma_wait3A_209 = arith.constant 0 : i32
          %dma_wait3A_210 = tpu.memref_slice %arg11[%run_scoped3A_185, %dma_wait3A_209] : memref<1x48xi32, #tpu.memory_space<vmem>> -> memref<1x48xi32, #tpu.memory_space<vmem>>
          %dma_wait3A_211 = tpu.memref_squeeze %dma_wait3A_210 : memref<1x48xi32, #tpu.memory_space<vmem>> -> memref<48xi32, #tpu.memory_space<vmem>>
          %dma_wait3A_212 = arith.constant 0 : i32
          %dma_wait3A_213 = tpu.memref_slice %arg2[%add3A, %add3A_184, %dma_wait3A_212] : memref<32x210x48xi32, #tpu.memory_space<hbm>> -> memref<1x1x48xi32, #tpu.memory_space<hbm>>
          %dma_wait3A_214 = tpu.memref_squeeze %dma_wait3A_213 : memref<1x1x48xi32, #tpu.memory_space<hbm>> -> memref<48xi32, #tpu.memory_space<hbm>>
          %dma_wait3A_215 = arith.constant 0 : i32
          %dma_wait3A_216 = tpu.memref_slice %arg11[%run_scoped3A_185, %dma_wait3A_215] : memref<1x48xi32, #tpu.memory_space<vmem>> -> memref<1x48xi32, #tpu.memory_space<vmem>>
          %dma_wait3A_217 = tpu.memref_squeeze %dma_wait3A_216 : memref<1x48xi32, #tpu.memory_space<vmem>> -> memref<48xi32, #tpu.memory_space<vmem>>
          %dma_wait3A_218 = arith.constant 0 : i32
          %dma_wait3A_219 = tpu.memref_slice %arg2[%add3A, %add3A_184, %dma_wait3A_218] : memref<32x210x48xi32, #tpu.memory_space<hbm>> -> memref<1x1x48xi32, #tpu.memory_space<hbm>>
          %dma_wait3A_220 = tpu.memref_squeeze %dma_wait3A_219 : memref<1x1x48xi32, #tpu.memory_space<hbm>> -> memref<48xi32, #tpu.memory_space<hbm>>
          tpu.wait_dma2 semaphore(%run_scoped3A_196 : memref<!tpu.dma_semaphore, #tpu.memory_space<semaphore_mem>>) src(%dma_wait3A_220 : memref<48xi32, #tpu.memory_space<hbm>>) dst(%dma_wait3A_217 : memref<48xi32, #tpu.memory_space<vmem>>)
          tpu.yield
        }) : () -> ()
        %add3A_186 = arith.constant 2 : i32
        %add3A_187 = arith.addi %add3A_120, %add3A_186 : i32
        %run_scoped3A_188 = arith.constant 0 : i32
        "tpu.region"() ({
          %run_scoped3A_196 = tpu.sem_alloc : memref<!tpu.dma_semaphore, #tpu.memory_space<semaphore_mem>>
          %dma_start3A_197 = arith.constant 0 : i32
          %dma_start3A_198 = tpu.memref_slice %arg12[%run_scoped3A_188, %dma_start3A_197] : memref<1x48xi32, #tpu.memory_space<vmem>> -> memref<1x48xi32, #tpu.memory_space<vmem>>
          %dma_start3A_199 = tpu.memref_squeeze %dma_start3A_198 : memref<1x48xi32, #tpu.memory_space<vmem>> -> memref<48xi32, #tpu.memory_space<vmem>>
          %dma_start3A_200 = arith.constant 0 : i32
          %dma_start3A_201 = tpu.memref_slice %arg3[%add3A, %add3A_187, %dma_start3A_200] : memref<32x210x48xi32, #tpu.memory_space<hbm>> -> memref<1x1x48xi32, #tpu.memory_space<hbm>>
          %dma_start3A_202 = tpu.memref_squeeze %dma_start3A_201 : memref<1x1x48xi32, #tpu.memory_space<hbm>> -> memref<48xi32, #tpu.memory_space<hbm>>
          %dma_start3A_203 = arith.constant 0 : i32
          %dma_start3A_204 = tpu.memref_slice %arg12[%run_scoped3A_188, %dma_start3A_203] : memref<1x48xi32, #tpu.memory_space<vmem>> -> memref<1x48xi32, #tpu.memory_space<vmem>>
          %dma_start3A_205 = tpu.memref_squeeze %dma_start3A_204 : memref<1x48xi32, #tpu.memory_space<vmem>> -> memref<48xi32, #tpu.memory_space<vmem>>
          %dma_start3A_206 = arith.constant 0 : i32
          %dma_start3A_207 = tpu.memref_slice %arg3[%add3A, %add3A_187, %dma_start3A_206] : memref<32x210x48xi32, #tpu.memory_space<hbm>> -> memref<1x1x48xi32, #tpu.memory_space<hbm>>
          %dma_start3A_208 = tpu.memref_squeeze %dma_start3A_207 : memref<1x1x48xi32, #tpu.memory_space<hbm>> -> memref<48xi32, #tpu.memory_space<hbm>>
          tpu.enqueue_dma source(%dma_start3A_208 : memref<48xi32, #tpu.memory_space<hbm>>) target(%dma_start3A_205 : memref<48xi32, #tpu.memory_space<vmem>>) target_semaphore(%run_scoped3A_196 : memref<!tpu.dma_semaphore, #tpu.memory_space<semaphore_mem>>)
          %dma_wait3A_209 = arith.constant 0 : i32
          %dma_wait3A_210 = tpu.memref_slice %arg12[%run_scoped3A_188, %dma_wait3A_209] : memref<1x48xi32, #tpu.memory_space<vmem>> -> memref<1x48xi32, #tpu.memory_space<vmem>>
          %dma_wait3A_211 = tpu.memref_squeeze %dma_wait3A_210 : memref<1x48xi32, #tpu.memory_space<vmem>> -> memref<48xi32, #tpu.memory_space<vmem>>
          %dma_wait3A_212 = arith.constant 0 : i32
          %dma_wait3A_213 = tpu.memref_slice %arg3[%add3A, %add3A_187, %dma_wait3A_212] : memref<32x210x48xi32, #tpu.memory_space<hbm>> -> memref<1x1x48xi32, #tpu.memory_space<hbm>>
          %dma_wait3A_214 = tpu.memref_squeeze %dma_wait3A_213 : memref<1x1x48xi32, #tpu.memory_space<hbm>> -> memref<48xi32, #tpu.memory_space<hbm>>
          %dma_wait3A_215 = arith.constant 0 : i32
          %dma_wait3A_216 = tpu.memref_slice %arg12[%run_scoped3A_188, %dma_wait3A_215] : memref<1x48xi32, #tpu.memory_space<vmem>> -> memref<1x48xi32, #tpu.memory_space<vmem>>
          %dma_wait3A_217 = tpu.memref_squeeze %dma_wait3A_216 : memref<1x48xi32, #tpu.memory_space<vmem>> -> memref<48xi32, #tpu.memory_space<vmem>>
          %dma_wait3A_218 = arith.constant 0 : i32
          %dma_wait3A_219 = tpu.memref_slice %arg3[%add3A, %add3A_187, %dma_wait3A_218] : memref<32x210x48xi32, #tpu.memory_space<hbm>> -> memref<1x1x48xi32, #tpu.memory_space<hbm>>
          %dma_wait3A_220 = tpu.memref_squeeze %dma_wait3A_219 : memref<1x1x48xi32, #tpu.memory_space<hbm>> -> memref<48xi32, #tpu.memory_space<hbm>>
          tpu.wait_dma2 semaphore(%run_scoped3A_196 : memref<!tpu.dma_semaphore, #tpu.memory_space<semaphore_mem>>) src(%dma_wait3A_220 : memref<48xi32, #tpu.memory_space<hbm>>) dst(%dma_wait3A_217 : memref<48xi32, #tpu.memory_space<vmem>>)
          tpu.yield
        }) : () -> ()
        %dma_start3A_189 = arith.constant 0 : i32
        %dma_start3A_190 = arith.constant 0 : i32
        %dma_start3A_191 = tpu.memref_slice %arg11[%dma_start3A_189, %dma_start3A_190] : memref<1x48xi32, #tpu.memory_space<vmem>> -> memref<1x48xi32, #tpu.memory_space<vmem>>
        %dma_start3A_192 = tpu.memref_squeeze %dma_start3A_191 : memref<1x48xi32, #tpu.memory_space<vmem>> -> memref<48xi32, #tpu.memory_space<vmem>>
        %dma_start3A_193 = arith.constant 0 : i32
        %dma_start3A_194 = arith.constant 0 : i32
        %dma_start3A_195 = tpu.memref_slice %arg7[%dma_start3A_193, %dma_start3A_194] : memref<10000x128xf32, #tpu.memory_space<hbm>> -> memref<10000x128xf32, #tpu.memory_space<hbm>>
        tpu.enqueue_indirect_dma source(%dma_start3A_195 : memref<10000x128xf32, #tpu.memory_space<hbm>>) target(%arg20 : memref<48x128xf32, #tpu.memory_space<vmem>>) offsets(%dma_start3A_192 : memref<48xi32, #tpu.memory_space<vmem>>) semaphore(%arg26 : memref<!tpu.dma_semaphore, #tpu.memory_space<semaphore_mem>>)
      } else {
      }
      %mul3A_148 = arith.constant 3 : i32
      %mul3A_149 = arith.muli %mul3A_148, %add3A_89 : i32
      %add3A_150 = arith.constant 2 : i32
      %add3A_151 = arith.addi %mul3A_149, %add3A_150 : i32
      %dma_wait3A_152 = arith.constant 0 : i32
      %dma_wait3A_153 = arith.constant 0 : i32
      %dma_wait3A_154 = tpu.memref_slice %arg15[%dma_wait3A_152, %dma_wait3A_153] : memref<1x48xi32, #tpu.memory_space<vmem>> -> memref<1x48xi32, #tpu.memory_space<vmem>>
      %dma_wait3A_155 = tpu.memref_squeeze %dma_wait3A_154 : memref<1x48xi32, #tpu.memory_space<vmem>> -> memref<48xi32, #tpu.memory_space<vmem>>
      %dma_wait3A_156 = arith.constant 0 : i32
      %dma_wait3A_157 = arith.constant 0 : i32
      %dma_wait3A_158 = tpu.memref_slice %arg7[%dma_wait3A_156, %dma_wait3A_157] : memref<10000x128xf32, #tpu.memory_space<hbm>> -> memref<10000x128xf32, #tpu.memory_space<hbm>>
      tpu.wait_indirect_dma semaphore(%arg28 : memref<!tpu.dma_semaphore, #tpu.memory_space<semaphore_mem>>) src(%dma_wait3A_158 : memref<10000x128xf32, #tpu.memory_space<hbm>>) dst(%arg22 : memref<48x128xf32, #tpu.memory_space<vmem>>)
      %parallel_loop3A_159 = arith.constant 0 : i32
      %parallel_loop3A_160 = arith.constant 3 : i32
      %parallel_loop3A_161 = arith.constant 1 : i32
      scf.for %parallel_loop3A_179 = %parallel_loop3A_159 to %parallel_loop3A_160 step %parallel_loop3A_161  : i32 {
        %parallel_loop3A_180 = arith.constant 16 : i32
        %parallel_loop3A_181 = arith.muli %parallel_loop3A_179, %parallel_loop3A_180 : i32
        %parallel_loop3A_182 = vector.broadcast %parallel_loop3A_181 : i32 to vector<16xi32>
        %parallel_loop3A_183 = arith.addi %parallel_loop3A_182, %iota3A : vector<16xi32>
        %parallel_loop3A_184 = tpu.vector_load_idx %arg15[%broadcast_in_dim3A_1, %parallel_loop3A_183] : memref<1x48xi32, #tpu.memory_space<vmem>>[vector<16xi32>, vector<16xi32>], vector<16xi32>,
        %parallel_loop3A_185 = arith.constant 16 : i32
        %parallel_loop3A_186 = arith.muli %parallel_loop3A_179, %parallel_loop3A_185 : i32
        %parallel_loop3A_187 = vector.broadcast %parallel_loop3A_186 : i32 to vector<16xi32>
        %parallel_loop3A_188 = arith.addi %parallel_loop3A_187, %iota3A : vector<16xi32>
        %parallel_loop3A_189 = tpu.vector_load_idx %arg16[%broadcast_in_dim3A_1, %parallel_loop3A_188] : memref<1x48xi32, #tpu.memory_space<vmem>>[vector<16xi32>, vector<16xi32>], vector<16xi32>,
        %parallel_loop3A_190 = tpu.vector_load_idx %arg17[%parallel_loop3A_184] : memref<10112xf32, #tpu.memory_space<vmem>>[vector<16xi32>], vector<16xf32>,
        %parallel_loop3A_191 = tpu.vector_load_idx %arg18[%parallel_loop3A_189] : memref<10112xf32, #tpu.memory_space<vmem>>[vector<16xi32>], vector<16xf32>,
        %parallel_loop3A_192 = arith.addf %parallel_loop3A_190, %parallel_loop3A_191 : vector<16xf32>
        %parallel_loop3A_193 = arith.constant 0.000000e+00 : f32
        %parallel_loop3A_194 = vector.broadcast %parallel_loop3A_193 : f32 to vector<16xf32>
        %parallel_loop3A_195 = arith.cmpf ogt, %parallel_loop3A_192, %parallel_loop3A_194 : vector<16xf32>
        %parallel_loop3A_196 = arith.constant 2.000000e-01 : f32
        %parallel_loop3A_197 = vector.broadcast %parallel_loop3A_196 : f32 to vector<16xf32>
        %parallel_loop3A_198 = arith.mulf %parallel_loop3A_197, %parallel_loop3A_192 : vector<16xf32>
        %parallel_loop3A_199 = arith.select %parallel_loop3A_195, %parallel_loop3A_192, %parallel_loop3A_198 : vector<16xi1>, vector<16xf32>
        %parallel_loop3A_200 = arith.constant 16 : i32
        %parallel_loop3A_201 = arith.muli %parallel_loop3A_179, %parallel_loop3A_200 : i32
        %parallel_loop3A_202 = vector.broadcast %parallel_loop3A_201 : i32 to vector<16xi32>
        %parallel_loop3A_203 = arith.addi %parallel_loop3A_202, %iota3A : vector<16xi32>
        %parallel_loop3A_204 = arith.subf %parallel_loop3A_199, %get3A_4 : vector<16xf32>
        %parallel_loop3A_205 = math.exp %parallel_loop3A_204 : vector<16xf32>
        tpu.vector_store_idx %arg23[%parallel_loop3A_203], %parallel_loop3A_205 : memref<48xf32, #tpu.memory_space<vmem>>[vector<16xi32>], vector<16xf32>,
      } {sc.loop_unroll_factor = 3 : i64, sc.parallel_access}
      %parallel_loop3A_162 = arith.constant 0 : i32
      %parallel_loop3A_163 = arith.constant 48 : i32
      %parallel_loop3A_164 = arith.constant 1 : i32
      scf.for %parallel_loop3A_179 = %parallel_loop3A_162 to %parallel_loop3A_163 step %parallel_loop3A_164  : i32 {
        %parallel_loop3A_180 = vector.broadcast %parallel_loop3A_179 : i32 to vector<16xi32>
        %parallel_loop3A_181 = arith.addi %broadcast_in_dim3A_1, %parallel_loop3A_180 : vector<16xi32>
        %parallel_loop3A_182 = tpu.vector_load_idx %arg23[%parallel_loop3A_181] : memref<48xf32, #tpu.memory_space<vmem>>[vector<16xi32>], vector<16xf32>,
        %parallel_loop3A_183 = arith.constant 0 : i32
        %parallel_loop3A_184 = vector.broadcast %parallel_loop3A_183 : i32 to vector<16xi32>
        %parallel_loop3A_185 = arith.addi %parallel_loop3A_184, %iota3A : vector<16xi32>
        %parallel_loop3A_186 = tpu.vector_load_idx %arg22[%parallel_loop3A_181, %parallel_loop3A_185] : memref<48x128xf32, #tpu.memory_space<vmem>>[vector<16xi32>, vector<16xi32>], vector<16xf32>,
        %parallel_loop3A_187 = arith.constant 0 : i32
        %parallel_loop3A_188 = vector.broadcast %parallel_loop3A_187 : i32 to vector<16xi32>
        %parallel_loop3A_189 = arith.addi %parallel_loop3A_188, %iota3A : vector<16xi32>
        %parallel_loop3A_190 = arith.mulf %parallel_loop3A_186, %parallel_loop3A_182 : vector<16xf32>
        tpu.vector_store_idx %arg22[%parallel_loop3A_181, %parallel_loop3A_189], %parallel_loop3A_190 : memref<48x128xf32, #tpu.memory_space<vmem>>[vector<16xi32>, vector<16xi32>], vector<16xf32>,
        %parallel_loop3A_191 = arith.constant 16 : i32
        %parallel_loop3A_192 = vector.broadcast %parallel_loop3A_191 : i32 to vector<16xi32>
        %parallel_loop3A_193 = arith.addi %parallel_loop3A_192, %iota3A : vector<16xi32>
        %parallel_loop3A_194 = tpu.vector_load_idx %arg22[%parallel_loop3A_181, %parallel_loop3A_193] : memref<48x128xf32, #tpu.memory_space<vmem>>[vector<16xi32>, vector<16xi32>], vector<16xf32>,
        %parallel_loop3A_195 = arith.constant 16 : i32
        %parallel_loop3A_196 = vector.broadcast %parallel_loop3A_195 : i32 to vector<16xi32>
        %parallel_loop3A_197 = arith.addi %parallel_loop3A_196, %iota3A : vector<16xi32>
        %parallel_loop3A_198 = arith.mulf %parallel_loop3A_194, %parallel_loop3A_182 : vector<16xf32>
        tpu.vector_store_idx %arg22[%parallel_loop3A_181, %parallel_loop3A_197], %parallel_loop3A_198 : memref<48x128xf32, #tpu.memory_space<vmem>>[vector<16xi32>, vector<16xi32>], vector<16xf32>,
        %parallel_loop3A_199 = arith.constant 32 : i32
        %parallel_loop3A_200 = vector.broadcast %parallel_loop3A_199 : i32 to vector<16xi32>
        %parallel_loop3A_201 = arith.addi %parallel_loop3A_200, %iota3A : vector<16xi32>
        %parallel_loop3A_202 = tpu.vector_load_idx %arg22[%parallel_loop3A_181, %parallel_loop3A_201] : memref<48x128xf32, #tpu.memory_space<vmem>>[vector<16xi32>, vector<16xi32>], vector<16xf32>,
        %parallel_loop3A_203 = arith.constant 32 : i32
        %parallel_loop3A_204 = vector.broadcast %parallel_loop3A_203 : i32 to vector<16xi32>
        %parallel_loop3A_205 = arith.addi %parallel_loop3A_204, %iota3A : vector<16xi32>
        %parallel_loop3A_206 = arith.mulf %parallel_loop3A_202, %parallel_loop3A_182 : vector<16xf32>
        tpu.vector_store_idx %arg22[%parallel_loop3A_181, %parallel_loop3A_205], %parallel_loop3A_206 : memref<48x128xf32, #tpu.memory_space<vmem>>[vector<16xi32>, vector<16xi32>], vector<16xf32>,
        %parallel_loop3A_207 = arith.constant 48 : i32
        %parallel_loop3A_208 = vector.broadcast %parallel_loop3A_207 : i32 to vector<16xi32>
        %parallel_loop3A_209 = arith.addi %parallel_loop3A_208, %iota3A : vector<16xi32>
        %parallel_loop3A_210 = tpu.vector_load_idx %arg22[%parallel_loop3A_181, %parallel_loop3A_209] : memref<48x128xf32, #tpu.memory_space<vmem>>[vector<16xi32>, vector<16xi32>], vector<16xf32>,
        %parallel_loop3A_211 = arith.constant 48 : i32
        %parallel_loop3A_212 = vector.broadcast %parallel_loop3A_211 : i32 to vector<16xi32>
        %parallel_loop3A_213 = arith.addi %parallel_loop3A_212, %iota3A : vector<16xi32>
        %parallel_loop3A_214 = arith.mulf %parallel_loop3A_210, %parallel_loop3A_182 : vector<16xf32>
        tpu.vector_store_idx %arg22[%parallel_loop3A_181, %parallel_loop3A_213], %parallel_loop3A_214 : memref<48x128xf32, #tpu.memory_space<vmem>>[vector<16xi32>, vector<16xi32>], vector<16xf32>,
        %parallel_loop3A_215 = arith.constant 64 : i32
        %parallel_loop3A_216 = vector.broadcast %parallel_loop3A_215 : i32 to vector<16xi32>
        %parallel_loop3A_217 = arith.addi %parallel_loop3A_216, %iota3A : vector<16xi32>
        %parallel_loop3A_218 = tpu.vector_load_idx %arg22[%parallel_loop3A_181, %parallel_loop3A_217] : memref<48x128xf32, #tpu.memory_space<vmem>>[vector<16xi32>, vector<16xi32>], vector<16xf32>,
        %parallel_loop3A_219 = arith.constant 64 : i32
        %parallel_loop3A_220 = vector.broadcast %parallel_loop3A_219 : i32 to vector<16xi32>
        %parallel_loop3A_221 = arith.addi %parallel_loop3A_220, %iota3A : vector<16xi32>
        %parallel_loop3A_222 = arith.mulf %parallel_loop3A_218, %parallel_loop3A_182 : vector<16xf32>
        tpu.vector_store_idx %arg22[%parallel_loop3A_181, %parallel_loop3A_221], %parallel_loop3A_222 : memref<48x128xf32, #tpu.memory_space<vmem>>[vector<16xi32>, vector<16xi32>], vector<16xf32>,
        %parallel_loop3A_223 = arith.constant 80 : i32
        %parallel_loop3A_224 = vector.broadcast %parallel_loop3A_223 : i32 to vector<16xi32>
        %parallel_loop3A_225 = arith.addi %parallel_loop3A_224, %iota3A : vector<16xi32>
        %parallel_loop3A_226 = tpu.vector_load_idx %arg22[%parallel_loop3A_181, %parallel_loop3A_225] : memref<48x128xf32, #tpu.memory_space<vmem>>[vector<16xi32>, vector<16xi32>], vector<16xf32>,
        %parallel_loop3A_227 = arith.constant 80 : i32
        %parallel_loop3A_228 = vector.broadcast %parallel_loop3A_227 : i32 to vector<16xi32>
        %parallel_loop3A_229 = arith.addi %parallel_loop3A_228, %iota3A : vector<16xi32>
        %parallel_loop3A_230 = arith.mulf %parallel_loop3A_226, %parallel_loop3A_182 : vector<16xf32>
        tpu.vector_store_idx %arg22[%parallel_loop3A_181, %parallel_loop3A_229], %parallel_loop3A_230 : memref<48x128xf32, #tpu.memory_space<vmem>>[vector<16xi32>, vector<16xi32>], vector<16xf32>,
        %parallel_loop3A_231 = arith.constant 96 : i32
        %parallel_loop3A_232 = vector.broadcast %parallel_loop3A_231 : i32 to vector<16xi32>
        %parallel_loop3A_233 = arith.addi %parallel_loop3A_232, %iota3A : vector<16xi32>
        %parallel_loop3A_234 = tpu.vector_load_idx %arg22[%parallel_loop3A_181, %parallel_loop3A_233] : memref<48x128xf32, #tpu.memory_space<vmem>>[vector<16xi32>, vector<16xi32>], vector<16xf32>,
        %parallel_loop3A_235 = arith.constant 96 : i32
        %parallel_loop3A_236 = vector.broadcast %parallel_loop3A_235 : i32 to vector<16xi32>
        %parallel_loop3A_237 = arith.addi %parallel_loop3A_236, %iota3A : vector<16xi32>
        %parallel_loop3A_238 = arith.mulf %parallel_loop3A_234, %parallel_loop3A_182 : vector<16xf32>
        tpu.vector_store_idx %arg22[%parallel_loop3A_181, %parallel_loop3A_237], %parallel_loop3A_238 : memref<48x128xf32, #tpu.memory_space<vmem>>[vector<16xi32>, vector<16xi32>], vector<16xf32>,
        %parallel_loop3A_239 = arith.constant 112 : i32
        %parallel_loop3A_240 = vector.broadcast %parallel_loop3A_239 : i32 to vector<16xi32>
        %parallel_loop3A_241 = arith.addi %parallel_loop3A_240, %iota3A : vector<16xi32>
        %parallel_loop3A_242 = tpu.vector_load_idx %arg22[%parallel_loop3A_181, %parallel_loop3A_241] : memref<48x128xf32, #tpu.memory_space<vmem>>[vector<16xi32>, vector<16xi32>], vector<16xf32>,
        %parallel_loop3A_243 = arith.constant 112 : i32
        %parallel_loop3A_244 = vector.broadcast %parallel_loop3A_243 : i32 to vector<16xi32>
        %parallel_loop3A_245 = arith.addi %parallel_loop3A_244, %iota3A : vector<16xi32>
        %parallel_loop3A_246 = arith.mulf %parallel_loop3A_242, %parallel_loop3A_182 : vector<16xf32>
        tpu.vector_store_idx %arg22[%parallel_loop3A_181, %parallel_loop3A_245], %parallel_loop3A_246 : memref<48x128xf32, #tpu.memory_space<vmem>>[vector<16xi32>, vector<16xi32>], vector<16xf32>,
        %parallel_loop3A_247 = tpu.vector_load_idx %arg16[%broadcast_in_dim3A_1, %parallel_loop3A_181] : memref<1x48xi32, #tpu.memory_space<vmem>>[vector<16xi32>, vector<16xi32>], vector<16xi32>,
        %parallel_loop3A_248 = arith.constant 0 : i32
        %parallel_loop3A_249 = vector.broadcast %parallel_loop3A_248 : i32 to vector<16xi32>
        %parallel_loop3A_250 = arith.cmpi eq, %iota3A, %parallel_loop3A_249 : vector<16xi32>
        tpu.vector_store_idx %arg24[%parallel_loop3A_247], %parallel_loop3A_182 masked %parallel_loop3A_250 {add = true} : memref<10112xf32, #tpu.memory_space<vmem>>[vector<16xi32>], vector<16xf32>, vector<16xi1>
      } {sc.loop_unroll_factor = 8 : i64, sc.parallel_access}
      %dma_start3A_165 = arith.constant 0 : i32
      %dma_start3A_166 = arith.constant 0 : i32
      %dma_start3A_167 = tpu.memref_slice %arg16[%dma_start3A_165, %dma_start3A_166] : memref<1x48xi32, #tpu.memory_space<vmem>> -> memref<1x48xi32, #tpu.memory_space<vmem>>
      %dma_start3A_168 = tpu.memref_squeeze %dma_start3A_167 : memref<1x48xi32, #tpu.memory_space<vmem>> -> memref<48xi32, #tpu.memory_space<vmem>>
      %dma_start3A_169 = arith.constant 0 : i32
      %dma_start3A_170 = arith.constant 0 : i32
      %dma_start3A_171 = tpu.memref_slice %arg25[%dma_start3A_169, %dma_start3A_170] : memref<10112x128xf32, #tpu.memory_space<vmem_shared>> -> memref<10112x128xf32, #tpu.memory_space<vmem_shared>>
      tpu.enqueue_indirect_dma source(%arg22 : memref<48x128xf32, #tpu.memory_space<vmem>>) target(%dma_start3A_171 : memref<10112x128xf32, #tpu.memory_space<vmem_shared>>) offsets(%dma_start3A_168 : memref<48xi32, #tpu.memory_space<vmem>>) semaphore(%arg31 : memref<!tpu.dma_semaphore, #tpu.memory_space<semaphore_mem>>) {add = true}
      %add3A_172 = arith.constant 2 : i32
      %add3A_173 = arith.addi %add3A_151, %add3A_172 : i32
      %lt3A_174 = arith.constant 210 : i32
      %lt3A_175 = arith.cmpi slt, %add3A_173, %lt3A_174 : i32
      %convert_element_type3A_176 = arith.extui %lt3A_175 : i1 to i32
      %cond3A_177 = arith.constant 0 : i32
      %cond3A_178 = arith.cmpi ne, %convert_element_type3A_176, %cond3A_177 : i32
      scf.if %cond3A_178 {
        %gt3A = arith.constant 0 : i32
        %gt3A_179 = arith.cmpi sgt, %add3A_151, %gt3A : i32
        %convert_element_type3A_180 = arith.extui %gt3A_179 : i1 to i32
        %cond3A_181 = arith.constant 0 : i32
        %cond3A_182 = arith.cmpi ne, %convert_element_type3A_180, %cond3A_181 : i32
        scf.if %cond3A_182 {
          %dma_wait3A_196 = arith.constant 0 : i32
          %dma_wait3A_197 = arith.constant 0 : i32
          %dma_wait3A_198 = tpu.memref_slice %arg14[%dma_wait3A_196, %dma_wait3A_197] : memref<1x48xi32, #tpu.memory_space<vmem>> -> memref<1x48xi32, #tpu.memory_space<vmem>>
          %dma_wait3A_199 = tpu.memref_squeeze %dma_wait3A_198 : memref<1x48xi32, #tpu.memory_space<vmem>> -> memref<48xi32, #tpu.memory_space<vmem>>
          %dma_wait3A_200 = arith.constant 0 : i32
          %dma_wait3A_201 = arith.constant 0 : i32
          %dma_wait3A_202 = tpu.memref_slice %arg25[%dma_wait3A_200, %dma_wait3A_201] : memref<10112x128xf32, #tpu.memory_space<vmem_shared>> -> memref<10112x128xf32, #tpu.memory_space<vmem_shared>>
          tpu.wait_indirect_dma semaphore(%arg30 : memref<!tpu.dma_semaphore, #tpu.memory_space<semaphore_mem>>) src(%arg21 : memref<48x128xf32, #tpu.memory_space<vmem>>) dst(%dma_wait3A_202 : memref<10112x128xf32, #tpu.memory_space<vmem_shared>>)
        } else {
        }
        %add3A_183 = arith.constant 2 : i32
        %add3A_184 = arith.addi %add3A_151, %add3A_183 : i32
        %run_scoped3A_185 = arith.constant 0 : i32
        "tpu.region"() ({
          %run_scoped3A_196 = tpu.sem_alloc : memref<!tpu.dma_semaphore, #tpu.memory_space<semaphore_mem>>
          %dma_start3A_197 = arith.constant 0 : i32
          %dma_start3A_198 = tpu.memref_slice %arg13[%run_scoped3A_185, %dma_start3A_197] : memref<1x48xi32, #tpu.memory_space<vmem>> -> memref<1x48xi32, #tpu.memory_space<vmem>>
          %dma_start3A_199 = tpu.memref_squeeze %dma_start3A_198 : memref<1x48xi32, #tpu.memory_space<vmem>> -> memref<48xi32, #tpu.memory_space<vmem>>
          %dma_start3A_200 = arith.constant 0 : i32
          %dma_start3A_201 = tpu.memref_slice %arg2[%add3A, %add3A_184, %dma_start3A_200] : memref<32x210x48xi32, #tpu.memory_space<hbm>> -> memref<1x1x48xi32, #tpu.memory_space<hbm>>
          %dma_start3A_202 = tpu.memref_squeeze %dma_start3A_201 : memref<1x1x48xi32, #tpu.memory_space<hbm>> -> memref<48xi32, #tpu.memory_space<hbm>>
          %dma_start3A_203 = arith.constant 0 : i32
          %dma_start3A_204 = tpu.memref_slice %arg13[%run_scoped3A_185, %dma_start3A_203] : memref<1x48xi32, #tpu.memory_space<vmem>> -> memref<1x48xi32, #tpu.memory_space<vmem>>
          %dma_start3A_205 = tpu.memref_squeeze %dma_start3A_204 : memref<1x48xi32, #tpu.memory_space<vmem>> -> memref<48xi32, #tpu.memory_space<vmem>>
          %dma_start3A_206 = arith.constant 0 : i32
          %dma_start3A_207 = tpu.memref_slice %arg2[%add3A, %add3A_184, %dma_start3A_206] : memref<32x210x48xi32, #tpu.memory_space<hbm>> -> memref<1x1x48xi32, #tpu.memory_space<hbm>>
          %dma_start3A_208 = tpu.memref_squeeze %dma_start3A_207 : memref<1x1x48xi32, #tpu.memory_space<hbm>> -> memref<48xi32, #tpu.memory_space<hbm>>
          tpu.enqueue_dma source(%dma_start3A_208 : memref<48xi32, #tpu.memory_space<hbm>>) target(%dma_start3A_205 : memref<48xi32, #tpu.memory_space<vmem>>) target_semaphore(%run_scoped3A_196 : memref<!tpu.dma_semaphore, #tpu.memory_space<semaphore_mem>>)
          %dma_wait3A_209 = arith.constant 0 : i32
          %dma_wait3A_210 = tpu.memref_slice %arg13[%run_scoped3A_185, %dma_wait3A_209] : memref<1x48xi32, #tpu.memory_space<vmem>> -> memref<1x48xi32, #tpu.memory_space<vmem>>
          %dma_wait3A_211 = tpu.memref_squeeze %dma_wait3A_210 : memref<1x48xi32, #tpu.memory_space<vmem>> -> memref<48xi32, #tpu.memory_space<vmem>>
          %dma_wait3A_212 = arith.constant 0 : i32
          %dma_wait3A_213 = tpu.memref_slice %arg2[%add3A, %add3A_184, %dma_wait3A_212] : memref<32x210x48xi32, #tpu.memory_space<hbm>> -> memref<1x1x48xi32, #tpu.memory_space<hbm>>
          %dma_wait3A_214 = tpu.memref_squeeze %dma_wait3A_213 : memref<1x1x48xi32, #tpu.memory_space<hbm>> -> memref<48xi32, #tpu.memory_space<hbm>>
          %dma_wait3A_215 = arith.constant 0 : i32
          %dma_wait3A_216 = tpu.memref_slice %arg13[%run_scoped3A_185, %dma_wait3A_215] : memref<1x48xi32, #tpu.memory_space<vmem>> -> memref<1x48xi32, #tpu.memory_space<vmem>>
          %dma_wait3A_217 = tpu.memref_squeeze %dma_wait3A_216 : memref<1x48xi32, #tpu.memory_space<vmem>> -> memref<48xi32, #tpu.memory_space<vmem>>
          %dma_wait3A_218 = arith.constant 0 : i32
          %dma_wait3A_219 = tpu.memref_slice %arg2[%add3A, %add3A_184, %dma_wait3A_218] : memref<32x210x48xi32, #tpu.memory_space<hbm>> -> memref<1x1x48xi32, #tpu.memory_space<hbm>>
          %dma_wait3A_220 = tpu.memref_squeeze %dma_wait3A_219 : memref<1x1x48xi32, #tpu.memory_space<hbm>> -> memref<48xi32, #tpu.memory_space<hbm>>
          tpu.wait_dma2 semaphore(%run_scoped3A_196 : memref<!tpu.dma_semaphore, #tpu.memory_space<semaphore_mem>>) src(%dma_wait3A_220 : memref<48xi32, #tpu.memory_space<hbm>>) dst(%dma_wait3A_217 : memref<48xi32, #tpu.memory_space<vmem>>)
          tpu.yield
        }) : () -> ()
        %add3A_186 = arith.constant 2 : i32
        %add3A_187 = arith.addi %add3A_151, %add3A_186 : i32
        %run_scoped3A_188 = arith.constant 0 : i32
        "tpu.region"() ({
          %run_scoped3A_196 = tpu.sem_alloc : memref<!tpu.dma_semaphore, #tpu.memory_space<semaphore_mem>>
          %dma_start3A_197 = arith.constant 0 : i32
          %dma_start3A_198 = tpu.memref_slice %arg14[%run_scoped3A_188, %dma_start3A_197] : memref<1x48xi32, #tpu.memory_space<vmem>> -> memref<1x48xi32, #tpu.memory_space<vmem>>
          %dma_start3A_199 = tpu.memref_squeeze %dma_start3A_198 : memref<1x48xi32, #tpu.memory_space<vmem>> -> memref<48xi32, #tpu.memory_space<vmem>>
          %dma_start3A_200 = arith.constant 0 : i32
          %dma_start3A_201 = tpu.memref_slice %arg3[%add3A, %add3A_187, %dma_start3A_200] : memref<32x210x48xi32, #tpu.memory_space<hbm>> -> memref<1x1x48xi32, #tpu.memory_space<hbm>>
          %dma_start3A_202 = tpu.memref_squeeze %dma_start3A_201 : memref<1x1x48xi32, #tpu.memory_space<hbm>> -> memref<48xi32, #tpu.memory_space<hbm>>
          %dma_start3A_203 = arith.constant 0 : i32
          %dma_start3A_204 = tpu.memref_slice %arg14[%run_scoped3A_188, %dma_start3A_203] : memref<1x48xi32, #tpu.memory_space<vmem>> -> memref<1x48xi32, #tpu.memory_space<vmem>>
          %dma_start3A_205 = tpu.memref_squeeze %dma_start3A_204 : memref<1x48xi32, #tpu.memory_space<vmem>> -> memref<48xi32, #tpu.memory_space<vmem>>
          %dma_start3A_206 = arith.constant 0 : i32
          %dma_start3A_207 = tpu.memref_slice %arg3[%add3A, %add3A_187, %dma_start3A_206] : memref<32x210x48xi32, #tpu.memory_space<hbm>> -> memref<1x1x48xi32, #tpu.memory_space<hbm>>
          %dma_start3A_208 = tpu.memref_squeeze %dma_start3A_207 : memref<1x1x48xi32, #tpu.memory_space<hbm>> -> memref<48xi32, #tpu.memory_space<hbm>>
          tpu.enqueue_dma source(%dma_start3A_208 : memref<48xi32, #tpu.memory_space<hbm>>) target(%dma_start3A_205 : memref<48xi32, #tpu.memory_space<vmem>>) target_semaphore(%run_scoped3A_196 : memref<!tpu.dma_semaphore, #tpu.memory_space<semaphore_mem>>)
          %dma_wait3A_209 = arith.constant 0 : i32
          %dma_wait3A_210 = tpu.memref_slice %arg14[%run_scoped3A_188, %dma_wait3A_209] : memref<1x48xi32, #tpu.memory_space<vmem>> -> memref<1x48xi32, #tpu.memory_space<vmem>>
          %dma_wait3A_211 = tpu.memref_squeeze %dma_wait3A_210 : memref<1x48xi32, #tpu.memory_space<vmem>> -> memref<48xi32, #tpu.memory_space<vmem>>
          %dma_wait3A_212 = arith.constant 0 : i32
          %dma_wait3A_213 = tpu.memref_slice %arg3[%add3A, %add3A_187, %dma_wait3A_212] : memref<32x210x48xi32, #tpu.memory_space<hbm>> -> memref<1x1x48xi32, #tpu.memory_space<hbm>>
          %dma_wait3A_214 = tpu.memref_squeeze %dma_wait3A_213 : memref<1x1x48xi32, #tpu.memory_space<hbm>> -> memref<48xi32, #tpu.memory_space<hbm>>
          %dma_wait3A_215 = arith.constant 0 : i32
          %dma_wait3A_216 = tpu.memref_slice %arg14[%run_scoped3A_188, %dma_wait3A_215] : memref<1x48xi32, #tpu.memory_space<vmem>> -> memref<1x48xi32, #tpu.memory_space<vmem>>
          %dma_wait3A_217 = tpu.memref_squeeze %dma_wait3A_216 : memref<1x48xi32, #tpu.memory_space<vmem>> -> memref<48xi32, #tpu.memory_space<vmem>>
          %dma_wait3A_218 = arith.constant 0 : i32
          %dma_wait3A_219 = tpu.memref_slice %arg3[%add3A, %add3A_187, %dma_wait3A_218] : memref<32x210x48xi32, #tpu.memory_space<hbm>> -> memref<1x1x48xi32, #tpu.memory_space<hbm>>
          %dma_wait3A_220 = tpu.memref_squeeze %dma_wait3A_219 : memref<1x1x48xi32, #tpu.memory_space<hbm>> -> memref<48xi32, #tpu.memory_space<hbm>>
          tpu.wait_dma2 semaphore(%run_scoped3A_196 : memref<!tpu.dma_semaphore, #tpu.memory_space<semaphore_mem>>) src(%dma_wait3A_220 : memref<48xi32, #tpu.memory_space<hbm>>) dst(%dma_wait3A_217 : memref<48xi32, #tpu.memory_space<vmem>>)
          tpu.yield
        }) : () -> ()
        %dma_start3A_189 = arith.constant 0 : i32
        %dma_start3A_190 = arith.constant 0 : i32
        %dma_start3A_191 = tpu.memref_slice %arg13[%dma_start3A_189, %dma_start3A_190] : memref<1x48xi32, #tpu.memory_space<vmem>> -> memref<1x48xi32, #tpu.memory_space<vmem>>
        %dma_start3A_192 = tpu.memref_squeeze %dma_start3A_191 : memref<1x48xi32, #tpu.memory_space<vmem>> -> memref<48xi32, #tpu.memory_space<vmem>>
        %dma_start3A_193 = arith.constant 0 : i32
        %dma_start3A_194 = arith.constant 0 : i32
        %dma_start3A_195 = tpu.memref_slice %arg7[%dma_start3A_193, %dma_start3A_194] : memref<10000x128xf32, #tpu.memory_space<hbm>> -> memref<10000x128xf32, #tpu.memory_space<hbm>>
        tpu.enqueue_indirect_dma source(%dma_start3A_195 : memref<10000x128xf32, #tpu.memory_space<hbm>>) target(%arg21 : memref<48x128xf32, #tpu.memory_space<vmem>>) offsets(%dma_start3A_192 : memref<48xi32, #tpu.memory_space<vmem>>) semaphore(%arg27 : memref<!tpu.dma_semaphore, #tpu.memory_space<semaphore_mem>>)
      } else {
      }
    }
    %scan3A_63 = arith.constant 70 : i32
    %dma_wait3A = arith.constant 0 : i32
    %dma_wait3A_64 = arith.constant 0 : i32
    %dma_wait3A_65 = tpu.memref_slice %arg12[%dma_wait3A, %dma_wait3A_64] : memref<1x48xi32, #tpu.memory_space<vmem>> -> memref<1x48xi32, #tpu.memory_space<vmem>>
    %dma_wait3A_66 = tpu.memref_squeeze %dma_wait3A_65 : memref<1x48xi32, #tpu.memory_space<vmem>> -> memref<48xi32, #tpu.memory_space<vmem>>
    %dma_wait3A_67 = arith.constant 0 : i32
    %dma_wait3A_68 = arith.constant 0 : i32
    %dma_wait3A_69 = tpu.memref_slice %arg25[%dma_wait3A_67, %dma_wait3A_68] : memref<10112x128xf32, #tpu.memory_space<vmem_shared>> -> memref<10112x128xf32, #tpu.memory_space<vmem_shared>>
    tpu.wait_indirect_dma semaphore(%arg29 : memref<!tpu.dma_semaphore, #tpu.memory_space<semaphore_mem>>) src(%arg20 : memref<48x128xf32, #tpu.memory_space<vmem>>) dst(%dma_wait3A_69 : memref<10112x128xf32, #tpu.memory_space<vmem_shared>>)
    %dma_wait3A_70 = arith.constant 0 : i32
    %dma_wait3A_71 = arith.constant 0 : i32
    %dma_wait3A_72 = tpu.memref_slice %arg14[%dma_wait3A_70, %dma_wait3A_71] : memref<1x48xi32, #tpu.memory_space<vmem>> -> memref<1x48xi32, #tpu.memory_space<vmem>>
    %dma_wait3A_73 = tpu.memref_squeeze %dma_wait3A_72 : memref<1x48xi32, #tpu.memory_space<vmem>> -> memref<48xi32, #tpu.memory_space<vmem>>
    %dma_wait3A_74 = arith.constant 0 : i32
    %dma_wait3A_75 = arith.constant 0 : i32
    %dma_wait3A_76 = tpu.memref_slice %arg25[%dma_wait3A_74, %dma_wait3A_75] : memref<10112x128xf32, #tpu.memory_space<vmem_shared>> -> memref<10112x128xf32, #tpu.memory_space<vmem_shared>>
    tpu.wait_indirect_dma semaphore(%arg30 : memref<!tpu.dma_semaphore, #tpu.memory_space<semaphore_mem>>) src(%arg21 : memref<48x128xf32, #tpu.memory_space<vmem>>) dst(%dma_wait3A_76 : memref<10112x128xf32, #tpu.memory_space<vmem_shared>>)
    %dma_wait3A_77 = arith.constant 0 : i32
    %dma_wait3A_78 = arith.constant 0 : i32
    %dma_wait3A_79 = tpu.memref_slice %arg16[%dma_wait3A_77, %dma_wait3A_78] : memref<1x48xi32, #tpu.memory_space<vmem>> -> memref<1x48xi32, #tpu.memory_space<vmem>>
    %dma_wait3A_80 = tpu.memref_squeeze %dma_wait3A_79 : memref<1x48xi32, #tpu.memory_space<vmem>> -> memref<48xi32, #tpu.memory_space<vmem>>
    %dma_wait3A_81 = arith.constant 0 : i32
    %dma_wait3A_82 = arith.constant 0 : i32
    %dma_wait3A_83 = tpu.memref_slice %arg25[%dma_wait3A_81, %dma_wait3A_82] : memref<10112x128xf32, #tpu.memory_space<vmem_shared>> -> memref<10112x128xf32, #tpu.memory_space<vmem_shared>>
    tpu.wait_indirect_dma semaphore(%arg31 : memref<!tpu.dma_semaphore, #tpu.memory_space<semaphore_mem>>) src(%arg22 : memref<48x128xf32, #tpu.memory_space<vmem>>) dst(%dma_wait3A_83 : memref<10112x128xf32, #tpu.memory_space<vmem_shared>>)
    %barrier3A_84 = arith.constant 0 : index
    tpu.barrier barrier_id(%barrier3A_84)
    "tpu.region"() ({
      %run_scoped3A_85 = tpu.sem_alloc : memref<!tpu.dma_semaphore, #tpu.memory_space<semaphore_mem>>
      %dma_start3A_86 = arith.constant 0 : i32
      %dma_start3A_87 = tpu.memref_slice %arg9[%arg0, %mul3A_10, %dma_start3A_86] : memref<2x10112x128xf32, #tpu.memory_space<hbm>> -> memref<1x632x128xf32, #tpu.memory_space<hbm>>
      %dma_start3A_88 = tpu.memref_squeeze %dma_start3A_87 : memref<1x632x128xf32, #tpu.memory_space<hbm>> -> memref<632x128xf32, #tpu.memory_space<hbm>>
      %dma_start3A_89 = arith.constant 0 : i32
      %dma_start3A_90 = tpu.memref_slice %arg25[%mul3A_10, %dma_start3A_89] : memref<10112x128xf32, #tpu.memory_space<vmem_shared>> -> memref<632x128xf32, #tpu.memory_space<vmem_shared>>
      tpu.enqueue_dma source(%dma_start3A_90 : memref<632x128xf32, #tpu.memory_space<vmem_shared>>) target(%dma_start3A_88 : memref<632x128xf32, #tpu.memory_space<hbm>>) target_semaphore(%run_scoped3A_85 : memref<!tpu.dma_semaphore, #tpu.memory_space<semaphore_mem>>)
      %dma_wait3A_91 = arith.constant 0 : i32
      %dma_wait3A_92 = tpu.memref_slice %arg9[%arg0, %mul3A_10, %dma_wait3A_91] : memref<2x10112x128xf32, #tpu.memory_space<hbm>> -> memref<1x632x128xf32, #tpu.memory_space<hbm>>
      %dma_wait3A_93 = tpu.memref_squeeze %dma_wait3A_92 : memref<1x632x128xf32, #tpu.memory_space<hbm>> -> memref<632x128xf32, #tpu.memory_space<hbm>>
      %dma_wait3A_94 = arith.constant 0 : i32
      %dma_wait3A_95 = tpu.memref_slice %arg25[%mul3A_10, %dma_wait3A_94] : memref<10112x128xf32, #tpu.memory_space<vmem_shared>> -> memref<632x128xf32, #tpu.memory_space<vmem_shared>>
      tpu.wait_dma2 semaphore(%run_scoped3A_85 : memref<!tpu.dma_semaphore, #tpu.memory_space<semaphore_mem>>) src(%dma_wait3A_95 : memref<632x128xf32, #tpu.memory_space<vmem_shared>>) dst(%dma_wait3A_93 : memref<632x128xf32, #tpu.memory_space<hbm>>)
      tpu.yield
    }) : () -> ()
    "tpu.region"() ({
      %run_scoped3A_85 = tpu.sem_alloc : memref<!tpu.dma_semaphore, #tpu.memory_space<semaphore_mem>>
      %dma_start3A_86 = arith.constant 0 : i32
      %dma_start3A_87 = tpu.memref_slice %arg10[%add3A, %dma_start3A_86] : memref<32x10112xf32, #tpu.memory_space<hbm>> -> memref<1x10112xf32, #tpu.memory_space<hbm>>
      %dma_start3A_88 = tpu.memref_squeeze %dma_start3A_87 : memref<1x10112xf32, #tpu.memory_space<hbm>> -> memref<10112xf32, #tpu.memory_space<hbm>>
      %dma_start3A_89 = arith.constant 0 : i32
      %dma_start3A_90 = tpu.memref_slice %arg10[%add3A, %dma_start3A_89] : memref<32x10112xf32, #tpu.memory_space<hbm>> -> memref<1x10112xf32, #tpu.memory_space<hbm>>
      %dma_start3A_91 = tpu.memref_squeeze %dma_start3A_90 : memref<1x10112xf32, #tpu.memory_space<hbm>> -> memref<10112xf32, #tpu.memory_space<hbm>>
      tpu.enqueue_dma source(%arg24 : memref<10112xf32, #tpu.memory_space<vmem>>) target(%dma_start3A_91 : memref<10112xf32, #tpu.memory_space<hbm>>) target_semaphore(%run_scoped3A_85 : memref<!tpu.dma_semaphore, #tpu.memory_space<semaphore_mem>>)
      %dma_wait3A_92 = arith.constant 0 : i32
      %dma_wait3A_93 = tpu.memref_slice %arg10[%add3A, %dma_wait3A_92] : memref<32x10112xf32, #tpu.memory_space<hbm>> -> memref<1x10112xf32, #tpu.memory_space<hbm>>
      %dma_wait3A_94 = tpu.memref_squeeze %dma_wait3A_93 : memref<1x10112xf32, #tpu.memory_space<hbm>> -> memref<10112xf32, #tpu.memory_space<hbm>>
      %dma_wait3A_95 = arith.constant 0 : i32
      %dma_wait3A_96 = tpu.memref_slice %arg10[%add3A, %dma_wait3A_95] : memref<32x10112xf32, #tpu.memory_space<hbm>> -> memref<1x10112xf32, #tpu.memory_space<hbm>>
      %dma_wait3A_97 = tpu.memref_squeeze %dma_wait3A_96 : memref<1x10112xf32, #tpu.memory_space<hbm>> -> memref<10112xf32, #tpu.memory_space<hbm>>
      tpu.wait_dma2 semaphore(%run_scoped3A_85 : memref<!tpu.dma_semaphore, #tpu.memory_space<semaphore_mem>>) src(%arg24 : memref<10112xf32, #tpu.memory_space<vmem>>) dst(%dma_wait3A_97 : memref<10112xf32, #tpu.memory_space<hbm>>)
      tpu.yield
    }) : () -> ()
    return
  }
}

module attributes {stable_mosaic.version = 14 : i64} {
  func.func @_dense_body(%arg0: i32, %arg1: memref<1000x128xf32, #tpu.memory_space<vmem>>, %arg2: memref<128x128xf32, #tpu.memory_space<vmem>>, %arg3: memref<128x1xf32, #tpu.memory_space<vmem>>, %arg4: memref<128x1xf32, #tpu.memory_space<vmem>>, %arg5: memref<1000x128xf32, #tpu.memory_space<vmem>>, %arg6: memref<1000x1xf32, #tpu.memory_space<vmem>>, %arg7: memref<1000x1xf32, #tpu.memory_space<vmem>>, %arg8: memref<1x1xf32, #tpu.memory_space<smem>>, %arg9: memref<1x1xf32, #tpu.memory_space<smem>>) attributes {dimension_semantics = [#tpu.dimension_semantics<arbitrary>], iteration_bounds = array<i64: 10>, scalar_prefetch = 0 : i64, scratch_operands = 0 : i64, tpu.core_type = #tpu.core_type<tc>, window_params = [{transform_indices = @transform_0, window_bounds = array<i64: 1000, 128>}, {pipeline_mode = #tpu.pipeline_mode<synchronous>, transform_indices = @transform_1, window_bounds = array<i64: 128, 128>}, {pipeline_mode = #tpu.pipeline_mode<synchronous>, transform_indices = @transform_2, window_bounds = array<i64: 128, 1>}, {pipeline_mode = #tpu.pipeline_mode<synchronous>, transform_indices = @transform_3, window_bounds = array<i64: 128, 1>}, {transform_indices = @transform_4, window_bounds = array<i64: 1000, 128>}, {transform_indices = @transform_5, window_bounds = array<i64: 1000, 1>}, {transform_indices = @transform_6, window_bounds = array<i64: 1000, 1>}, {transform_indices = @transform_7, window_bounds = array<i64: 1, 1>}, {transform_indices = @transform_8, window_bounds = array<i64: 1, 1>}]} {
    %get3A = arith.constant 0 : index
    %get3A_0 = arith.constant 0 : index
    %get3A_1 = vector.load %arg1[%get3A, %get3A_0] : memref<1000x128xf32, #tpu.memory_space<vmem>>, vector<1000x128xf32>
    %get3A_2 = arith.constant 0 : index
    %get3A_3 = arith.constant 0 : index
    %get3A_4 = vector.load %arg2[%get3A_2, %get3A_3] : memref<128x128xf32, #tpu.memory_space<vmem>>, vector<128x128xf32>
    %dot_general3A = arith.constant dense<0.000000e+00> : vector<1000x128xf32>
    %dot_general3A_5 = tpu.matmul %get3A_1, %get3A_4, %dot_general3A {dimension_numbers = #tpu.dot_dimension_numbers<[1], [0], [0], [1], [0, 0, 1, 1], [], []>, transpose_lhs_hint = false} : vector<1000x128xf32>, vector<128x128xf32>, vector<1000x128xf32> -> vector<1000x128xf32>
    %swap3A = arith.constant 0 : index
    %swap3A_6 = arith.constant 0 : index
    %swap3A_7 = vector.load %arg5[%swap3A, %swap3A_6] : memref<1000x128xf32, #tpu.memory_space<vmem>>, vector<1000x128xf32>
    tpu.vector_store %arg5[%swap3A, %swap3A_6], %dot_general3A_5 {strides = array<i32>} : memref<1000x128xf32, #tpu.memory_space<vmem>>, vector<1000x128xf32>,
    %get3A_8 = arith.constant 0 : index
    %get3A_9 = arith.constant 0 : index
    %get3A_10 = vector.load %arg3[%get3A_8, %get3A_9] : memref<128x1xf32, #tpu.memory_space<vmem>>, vector<128x1xf32>
    %dot_general3A_11 = arith.constant dense<0.000000e+00> : vector<1000x1xf32>
    %dot_general3A_12 = tpu.matmul %dot_general3A_5, %get3A_10, %dot_general3A_11 {dimension_numbers = #tpu.dot_dimension_numbers<[1], [0], [0], [1], [0, 0, 1, 1], [], []>, transpose_lhs_hint = false} : vector<1000x128xf32>, vector<128x1xf32>, vector<1000x1xf32> -> vector<1000x1xf32>
    %get3A_13 = arith.constant 0 : index
    %get3A_14 = arith.constant 0 : index
    %get3A_15 = vector.load %arg4[%get3A_13, %get3A_14] : memref<128x1xf32, #tpu.memory_space<vmem>>, vector<128x1xf32>
    %dot_general3A_16 = arith.constant dense<0.000000e+00> : vector<1000x1xf32>
    %dot_general3A_17 = tpu.matmul %dot_general3A_5, %get3A_15, %dot_general3A_16 {dimension_numbers = #tpu.dot_dimension_numbers<[1], [0], [0], [1], [0, 0, 1, 1], [], []>, transpose_lhs_hint = false} : vector<1000x128xf32>, vector<128x1xf32>, vector<1000x1xf32> -> vector<1000x1xf32>
    %swap3A_18 = arith.constant 0 : index
    %swap3A_19 = arith.constant 0 : index
    %swap3A_20 = vector.load %arg6[%swap3A_18, %swap3A_19] : memref<1000x1xf32, #tpu.memory_space<vmem>>, vector<1000x1xf32>
    tpu.vector_store %arg6[%swap3A_18, %swap3A_19], %dot_general3A_12 {strides = array<i32>} : memref<1000x1xf32, #tpu.memory_space<vmem>>, vector<1000x1xf32>,
    %swap3A_21 = arith.constant 0 : index
    %swap3A_22 = arith.constant 0 : index
    %swap3A_23 = vector.load %arg7[%swap3A_21, %swap3A_22] : memref<1000x1xf32, #tpu.memory_space<vmem>>, vector<1000x1xf32>
    tpu.vector_store %arg7[%swap3A_21, %swap3A_22], %dot_general3A_17 {strides = array<i32>} : memref<1000x1xf32, #tpu.memory_space<vmem>>, vector<1000x1xf32>,
    %eq3A = arith.constant 0 : i32
    %eq3A_24 = arith.cmpi eq, %arg0, %eq3A : i32
    %convert_element_type3A = arith.extui %eq3A_24 : i1 to i32
    %cond3A = arith.constant 0 : i32
    %cond3A_25 = arith.cmpi ne, %convert_element_type3A, %cond3A : i32
    scf.if %cond3A_25 {
      %swap3A_48 = arith.constant 0xFF800000 : f32
      %swap3A_49 = arith.constant 0 : index
      %swap3A_50 = arith.constant 0 : index
      %swap3A_51 = memref.load %arg8[%swap3A_49, %swap3A_50] : memref<1x1xf32, #tpu.memory_space<smem>>
      memref.store %swap3A_48, %arg8[%swap3A_49, %swap3A_50] : memref<1x1xf32, #tpu.memory_space<smem>>
      %swap3A_52 = arith.constant 0xFF800000 : f32
      %swap3A_53 = arith.constant 0 : index
      %swap3A_54 = arith.constant 0 : index
      %swap3A_55 = memref.load %arg9[%swap3A_53, %swap3A_54] : memref<1x1xf32, #tpu.memory_space<smem>>
      memref.store %swap3A_52, %arg9[%swap3A_53, %swap3A_54] : memref<1x1xf32, #tpu.memory_space<smem>>
    } else {
    }
    %get3A_26 = arith.constant 0 : index
    %get3A_27 = arith.constant 0 : index
    %get3A_28 = memref.load %arg8[%get3A_26, %get3A_27] : memref<1x1xf32, #tpu.memory_space<smem>>
    %reduce_max3A = vector.shape_cast %dot_general3A_12 : vector<1000x1xf32> to vector<1x1000x1xf32>
    %reduce_max3A_29 = arith.constant dense<0xFF800000> : vector<1xf32>
    %reduce_max3A_30 = vector.multi_reduction <maximumf>, %reduce_max3A, %reduce_max3A_29 [1, 2] : vector<1x1000x1xf32> to vector<1xf32>
    %reduce_max3A_31 = vector.shape_cast %reduce_max3A_30 : vector<1xf32> to vector<1x1x1xf32>
    %reduce_max3A_32 = vector.extract %reduce_max3A_31[0, 0, 0] : f32 from vector<1x1x1xf32>
    %max3A = arith.maximumf %get3A_28, %reduce_max3A_32 : f32
    %swap3A_33 = arith.constant 0 : index
    %swap3A_34 = arith.constant 0 : index
    %swap3A_35 = memref.load %arg8[%swap3A_33, %swap3A_34] : memref<1x1xf32, #tpu.memory_space<smem>>
    memref.store %max3A, %arg8[%swap3A_33, %swap3A_34] : memref<1x1xf32, #tpu.memory_space<smem>>
    %get3A_36 = arith.constant 0 : index
    %get3A_37 = arith.constant 0 : index
    %get3A_38 = memref.load %arg9[%get3A_36, %get3A_37] : memref<1x1xf32, #tpu.memory_space<smem>>
    %reduce_max3A_39 = vector.shape_cast %dot_general3A_17 : vector<1000x1xf32> to vector<1x1000x1xf32>
    %reduce_max3A_40 = arith.constant dense<0xFF800000> : vector<1xf32>
    %reduce_max3A_41 = vector.multi_reduction <maximumf>, %reduce_max3A_39, %reduce_max3A_40 [1, 2] : vector<1x1000x1xf32> to vector<1xf32>
    %reduce_max3A_42 = vector.shape_cast %reduce_max3A_41 : vector<1xf32> to vector<1x1x1xf32>
    %reduce_max3A_43 = vector.extract %reduce_max3A_42[0, 0, 0] : f32 from vector<1x1x1xf32>
    %max3A_44 = arith.maximumf %get3A_38, %reduce_max3A_43 : f32
    %swap3A_45 = arith.constant 0 : index
    %swap3A_46 = arith.constant 0 : index
    %swap3A_47 = memref.load %arg9[%swap3A_45, %swap3A_46] : memref<1x1xf32, #tpu.memory_space<smem>>
    memref.store %max3A_44, %arg9[%swap3A_45, %swap3A_46] : memref<1x1xf32, #tpu.memory_space<smem>>
    return
  }
  func.func @transform_0(%arg0: i32) -> (i32, i32) {
    %c0_i32 = arith.constant 0 : i32
    %c0_i32_0 = arith.constant 0 : i32
    return %arg0, %c0_i32 : i32, i32
  }
  func.func @transform_1(%arg0: i32) -> (i32, i32) {
    %c0_i32 = arith.constant 0 : i32
    %c0_i32_0 = arith.constant 0 : i32
    %c0_i32_1 = arith.constant 0 : i32
    return %c0_i32, %c0_i32_0 : i32, i32
  }
  func.func @transform_2(%arg0: i32) -> (i32, i32) {
    %c0_i32 = arith.constant 0 : i32
    %c0_i32_0 = arith.constant 0 : i32
    %c0_i32_1 = arith.constant 0 : i32
    return %c0_i32, %c0_i32_0 : i32, i32
  }
  func.func @transform_3(%arg0: i32) -> (i32, i32) {
    %c0_i32 = arith.constant 0 : i32
    %c0_i32_0 = arith.constant 0 : i32
    %c0_i32_1 = arith.constant 0 : i32
    return %c0_i32, %c0_i32_0 : i32, i32
  }
  func.func @transform_4(%arg0: i32) -> (i32, i32) {
    %c0_i32 = arith.constant 0 : i32
    %c0_i32_0 = arith.constant 0 : i32
    return %arg0, %c0_i32 : i32, i32
  }
  func.func @transform_5(%arg0: i32) -> (i32, i32) {
    %c0_i32 = arith.constant 0 : i32
    %c0_i32_0 = arith.constant 0 : i32
    return %arg0, %c0_i32 : i32, i32
  }
  func.func @transform_6(%arg0: i32) -> (i32, i32) {
    %c0_i32 = arith.constant 0 : i32
    %c0_i32_0 = arith.constant 0 : i32
    return %arg0, %c0_i32 : i32, i32
  }
  func.func @transform_7(%arg0: i32) -> (i32, i32) {
    %c0_i32 = arith.constant 0 : i32
    %c0_i32_0 = arith.constant 0 : i32
    %c0_i32_1 = arith.constant 0 : i32
    return %c0_i32, %c0_i32_0 : i32, i32
  }
  func.func @transform_8(%arg0: i32) -> (i32, i32) {
    %c0_i32 = arith.constant 0 : i32
    %c0_i32_0 = arith.constant 0 : i32
    %c0_i32_1 = arith.constant 0 : i32
    return %c0_i32, %c0_i32_0 : i32, i32
  }
}

module attributes {stable_mosaic.version = 14 : i64} {
  func.func @_finish_body(%arg0: i32, %arg1: memref<2x1000x128xf32, #tpu.memory_space<vmem>>, %arg2: memref<1000x32xf32, #tpu.memory_space<vmem>>, %arg3: memref<1000x128xf32, #tpu.memory_space<vmem>>) attributes {dimension_semantics = [#tpu.dimension_semantics<arbitrary>], iteration_bounds = array<i64: 10>, scalar_prefetch = 0 : i64, scratch_operands = 0 : i64, tpu.core_type = #tpu.core_type<tc>, window_params = [{transform_indices = @transform_0, window_bounds = array<i64: 2, 1000, 128>}, {transform_indices = @transform_1, window_bounds = array<i64: 1000, 32>}, {transform_indices = @transform_2, window_bounds = array<i64: 1000, 128>}]} {
    %get3A = arith.constant 0 : index
    %get3A_0 = arith.constant 0 : index
    %get3A_1 = arith.constant 0 : index
    %get3A_2 = vector.load %arg1[%get3A, %get3A_0, %get3A_1] : memref<2x1000x128xf32, #tpu.memory_space<vmem>>, vector<1x1000x128xf32>
    %get3A_3 = vector.shape_cast %get3A_2 : vector<1x1000x128xf32> to vector<1000x128xf32>
    %get3A_4 = arith.constant 1 : index
    %get3A_5 = arith.constant 0 : index
    %get3A_6 = arith.constant 0 : index
    %get3A_7 = vector.load %arg1[%get3A_4, %get3A_5, %get3A_6] : memref<2x1000x128xf32, #tpu.memory_space<vmem>>, vector<1x1000x128xf32>
    %get3A_8 = vector.shape_cast %get3A_7 : vector<1x1000x128xf32> to vector<1000x128xf32>
    %add3A = arith.addf %get3A_3, %get3A_8 : vector<1000x128xf32>
    %get3A_9 = arith.constant 0 : index
    %get3A_10 = arith.constant 0 : index
    %get3A_11 = vector.load %arg2[%get3A_9, %get3A_10] : memref<1000x32xf32, #tpu.memory_space<vmem>>, vector<1000x32xf32>
    %reduce_sum3A = arith.constant dense<0.000000e+00> : vector<1000xf32>
    %reduce_sum3A_12 = vector.multi_reduction <add>, %get3A_11, %reduce_sum3A [1] : vector<1000x32xf32> to vector<1000xf32>
    %broadcast_in_dim3A = vector.shape_cast %reduce_sum3A_12 : vector<1000xf32> to vector<1000x1xf32>
    %add3A_13 = arith.constant 1.000000e-16 : f32
    %add3A_14 = vector.broadcast %add3A_13 : f32 to vector<1000x1xf32>
    %add3A_15 = arith.addf %broadcast_in_dim3A, %add3A_14 : vector<1000x1xf32>
    %div3A = vector.broadcast %add3A_15 : vector<1000x1xf32> to vector<1000x128xf32>
    %div3A_16 = arith.divf %add3A, %div3A : vector<1000x128xf32>
    %gt3A = arith.constant 0.000000e+00 : f32
    %gt3A_17 = vector.broadcast %gt3A : f32 to vector<1000x128xf32>
    %gt3A_18 = arith.cmpf ogt, %div3A_16, %gt3A_17 : vector<1000x128xf32>
    %min3A = arith.constant 0.000000e+00 : f32
    %min3A_19 = vector.broadcast %min3A : f32 to vector<1000x128xf32>
    %min3A_20 = arith.minimumf %div3A_16, %min3A_19 : vector<1000x128xf32>
    %exp3A = math.exp %min3A_20 : vector<1000x128xf32>
    %sub3A = arith.constant 1.000000e+00 : f32
    %sub3A_21 = vector.broadcast %sub3A : f32 to vector<1000x128xf32>
    %sub3A_22 = arith.subf %exp3A, %sub3A_21 : vector<1000x128xf32>
    %select_n3A = arith.select %gt3A_18, %div3A_16, %sub3A_22 : vector<1000x128xi1>, vector<1000x128xf32>
    %swap3A = arith.constant 0 : index
    %swap3A_23 = arith.constant 0 : index
    %swap3A_24 = vector.load %arg3[%swap3A, %swap3A_23] : memref<1000x128xf32, #tpu.memory_space<vmem>>, vector<1000x128xf32>
    tpu.vector_store %arg3[%swap3A, %swap3A_23], %select_n3A {strides = array<i32>} : memref<1000x128xf32, #tpu.memory_space<vmem>>, vector<1000x128xf32>,
    return
  }
  func.func @transform_0(%arg0: i32) -> (i32, i32, i32) {
    %c0_i32 = arith.constant 0 : i32
    %c0_i32_0 = arith.constant 0 : i32
    %c0_i32_1 = arith.constant 0 : i32
    return %c0_i32, %arg0, %c0_i32_0 : i32, i32, i32
  }
  func.func @transform_1(%arg0: i32) -> (i32, i32) {
    %c0_i32 = arith.constant 0 : i32
    %c0_i32_0 = arith.constant 0 : i32
    return %arg0, %c0_i32 : i32, i32
  }
  func.func @transform_2(%arg0: i32) -> (i32, i32) {
    %c0_i32 = arith.constant 0 : i32
    %c0_i32_0 = arith.constant 0 : i32
    return %arg0, %c0_i32 : i32, i32
  }
}

</mosaic_0001>

<sc_bundles>
// kernel: kernel.5.cloned.1.call-start
scs
__scs_entry_jumppad:
0x0: {  	(pc) =	sbr.rel $0x88, $3  }
0x1: {  	(tag) =	ssettag $0x0;
	lr =	simm.s32 $0x1  }
0x2: {  	[smem:$0x3F9D] =	sst lr;
	_ =	strace $0xD0000000  }
0x3: {  	_ = 	snop  }
0x4: {  	_ = 	snop  }
0x5: {  	_ = 	snop  }
0x6: {  	_ = 	snop  }
0x7: {  	_ = 	snop  }
__scs_overlays_trampoline_lowered:
0x8: {  	[smem:$0x3FAC] =	sst s0  }
0x9: {  	[smem:$0x3FAD] =	sst s1  }
0xa: {  	[smem:$0x3FAE] =	sst s2  }
0xb: {  	[smem:$0x3FAF] =	sst s3  }
0xc: {  	[smem:$0x3FB0] =	sst s4  }
0xd: {  	[smem:$0x3FB1] =	sst s5  }
0xe: {  	[smem:$0x3FB2] =	sst s6  }
0xf: {  	[smem:$0x3FB3] =	sst s7  }
0x10: {  	[smem:$0x3FB4] =	sst s8  }
0x11: {  	[smem:$0x3FB5] =	sst s9;
	s0 =	simm.s32 @!p0 $0x0  }
0x12: {  	s1 =	sld [smem:$0x3F9B];
	s0 =	simm.s32 @p0 $0x1  }
0x13: {  	[smem:$0x3FB6] =	sst s0;
	s0 =	simm.s32 @!p1 $0x0  }
0x14: {  	s2 =	sld [smem:$0x3F9A];
	s0 =	simm.s32 @p1 $0x1  }
0x15: {  	[smem:$0x3FB7] =	sst s0;
	s0 =	simm.s32 @!p2 $0x0  }
0x16: {  	s3 =	sld [smem:$0x3FDB];
	s0 =	simm.s32 @p2 $0x1  }
0x17: {  	s4 =	simm.s32 $0x1BF5;
	[smem:$0x3FB9] =	sst s0  }
0x18: {  	s0 =	sld [smem:$0x3F9C];
	_ =	swait.ge [sflag:s4], $0x0  }
0x19: {  	s7 =	sld [smem:$0x3F9D]  }
0x1a: {  	s8 =	sadd.s32 $0xFFFFE003, lr  }
0x1b: {  	s9 =	sadd.s32 $0xFFFFFEF7, lr;
	s5 =	simm.s32 $0xFFFFFFFF;
	p2 =	slt.u32 s8, $0xFFFFF086  }
0x1c: {  	p1 =	slt.u32 s9, $0xF7A;
	s5 =	simm.s32 @!p2 $0x0  }
0x1d: {  	s5 =	simm.s32 @p1 $0x1;
	p0 =	seq.s32 s7, s2  }
0x1e: {  	s7 =	smul.u32 @!p0 $0xF7A, s2;
	p2 =	seq.s32 @!p0 s5, $0x0  }
0x1f: {  	s9 =	smul.u32 $0xF7A, s1;
	s8 =	simm.s32 @!p0 $0x1BF5;
	p2 =	por !p2, p0  }
0x20: {  	[sflag:s8] =	ssyncset.s32 @!p0 $0xFFFFF086;
	s6 =	sadd.s32 @!p0 s3, s7;
	s7 =	simm.s32 @!p0 $0x108  }
0x21: {  	s3 =	sadd.s32 s3, s9;
	s6 =	sadd.s32 @!p0 $0x88, s6;
	s7 =	simm.s32 @p2 $0x1082  }
0x22: {  	[simem:s7], [sflag:s8] =	dma.local @!p0 [hbm:s6], $0xF7A  }
0x23: {  	s9 =	sor.u32 $0xD0000000, s2;
	s6 =	simm.s32 $0x108;
	_ =	swait.ge @!p0 [sflag:s8], $0x0  }
0x24: {  	s3 =	sadd.s32 $0x88, s3;
	s6 =	simm.s32 @!p1 $0x1082;
	[sflag:s4] =	ssyncset.s32 $0xFFFFF086  }
0x25: {  	[simem:s6], [sflag:s4] =	dma.local [hbm:s3], $0xF7A  }
0x26: {  	[smem:$0x3F9D] =	sst s1;
	(tag) =	ssettag s2;
	_ =	strace s9  }
0x27: {  	s1 =	sld [smem:$0x3FAD]  }
0x28: {  	s2 =	sld [smem:$0x3FAE]  }
0x29: {  	s4 =	sld [smem:$0x3FB0]  }
0x2a: {  	p0 =	seq.s32 s5, $0x0;
	s5 =	sld [smem:$0x3FB1]  }
0x2b: {  	s6 =	sld [smem:$0x3FB2]  }
0x2c: {  	s7 =	sld [smem:$0x3FB3]  }
0x2d: {  	s3 =	simm.s32 $0x108;
	s8 =	sld [smem:$0x3FB4]  }
0x2e: {  	s3 =	simm.s32 @!p0 $0x1082;
	s9 =	sld [smem:$0x3FB5]  }
0x2f: {  	lr =	sadd.s32 s0, s3;
	s0 =	sld [smem:$0x3FAC]  }
0x30: {  	s3 =	sld [smem:$0x3FAF]  }
0x31: {  	[smem:$0x3FB8] =	sst s10  }
0x32: {  	s10 =	sld [smem:$0x3FB6];
	_ =	sdelay $0x3  }
0x33: {  	p0 =	seq.s32 s10, $0x1;
	s10 =	sld [smem:$0x3FB8];
	_ =	sdelay $0x3  }
0x34: {  	[smem:$0x3FB8] =	sst s10  }
0x35: {  	s10 =	sld [smem:$0x3FB7];
	_ =	sdelay $0x3  }
0x36: {  	p1 =	seq.s32 s10, $0x1;
	s10 =	sld [smem:$0x3FB8];
	_ =	sdelay $0x3  }
0x37: {  	[smem:$0x3FB8] =	sst s10  }
0x38: {  	s10 =	sld [smem:$0x3FB9]  }
0x39: {  	_ = 	snop;
	(pc) =	sbr.ind lr, $3  }
0x3a: {  	_ = 	snop  }
0x3b: {  	_ = 	snop  }
0x3c: {  	p2 =	seq.s32 s10, $0x1;
	s10 =	sld [smem:$0x3FB8]  }
0x3d: {  	_ =	shalt  }
0x3e: {  	_ =	shalt  }
0x3f: {  	_ =	shalt  }
0x40: {  	_ =	shalt  }
0x41: {  	_ =	shalt  }
0x42: {  	_ =	shalt  }
0x43: {  	_ =	shalt  }
0x44: {  	_ =	shalt  }
0x45: {  	_ =	shalt  }
0x46: {  	_ =	shalt  }
0x47: {  	_ =	shalt  }
0x48: {  	_ =	shalt  }
0x49: {  	_ =	shalt  }
0x4a: {  	_ =	shalt  }
0x4b: {  	_ =	shalt  }
0x4c: {  	_ =	shalt  }
0x4d: {  	_ =	shalt  }
0x4e: {  	_ =	shalt  }
0x4f: {  	_ =	shalt  }
0x50: {  	_ =	shalt  }
0x51: {  	_ =	shalt  }
0x52: {  	_ =	shalt  }
0x53: {  	_ =	shalt  }
0x54: {  	_ =	shalt  }
0x55: {  	_ =	shalt  }
0x56: {  	_ =	shalt  }
0x57: {  	_ =	shalt  }
0x58: {  	_ =	shalt  }
0x59: {  	_ =	shalt  }
0x5a: {  	_ =	shalt  }
0x5b: {  	_ =	shalt  }
0x5c: {  	_ =	shalt  }
0x5d: {  	_ =	shalt  }
0x5e: {  	_ =	shalt  }
0x5f: {  	_ =	shalt  }
0x60: {  	_ =	shalt  }
0x61: {  	_ =	shalt  }
0x62: {  	_ =	shalt  }
0x63: {  	_ =	shalt  }
0x64: {  	_ =	shalt  }
0x65: {  	_ =	shalt  }
0x66: {  	_ =	shalt  }
0x67: {  	_ =	shalt  }
0x68: {  	_ =	shalt  }
0x69: {  	_ =	shalt  }
0x6a: {  	_ =	shalt  }
0x6b: {  	_ =	shalt  }
0x6c: {  	_ =	shalt  }
0x6d: {  	_ =	shalt  }
0x6e: {  	_ =	shalt  }
0x6f: {  	_ =	shalt  }
0x70: {  	_ =	shalt  }
0x71: {  	_ =	shalt  }
0x72: {  	_ =	shalt  }
0x73: {  	_ =	shalt  }
0x74: {  	_ =	shalt  }
0x75: {  	_ =	shalt  }
0x76: {  	_ =	shalt  }
0x77: {  	_ =	shalt  }
0x78: {  	_ =	shalt  }
0x79: {  	_ =	shalt  }
0x7a: {  	_ =	shalt  }
0x7b: {  	_ =	shalt  }
0x7c: {  	_ =	shalt  }
0x7d: {  	_ =	shalt  }
0x7e: {  	_ =	shalt  }
0x7f: {  	_ =	shalt  }
0x80: {  	_ =	shalt  }
0x81: {  	_ =	shalt  }
0x82: {  	_ =	shalt  }
0x83: {  	_ =	shalt  }
0x84: {  	_ =	shalt  }
0x85: {  	_ =	shalt  }
0x86: {  	_ =	shalt  }
0x87: {  	_ =	shalt  }
.Lfunc_end0:
.L_simem_size_0:
called_computation_lowered:
.L_overlay_start_0:
0x88: {  	s2 =	sld [smem:$0x3FD9]  }
0x89: {  	s3 =	sld [smem:$0x3FFE];
	_ =	sdelay $0x1  }
0x8a: {  	s1 =	srdreg.scid  }
0x8b: {  	s0 =	sand.u32 $0x1, s1  }
0x8c: {  	s17 =	sshll.u32 s0, $0xA;
	s2 =	sadd.s32 s3, s2  }
0x8d: {  	s2 =	sadd.s32 s2, s17  }
0x8e: {  	[smem:$0x3FC4] =	sst s2  }
0x8f: {  	_ = 	snop  }
0x90: {  	s2 =	sld [smem:$0x3FD0];
	(tm) =	ssettm $0x1  }
0x91: {  	s18 =	sld [smem:$0x3FFB];
	_ =	sdelay $0x3  }
0x92: {  	_ =	strace s18  }
0x93: {  	s3 =	sld [smem:$0x3FFC];
	_ =	sdelay $0x3  }
0x94: {  	_ =	strace s3  }
0x95: {  	s3 =	sld [smem:$0x3FFD];
	_ =	sdelay $0x3  }
0x96: {  	_ =	strace s3  }
0x97: {  	_ =	strace $0x8FFFFFFF  }
0x98: {  	s19 =	sld [smem:$0x3FDB];
	_ =	sdelay $0x1  }
0x99: {  	s4 =	simm.s32 $_scs_section_size  }
0x9a: {  	s5 =	simm.s32 $_size__tile_overlayer_lowered;
	s6 =	simm.s32 $_tile_overlayer_lowered  }
0x9b: {  	s22 =	simm.s32 $0x1BFF;
	s21 =	sshll.u32 s6, $0x1;
	s3 =	sadd.s32 s4, s19  }
0x9c: {  	s7 =	simm.s32 $0x0;
	s20 =	sshll.u32 s5, $0x1;
	s5 =	sadd.s32 s21, s3  }
0x9d: {  	[timem:s7], [sflag:s22] =	dma.local [hbm:s5], s20  }
0x9e: {  	_ =	swait.ge [sflag:s22], s20  }
0x9f: {  	s4 =	ssub.s32 $0x0, s20;
	[sflag:s22] =	ssyncset.done $0x0  }
0xa0: {  	[sflag:s22] =	ssyncadd.s32 s4;
	_ =	sdelay $0x1  }
0xa1: {  	s23 =	simm.s32 $0x1B8B  }
0xa2: {  	_ =	swait.ge [sflag:s23], $0x1  }
0xa3: {  	[sflag:s23] =	ssyncset.done $0x0  }
0xa4: {  	s25 =	simm.s32 $0x1B8E;
	s24 =	sld [smem:$0x3FFE];
	[sflag:s23] =	ssyncadd.s32 $0xFFFFFFFF  }
0xa5: {  	s26 =	simm.s32 $execute0_lowered;
	[smem:$0x3FD2] =	sst s25  }
0xa6: {  	s5 =	sshll.u32 s26, $0x1;
	_ =	strace $0x80000046;
	[dreg:$0x1] =	wrdreg $0xFFFFFFFF  }
0xa7: {  	s28 =	simm.s32 $_size_execute0_lowered;
	s3 =	sadd.s32 s3, s5;
	[dreg:$0x0] =	wrdreg $0x0  }
0xa8: {  	s5 =	sshll.u32 s28, $0x1;
	[dreg:$0x2] =	wrdreg s3  }
0xa9: {  	[dreg:$0x3] =	wrdreg s5  }
0xaa: {  	[dreg:$0x4] =	wrdreg $0xC0  }
0xab: {  	_ =	task [dreg:s7], $0x5FFFF  }
0xac: {  	[dreg:$0x1] =	wrdreg $0xFFFFFFFF  }
0xad: {  	[dreg:$0x0] =	wrdreg $0x60  }
0xae: {  	[dreg:$0x2] =	wrdreg s24  }
0xaf: {  	[dreg:$0x3] =	wrdreg s2  }
0xb0: {  	[dreg:$0x4] =	wrdreg $0xC2800  }
0xb1: {  	[dreg:$0x5] =	wrdreg $0x9  }
0xb2: {  	_ =	task.clear_ibuf [dreg:s7], $0x6FFFF;
	_ =	strace $0x90000046  }
0xb3: {  	s29 =	simm.s32 $0x9;
	_ =	strace $0x80000048  }
0xb4: {  	_ =	swait.ge [sflag:s29], $0x1  }
0xb5: {  	[sflag:s29] =	ssyncadd.s32 $0xFFFFFFFF  }
0xb6: {  	_ =	strace $0x90000048  }
0xb7: {  	_ =	sfence  }
0xb8: {  	s30 =	sld [smem:$0x0];
	_ =	sdelay $0x2  }
0xb9: {  	s31 =	sshll.u32 s1, $0xD;
	s1 =	sshrl.u32 s1, $0x2  }
0xba: {  	s3 =	sand.u32 $0x4000, s31;
	s1 =	sadd.s32 s1, s30  }
0xbb: {  	s0 =	sor.u32 s3, s0;
	s1 =	sshll.u32 s1, $0x11  }
0xbc: {  	s0 =	sor.u32 s1, s0  }
0xbd: {  	s0 =	sadd.s32 $0x8F2B, s0  }
0xbe: {  	[sflag:s0] =	ssyncadd.remote.s32 $0x1  }
0xbf: {  	_ =	sfence.sel $0xFFFF  }
0xc0: {  	[dreg:$0x0] =	wrdreg $0xFFFFFFFF;
	(pc) =	sbr.abs _section_cstart, $3  }
0xc1: {  	[dreg:$0x1] =	wrdreg $0xFFFFFFFF  }
0xc2: {  	_ =	task.clear_ibuf [dreg:s7], $0x2FFFF;
	_ =	strace $0x9FFFFFFF  }
0xc3: {  	(tm) =	ssettm $0x7FFFFFFF  }
tec
execute0_lowered:
.L_overlay_start_1:
0x0: {  	(tag) =	ssettag $0x1  }
0x1: {  	s0 =	rddreg [dreg:$0x0]  }
0x2: {  	s1 =	rddreg [dreg:$0x2]  }
0x3: {  	s2 =	simm.s32 $0x0;
	s4 =	srdreg.scid;
	s25 =	stileid.u32  }
0x4: {  	[smem:$0x7FF] =	sst s2;
	s5 =	sadd.s32 $0x400, s0;
	s6 =	sadd.s32 $0x1B400, s0  }
0x5: {  	s24 =	sadd.s32 $0x37000, s0;
	s4 =	sand.u32 $0x1, s4;
	s3 =	sadd.s32 $0x36A00, s0  }
0x6: {  	s8 =	sshll.u32 s25, $0x1;
	s9 =	smul.u32 $0x13C00, s25;
	s10 =	sshrl.u32 s25, $0x2  }
0x7: {  	s26 =	sadd.s32 $0x36400, s0;
	_ =	strace $0x80000047;
	[dreg:$0x4] =	wrdreg s24  }
0x8: {  	s29 =	sadd.s32 $0x37600, s0;
	s2 =	smul.u32 $0x4F000, s25;
	[dreg:$0x5] =	wrdreg s3  }
0x9: {  	s7 =	smul.u32 $0x13C000, s4;
	s8 =	sor.u32 s4, s8;
	[dreg:$0x6] =	wrdreg s26  }
0xa: {  	s10 =	smul.u32 $0x13C00, s10;
	[dreg:$0x7] =	wrdreg s29;
	s4 =	ssub.s32 $0x2, s4  }
0xb: {  	s11 =	sshll.u32 s8, $0x7;
	s3 =	sshrl.u32 s4, $0x1;
	s12 =	smul.u32 $0x6C00, s8  }
0xc: {  	s7 =	sadd.s32 s9, s7;
	s30 =	sand.u32 $0x380, s11;
	s4 =	ssub.s32 s4, s3  }
0xd: {  	s7 =	sshrl.u32 s7, $0x3;
	s8 =	sshrl.u32 s12, $0x3;
	s21 =	smax.u32 s4, $0x1  }
0xe: {  	s9 =	sor.u32 s10, s30;
	s15 =	sadd.s32 s5, s8;
	[dreg:$0x15] =	wrdreg s21  }
0xf: {  	s10 =	sshrl.u32 s2, $0x2;
	s17 =	sadd.s32 s6, s8;
	[dreg:$0xf] =	wrdreg s15  }
0x10: {  	s7 =	sadd.s32 s7, s0;
	s2 =	sadd.s32 s10, s1;
	[dreg:$0x10] =	wrdreg s17  }
0x11: {  	s9 =	sshrl.u32 s9, $0x3;
	s1 =	sadd.s32 $0x1800, s2;
	[dreg:$0x8] =	wrdreg s2  }
0x12: {  	s0 =	sadd.s32 s9, s0;
	s9 =	sadd.s32 $0x3000, s2;
	[dreg:$0x9] =	wrdreg s1  }
0x13: {  	s10 =	sadd.s32 $0x4800, s2;
	[dreg:$0xa] =	wrdreg s9  }
0x14: {  	s11 =	sadd.s32 $0x6000, s2;
	[dreg:$0xb] =	wrdreg s10  }
0x15: {  	s13 =	sadd.s32 $0x7800, s2;
	[dreg:$0xc] =	wrdreg s11  }
0x16: {  	s16 =	sor.u32 $0x10, s8;
	s14 =	sadd.s32 $0x9000, s2;
	[dreg:$0xd] =	wrdreg s13  }
0x17: {  	s18 =	sadd.s32 s5, s16;
	[dreg:$0xe] =	wrdreg s14  }
0x18: {  	s19 =	sadd.s32 s6, s16;
	[dreg:$0x11] =	wrdreg s18  }
0x19: {  	s28 =	simm.s32 $0x5;
	s20 =	sadd.s32 $0x41800, s7;
	[dreg:$0x12] =	wrdreg s19  }
0x1a: {  	s31 =	simm.s32 $0x0;
	s22 =	sadd.s32 $0xA800, s2;
	[dreg:$0x13] =	wrdreg s20  }
0x1b: {  	s8 =	simm.s32 $0x7;
	s23 =	sadd.s32 $0xC000, s2;
	[dreg:$0x16] =	wrdreg s22  }
0x1c: {  	s21 =	simm.s32 $0x200;
	s24 =	sadd.s32 $0xD800, s2;
	[dreg:$0x17] =	wrdreg s23  }
0x1d: {  	s25 =	sadd.s32 $0xF000, s2;
	s26 =	sadd.s32 $0x10800, s2;
	[dreg:$0x18] =	wrdreg s24  }
0x1e: {  	s29 =	sadd.s32 $0x12000, s2;
	s30 =	sadd.s32 $0x13800, s2;
	[dreg:$0x19] =	wrdreg s25  }
0x1f: {  	s7 =	simm.s32 $0x300;
	s15 =	simm.s32 $0x30;
	[dreg:$0x1a] =	wrdreg s26  }
0x20: {  	s16 =	simm.s32 $0x100;
	s17 =	simm.s32 $0x180;
	[dreg:$0x1b] =	wrdreg s29  }
.Ltmp0:
0x21: {  	v0 =	vlaneseq.u32;
	s0 =	sadd.s32 $0x37A00, s0;
	[dreg:$0x1c] =	wrdreg s30;
	(pc) =	sbr.rel .LBB2_1-.Ltmp0, $4  }
0x22: {  	v3 =	vor.u32 $0x20, v0;
	s9 =	simm.s32 $0x2A80;
	s10 =	simm.s32 $0x9B00;
	s13 =	simm.s32 $0x5280  }
0x23: {  	v2 =	vor.u32 $0x10, v0;
	[tilespmem:$0x1FFD0] =	vst v3;
	s14 =	simm.s32 $0x80;
	s18 =	simm.s32 $0x6A80;
	s20 =	simm.s32 $0x9A80  }
0x24: {  	v1 =	vimm.f32 $0.0e+00;
	v5 =	vor.u32 $0x40, v0;
	v3 =	vor.u32 $0x30, v0;
	[tilespmem:$0x1FFF0] =	vst v2;
	s22 =	simm.s32 $0x280;
	s23 =	simm.s32 $0x8280;
	s24 =	simm.s32 $0x2  }
0x25: {  	v6 =	vor.u32 $0x50, v0;
	v7 =	vor.u32 $0x60, v0;
	v8 =	vor.u32 $0x70, v0;
	[tilespmem:$0x1FFE0] =	vst v3;
	s25 =	simm.s32 $0x3;
	s1 =	simm.s32 $0x0;
	[dreg:$0x14] =	wrdreg s0  }
.LBB2_12:
0x26: {  	s0 =	simm.s32 $0x4  }
0x27: {  	_ =	swait.ge [sflag:s0], $0x1800  }
0x28: {  	[sflag:s0] =	ssyncset.done $0x0  }
0x29: {  	[sflag:s0] =	ssyncadd.s32 $0xFFFFE800  }
0x2a: {  	_ =	swait.ge [sflag:s28], $0x1800  }
0x2b: {  	[sflag:s28] =	ssyncset.done $0x0  }
0x2c: {  	s4 =	simm.s32 $0x6;
	[sflag:s28] =	ssyncadd.s32 $0xFFFFE800  }
0x2d: {  	_ =	swait.ge [sflag:s4], $0x1800  }
0x2e: {  	[sflag:s4] =	ssyncset.done $0x0  }
0x2f: {  	[sflag:s4] =	ssyncadd.s32 $0xFFFFE800  }
0x30: {  	s11 =	stileid.u32;
	[bflag:$0x0] =	sbarrier.arrive $0xFFFF  }
0x31: {  	s0 =	sshll.u32 s11, $0x6;
	s2 =	rddreg [dreg:$0x8]  }
0x32: {  	s0 =	sor.u32 $0x1C07, s0;
	s3 =	rddreg [dreg:$0x13];
	s1 =	sshrl.u32 s2, $0x3  }
0x33: {  	[hbm:s3], [sflag:s0] =	dma.local [spmem:s1], $0x2780  }
0x34: {  	_ =	swait.ge [sflag:s8], $0x2780  }
0x35: {  	[sflag:s8] =	ssyncset.done $0x0  }
0x36: {  	s26 =	simm.s32 $0x400;
	s19 =	rddreg [dreg:$0x14];
	[sflag:s8] =	ssyncadd.s32 $0xFFFFD880  }
0x37: {  	[hbm4b:s19+s14] =	stream.strided.scatter [tilespmem:s10], [sflag:$0x7], $0x2780, s26, s14, $0x38;
	[tilespmem:$0x1FE80] =	vst v63  }
0x38: {  	_ =	swait.ge [sflag:s8], $0x2780  }
0x39: {  	s29 =	rddreg [dreg:$0x1d]  }
0x3a: {  	s30 =	rddreg [dreg:$0x15];
	s1 =	sadd.s32 $0x1, s29  }
0x3b: {  	p0 =	sne.s32 s1, s30  }
.Ltmp1:
0x3c: {  	_ = 	snop;
	(pc) =	sbr.rel @!p0 .LBB2_13-.Ltmp1, $3  }
0x3d: {  	_ =	sdelay $0x1  }
0x3e: {  	[sflag:s8] =	ssyncset.done $0x0  }
0x3f: {  	v0 =	vlaneseq.u32;
	v1 =	vimm.f32 $0.0e+00;
	[sflag:s8] =	ssyncadd.s32 $0xFFFFD880  }
.LBB2_1:
0x40: {  	[dreg:$0x1d] =	wrdreg s1  }
0x41: {  	s26 =	simm.s32 $0x0;
	s0 =	rddreg [dreg:$0x4]  }
0x42: {  	[tilespmem:s7], [sflag:$0x7] =	stream.linear.gather [hbm4b:s0+s26], $0x2780, $0x38;
	[tilespmem:$0x1FE80] =	vst v63  }
0x43: {  	_ =	swait.ge [sflag:s8], $0x2780  }
0x44: {  	[sflag:s8] =	ssyncset.done $0x0  }
0x45: {  	s29 =	rddreg [dreg:$0x5];
	[sflag:s8] =	ssyncadd.s32 $0xFFFFD880  }
0x46: {  	[tilespmem:s9], [sflag:$0x7] =	stream.linear.gather [hbm4b:s29+s26], $0x2780, $0x38;
	[tilespmem:$0x1FE80] =	vst v63  }
0x47: {  	_ =	swait.ge [sflag:s8], $0x2780  }
0x48: {  	[sflag:s8] =	ssyncset.done $0x0  }
0x49: {  	s3 =	simm.s32 $0x5200;
	s30 =	rddreg [dreg:$0x6];
	[sflag:s8] =	ssyncadd.s32 $0xFFFFD880  }
0x4a: {  	[tilespmem:s3], [sflag:$0x7] =	stream.linear.gather [hbm4b:s30+s26], $0x80, $0x38;
	[tilespmem:$0x1FE80] =	vst v63  }
0x4b: {  	_ =	swait.ge [sflag:s8], $0x80  }
0x4c: {  	[sflag:s8] =	ssyncset.done $0x0  }
0x4d: {  	[sflag:s8] =	ssyncadd.s32 $0xFFFFFF80  }
0x4e: {  	v9 =	vld [tilespmem:$0x5200];
	_ =	sdelay $0x4  }
0x4f: {  	s0 =	simm.s32 $0x10;
	v10 =	vor.u32 s26, v0;
	[tilespmem:$0x1FFC0] =	vst v9  }
.LBB2_2:
0x50: {  	p0 =	sne.s32 s0, $0x2770  }
.Ltmp2:
0x51: {  	_ = 	snop;
	(pc) =	sbr.rel @p0 .LBB2_2-.Ltmp2, $3  }
0x52: {  	_ =	sdelay $0x1  }
0x53: {  	[tilespmem:v10+s10+$0x0] =	vst.idx.msk $0xffff, v1;
	s4 =	smov.u32 s0;
	s0 =	sadd.s32 $0x10, s0  }
0x54: {  	v10 =	vor.u32 s4, v0  }
0x55: {  	_ =	sdelay $0x3  }
0x56: {  	[tilespmem:v10+s10+$0x0] =	vst.idx.msk $0xffff, v1;
	s0 =	rddreg [dreg:$0x7]  }
0x57: {  	[tilespmem:s13], [sflag:$0x7] =	stream.linear.gather [hbm4b:s0+s31], $0x1800, $0x38;
	[tilespmem:$0x1FE80] =	vst v63  }
0x58: {  	_ =	swait.ge [sflag:s8], $0x1800  }
0x59: {  	[sflag:s8] =	ssyncset.done $0x0  }
0x5a: {  	[sflag:s8] =	ssyncadd.s32 $0xFFFFE800  }
0x5b: {  	[spmem:s2] =	stream.linear.scatter [tilespmem:s13], [sflag:$0x7], $0x1800, $0x38;
	[tilespmem:$0x1FE80] =	vst v63  }
0x5c: {  	_ =	swait.ge [sflag:s8], $0x1800  }
0x5d: {  	[sflag:s8] =	ssyncset.done $0x0  }
0x5e: {  	s2 =	rddreg [dreg:$0x9];
	[sflag:s8] =	ssyncadd.s32 $0xFFFFE800  }
0x5f: {  	[spmem:s2] =	stream.linear.scatter [tilespmem:s13], [sflag:$0x7], $0x1800, $0x38;
	[tilespmem:$0x1FE80] =	vst v63  }
0x60: {  	_ =	swait.ge [sflag:s8], $0x1800  }
0x61: {  	[sflag:s8] =	ssyncset.done $0x0  }
0x62: {  	s3 =	rddreg [dreg:$0xa];
	[sflag:s8] =	ssyncadd.s32 $0xFFFFE800  }
0x63: {  	[spmem:s3] =	stream.linear.scatter [tilespmem:s13], [sflag:$0x7], $0x1800, $0x38;
	[tilespmem:$0x1FE80] =	vst v63  }
0x64: {  	_ =	swait.ge [sflag:s8], $0x1800  }
0x65: {  	[sflag:s8] =	ssyncset.done $0x0  }
0x66: {  	s4 =	rddreg [dreg:$0xb];
	[sflag:s8] =	ssyncadd.s32 $0xFFFFE800  }
0x67: {  	[spmem:s4] =	stream.linear.scatter [tilespmem:s13], [sflag:$0x7], $0x1800, $0x38;
	[tilespmem:$0x1FE80] =	vst v63  }
0x68: {  	_ =	swait.ge [sflag:s8], $0x1800  }
0x69: {  	[sflag:s8] =	ssyncset.done $0x0  }
0x6a: {  	s11 =	rddreg [dreg:$0xc];
	[sflag:s8] =	ssyncadd.s32 $0xFFFFE800  }
0x6b: {  	[spmem:s11] =	stream.linear.scatter [tilespmem:s13], [sflag:$0x7], $0x1800, $0x38;
	[tilespmem:$0x1FE80] =	vst v63  }
0x6c: {  	_ =	swait.ge [sflag:s8], $0x1800  }
0x6d: {  	[sflag:s8] =	ssyncset.done $0x0  }
0x6e: {  	s19 =	rddreg [dreg:$0xd];
	[sflag:s8] =	ssyncadd.s32 $0xFFFFE800  }
0x6f: {  	[spmem:s19] =	stream.linear.scatter [tilespmem:s13], [sflag:$0x7], $0x1800, $0x38;
	[tilespmem:$0x1FE80] =	vst v63  }
0x70: {  	_ =	swait.ge [sflag:s8], $0x1800  }
0x71: {  	[sflag:s8] =	ssyncset.done $0x0  }
0x72: {  	s26 =	rddreg [dreg:$0xe];
	[sflag:s8] =	ssyncadd.s32 $0xFFFFE800  }
0x73: {  	[spmem:s26] =	stream.linear.scatter [tilespmem:s13], [sflag:$0x7], $0x1800, $0x38;
	[tilespmem:$0x1FE80] =	vst v63  }
0x74: {  	_ =	swait.ge [sflag:s8], $0x1800  }
0x75: {  	[sflag:s8] =	ssyncset.done $0x0  }
0x76: {  	s29 =	rddreg [dreg:$0x16];
	[sflag:s8] =	ssyncadd.s32 $0xFFFFE800  }
0x77: {  	[spmem:s29] =	stream.linear.scatter [tilespmem:s13], [sflag:$0x7], $0x1800, $0x38;
	[tilespmem:$0x1FE80] =	vst v63  }
0x78: {  	_ =	swait.ge [sflag:s8], $0x1800  }
0x79: {  	[sflag:s8] =	ssyncset.done $0x0  }
0x7a: {  	s30 =	rddreg [dreg:$0x17];
	[sflag:s8] =	ssyncadd.s32 $0xFFFFE800  }
0x7b: {  	[spmem:s30] =	stream.linear.scatter [tilespmem:s13], [sflag:$0x7], $0x1800, $0x38;
	[tilespmem:$0x1FE80] =	vst v63  }
0x7c: {  	_ =	swait.ge [sflag:s8], $0x1800  }
0x7d: {  	[sflag:s8] =	ssyncset.done $0x0  }
0x7e: {  	s1 =	rddreg [dreg:$0x18];
	[sflag:s8] =	ssyncadd.s32 $0xFFFFE800  }
0x7f: {  	[spmem:s1] =	stream.linear.scatter [tilespmem:s13], [sflag:$0x7], $0x1800, $0x38;
	[tilespmem:$0x1FE80] =	vst v63  }
0x80: {  	_ =	swait.ge [sflag:s8], $0x1800  }
0x81: {  	[sflag:s8] =	ssyncset.done $0x0  }
0x82: {  	s2 =	rddreg [dreg:$0x19];
	[sflag:s8] =	ssyncadd.s32 $0xFFFFE800  }
0x83: {  	[spmem:s2] =	stream.linear.scatter [tilespmem:s13], [sflag:$0x7], $0x1800, $0x38;
	[tilespmem:$0x1FE80] =	vst v63  }
0x84: {  	_ =	swait.ge [sflag:s8], $0x1800  }
0x85: {  	[sflag:s8] =	ssyncset.done $0x0  }
0x86: {  	s3 =	rddreg [dreg:$0x1a];
	[sflag:s8] =	ssyncadd.s32 $0xFFFFE800  }
0x87: {  	[spmem:s3] =	stream.linear.scatter [tilespmem:s13], [sflag:$0x7], $0x1800, $0x38;
	[tilespmem:$0x1FE80] =	vst v63  }
0x88: {  	_ =	swait.ge [sflag:s8], $0x1800  }
0x89: {  	[sflag:s8] =	ssyncset.done $0x0  }
0x8a: {  	s4 =	rddreg [dreg:$0x1b];
	[sflag:s8] =	ssyncadd.s32 $0xFFFFE800  }
0x8b: {  	[spmem:s4] =	stream.linear.scatter [tilespmem:s13], [sflag:$0x7], $0x1800, $0x38;
	[tilespmem:$0x1FE80] =	vst v63  }
0x8c: {  	_ =	swait.ge [sflag:s8], $0x1800  }
0x8d: {  	[sflag:s8] =	ssyncset.done $0x0  }
0x8e: {  	s11 =	rddreg [dreg:$0x1c];
	[sflag:s8] =	ssyncadd.s32 $0xFFFFE800  }
0x8f: {  	[spmem:s11] =	stream.linear.scatter [tilespmem:s13], [sflag:$0x7], $0x400, $0x38;
	[tilespmem:$0x1FE80] =	vst v63  }
0x90: {  	_ =	swait.ge [sflag:s8], $0x400  }
0x91: {  	[sflag:s8] =	ssyncset.done $0x0  }
0x92: {  	[sflag:s8] =	ssyncadd.s32 $0xFFFFFC00  }
0x93: {  	[bflag:$0x0] =	sbarrier.arrive $0xFFFF  }
0x94: {  	s19 =	rddreg [dreg:$0xf]  }
0x95: {  	[tilespmem:s31], [sflag:$0x7] =	stream.linear.gather [hbm4b:s19+s31], $0x80, $0x38;
	[tilespmem:$0x1FE80] =	vst v63  }
0x96: {  	_ =	swait.ge [sflag:s8], $0x80  }
0x97: {  	[sflag:s8] =	ssyncset.done $0x0  }
0x98: {  	s26 =	rddreg [dreg:$0x10];
	[sflag:s8] =	ssyncadd.s32 $0xFFFFFF80  }
0x99: {  	[tilespmem:s14], [sflag:$0x7] =	stream.linear.gather [hbm4b:s26+s31], $0x80, $0x38;
	[tilespmem:$0x1FE80] =	vst v63  }
0x9a: {  	_ =	swait.ge [sflag:s8], $0x80  }
0x9b: {  	[sflag:s8] =	ssyncset.done $0x0  }
0x9c: {  	[sflag:s8] =	ssyncadd.s32 $0xFFFFFF80  }
0x9d: {  	s29 =	rddreg [dreg:$0x1]  }
0x9e: {  	[tilespmem:s13], [sflag:$0x1] =	stream.indirect.gather [hbm4b:s29+s15], $0x80, s31, s15, $0xb8;
	[tilespmem:$0x1FE80] =	vst v63  }
0x9f: {  	s1 =	rddreg [dreg:$0x11]  }
0xa0: {  	[tilespmem:s16], [sflag:$0x7] =	stream.linear.gather [hbm4b:s1+s31], $0x80, $0x38;
	[tilespmem:$0x1FE80] =	vst v63  }
0xa1: {  	_ =	swait.ge [sflag:s8], $0x80  }
0xa2: {  	[sflag:s8] =	ssyncset.done $0x0  }
0xa3: {  	s30 =	rddreg [dreg:$0x12];
	[sflag:s8] =	ssyncadd.s32 $0xFFFFFF80  }
0xa4: {  	[tilespmem:s17], [sflag:$0x7] =	stream.linear.gather [hbm4b:s30+s31], $0x80, $0x38;
	[tilespmem:$0x1FE80] =	vst v63  }
0xa5: {  	_ =	swait.ge [sflag:s8], $0x80  }
0xa6: {  	[sflag:s8] =	ssyncset.done $0x0  }
0xa7: {  	s0 =	simm.s32 $0x0;
	[sflag:s8] =	ssyncadd.s32 $0xFFFFFF80  }
0xa8: {  	[tilespmem:s18], [sflag:$0x2] =	stream.indirect.gather [hbm4b:s29+s15], $0x80, s16, s15, $0xb8;
	[tilespmem:$0x1FE80] =	vst v63  }
.LBB2_4:
0xa9: {  	s1 =	simm.s32 $0x1  }
0xaa: {  	_ =	swait.ge [sflag:s1], $0x1800  }
0xab: {  	v3 =	vld [tilespmem:$0x1FFD0];
	_ =	sdelay $0x1  }
0xac: {  	[sflag:s1] =	ssyncset.done $0x0  }
0xad: {  	[sflag:s1] =	ssyncadd.s32 $0xFFFFE800  }
0xae: {  	v10 =	vld.idx.msk [tilespmem:v0+s31+$0x0], $0xffff  }
0xaf: {  	v11 =	vld.idx.msk [tilespmem:v0+s14+$0x0], $0xffff  }
0xb0: {  	v12 =	vld.idx.msk [tilespmem:v2+s31+$0x0], $0xffff  }
0xb1: {  	v13 =	vld.idx.msk [tilespmem:v2+s14+$0x0], $0xffff  }
0xb2: {  	v14 =	vld.idx.msk [tilespmem:v3+s31+$0x0], $0xffff  }
0xb3: {  	v15 =	vld.idx.msk [tilespmem:v3+s14+$0x0], $0xffff;
	_ =	sdelay $0x2  }
0xb4: {  	v10 =	vld.idx.msk [tilespmem:v10+s7+$0x0], $0xffff  }
0xb5: {  	v11 =	vld.idx.msk [tilespmem:v11+s9+$0x0], $0xffff  }
0xb6: {  	v12 =	vld.idx.msk [tilespmem:v12+s7+$0x0], $0xffff  }
0xb7: {  	v13 =	vld.idx.msk [tilespmem:v13+s9+$0x0], $0xffff  }
0xb8: {  	v14 =	vld.idx.msk [tilespmem:v14+s7+$0x0], $0xffff  }
0xb9: {  	v15 =	vld.idx.msk [tilespmem:v15+s9+$0x0], $0xffff;
	_ =	sdelay $0x2  }
0xba: {  	v1 =	vld [tilespmem:$0x1FFC0];
	v10 =	vadd.f32 v11, v10  }
0xbb: {  	v11 =	vadd.f32 v13, v12  }
0xbc: {  	v12 =	vmul.f32 $2.000000030e-01, v10;
	v13 =	vadd.f32 v15, v14  }
0xbd: {  	vm0 =	vgt.f32 v10, $0.0e+00;
	v14 =	vmul.f32 $2.000000030e-01, v11  }
0xbe: {  	vm14 =	vgt.f32 v11, $0.0e+00;
	v10 =	vsel vm0, v10, v12;
	v12 =	vmul.f32 $2.000000030e-01, v13  }
0xbf: {  	v10 =	vsub.f32 v10, v1;
	v11 =	vsel vm14, v11, v14;
	vm15 =	vgt.f32 v13, $0.0e+00  }
0xc0: {  	v11 =	vsub.f32 v11, v1;
	v12 =	vsel vm15, v13, v12  }
0xc1: {  	v10 =	vmul.f32 $1.442695020e+00, v10;
	v12 =	vsub.f32 v12, v1  }
0xc2: {  	v11 =	vmul.f32 $1.442695020e+00, v11  }
0xc3: {  	(erf) = vpow2.f32 v10;
	v10 =	vmul.f32 $1.442695020e+00, v12  }
0xc4: {  	(erf) = vpow2.f32 v11  }
0xc5: {  	(erf) = vpow2.f32 v10;
	_ =	sdelay $0x4  }
0xc6: {  	s4 =	simm.s32 $0x6;
	s26 =	simm.s32 $0x3  }
0xc7: {  	v4 =	vmov s4;
	v27 =	vmov s26  }
0xc8: {  	s11 =	simm.s32 $0x5;
	v33 =	vshll.u32 v27, $0x7;
	v11 =	vpop (erf)  }
0xc9: {  	s19 =	simm.s32 $0x7;
	v16 =	vmov s11;
	v21 =	vor.u32 v0, v33;
	[tilespmem:v0+s20+$0x0] =	vst.idx.msk $0xffff, v11;
	v12 =	vpop (erf)  }
0xca: {  	v29 =	vshll.u32 v16, $0x7;
	v1 =	vmov s19;
	[tilespmem:v2+s20+$0x0] =	vst.idx.msk $0xffff, v12;
	v11 =	vpop (erf)  }
0xcb: {  	s26 =	simm.s32 $0x2;
	v34 =	vor.u32 v0, v29;
	[tilespmem:v3+s20+$0x0] =	vst.idx.msk $0xffff, v11  }
0xcc: {  	s29 =	simm.s32 $0x4;
	v9 =	vmov v2;
	v2 =	vmov s26;
	v11 =	vld.idx.msk [tilespmem:v4+s20+$0x0], $0xffff  }
0xcd: {  	v17 =	vmov s29;
	v18 =	vld.idx.msk [tilespmem:v27+s20+$0x0], $0xffff  }
0xce: {  	v31 =	vshll.u32 v17, $0x7;
	v19 =	vld.idx.msk [tilespmem:v21+s13+$0x0], $0xffff  }
0xcf: {  	v36 =	vor.u32 v0, v31;
	v32 =	vshll.u32 v2, $0x7;
	v13 =	vld.idx.msk [tilespmem:v1+s20+$0x0], $0xffff  }
0xd0: {  	v30 =	vshll.u32 v1, $0x7;
	v35 =	vor.u32 v0, v32;
	v22 =	vld.idx.msk [tilespmem:v34+s13+$0x0], $0xffff;
	[tilespmem:$0x1FFA0] =	vst v1  }
0xd1: {  	v38 =	vor.u32 v0, v30;
	v14 =	vld.idx.msk [tilespmem:v2+s20+$0x0], $0xffff;
	[tilespmem:$0x1FFB0] =	vst v4  }
0xd2: {  	v28 =	vshll.u32 v4, $0x7;
	v15 =	vld.idx.msk [tilespmem:v17+s20+$0x0], $0xffff  }
0xd3: {  	v39 =	vor.u32 v0, v28;
	v23 =	vld.idx.msk [tilespmem:v16+s20+$0x0], $0xffff  }
0xd4: {  	v37 =	vor.u32 v9, v33;
	v40 =	vld.idx.msk [tilespmem:v36+s13+$0x0], $0xffff  }
0xd5: {  	s30 =	simm.s32 $0x1;
	v26 =	vld.idx.msk [tilespmem:v35+s13+$0x0], $0xffff  }
0xd6: {  	v4 =	vmov s30;
	v43 =	vld.idx.msk [tilespmem:v38+s13+$0x0], $0xffff;
	v25 =	vmul.f32 v19, v18  }
0xd7: {  	v44 =	vor.u32 v9, v29  }
0xd8: {  	v47 =	vor.u32 v9, v31;
	v45 =	vld.idx.msk [tilespmem:v39+s13+$0x0], $0xffff;
	[tilespmem:v21+s13+$0x0] =	vst.idx.msk $0xffff, v25  }
0xd9: {  	v50 =	vor.u32 v9, v30;
	v42 =	vor.u32 v9, v32;
	v41 =	vld.idx.msk [tilespmem:v37+s13+$0x0], $0xffff;
	v49 =	vmul.f32 v22, v23  }
0xda: {  	v56 =	vmul.f32 v40, v15;
	v46 =	vmul.f32 v26, v14;
	v26 =	vshll.u32 v4, $0x7  }
0xdb: {  	v22 =	vld.idx.msk [tilespmem:v4+s20+$0x0], $0xffff;
	v43 =	vmul.f32 v43, v13;
	[tilespmem:v34+s13+$0x0] =	vst.idx.msk $0xffff, v49;
	v34 =	vor.u32 v0, v26  }
0xdc: {  	[tilespmem:v36+s13+$0x0] =	vst.idx.msk $0xffff, v56;
	v57 =	vld.idx.msk [tilespmem:v44+s13+$0x0], $0xffff  }
0xdd: {  	v48 =	vor.u32 v3, v33;
	v45 =	vmul.f32 v45, v11;
	[tilespmem:v38+s13+$0x0] =	vst.idx.msk $0xffff, v43;
	v58 =	vld.idx.msk [tilespmem:v47+s13+$0x0], $0xffff  }
0xde: {  	v63 =	vmov s31;
	[tilespmem:v35+s13+$0x0] =	vst.idx.msk $0xffff, v46;
	v59 =	vld.idx.msk [tilespmem:v50+s13+$0x0], $0xffff;
	v41 =	vmul.f32 v41, v18  }
0xdf: {  	v25 =	vshll.u32 v63, $0x7;
	v40 =	vor.u32 v9, v28;
	[tilespmem:v39+s13+$0x0] =	vst.idx.msk $0xffff, v45;
	v46 =	vld.idx.msk [tilespmem:v42+s13+$0x0], $0xffff  }
0xe0: {  	v36 =	vor.u32 v0, v25;
	[tilespmem:v37+s13+$0x0] =	vst.idx.msk $0xffff, v41;
	v51 =	vld.idx.msk [tilespmem:v34+s13+$0x0], $0xffff  }
0xe1: {  	v43 =	vor.u32 v3, v29;
	v0 =	vld [tilespmem:$0x1FFE0]  }
0xe2: {  	v38 =	vor.u32 v3, v32;
	v41 =	vld.idx.msk [tilespmem:v48+s13+$0x0], $0xffff;
	v35 =	vmul.f32 v57, v23  }
0xe3: {  	v53 =	vor.u32 v3, v30;
	v21 =	vld.idx.msk [tilespmem:v63+s20+$0x0], $0xffff;
	v37 =	vmul.f32 v58, v15  }
0xe4: {  	v49 =	vor.u32 v3, v31;
	v45 =	vld.idx.msk [tilespmem:v40+s13+$0x0], $0xffff;
	v46 =	vmul.f32 v46, v14;
	[tilespmem:v44+s13+$0x0] =	vst.idx.msk $0xffff, v35  }
0xe5: {  	v54 =	vld.idx.msk [tilespmem:v36+s13+$0x0], $0xffff;
	v39 =	vmul.f32 v59, v13;
	v35 =	vor.u32 v9, v26;
	[tilespmem:v47+s13+$0x0] =	vst.idx.msk $0xffff, v37  }
0xe6: {  	[tilespmem:v42+s13+$0x0] =	vst.idx.msk $0xffff, v46;
	v60 =	vld.idx.msk [tilespmem:v43+s13+$0x0], $0xffff;
	v61 =	vmul.f32 v51, v22;
	v52 =	vor.u32 v0, v33  }
0xe7: {  	[tilespmem:v50+s13+$0x0] =	vst.idx.msk $0xffff, v39;
	v42 =	vor.u32 v3, v28;
	v46 =	vld.idx.msk [tilespmem:v38+s13+$0x0], $0xffff;
	v41 =	vmul.f32 v41, v18  }
0xe8: {  	v57 =	vld.idx.msk [tilespmem:v53+s13+$0x0], $0xffff;
	[tilespmem:v34+s13+$0x0] =	vst.idx.msk $0xffff, v61  }
0xe9: {  	v44 =	vor.u32 v9, v25;
	v45 =	vmul.f32 v45, v11;
	[tilespmem:v48+s13+$0x0] =	vst.idx.msk $0xffff, v41;
	v41 =	vld.idx.msk [tilespmem:v49+s13+$0x0], $0xffff  }
0xea: {  	v39 =	vor.u32 v0, v32;
	v47 =	vld.idx.msk [tilespmem:v35+s13+$0x0], $0xffff  }
0xeb: {  	v62 =	vmul.f32 v54, v21;
	[tilespmem:v40+s13+$0x0] =	vst.idx.msk $0xffff, v45;
	v50 =	vor.u32 v0, v29;
	v48 =	vld.idx.msk [tilespmem:v52+s13+$0x0], $0xffff  }
0xec: {  	v54 =	vor.u32 v5, v33;
	v37 =	vor.u32 v0, v30;
	v58 =	vld.idx.msk [tilespmem:v42+s13+$0x0], $0xffff;
	v59 =	vmul.f32 v46, v14  }
0xed: {  	[tilespmem:v36+s13+$0x0] =	vst.idx.msk $0xffff, v62;
	v60 =	vmul.f32 v60, v23;
	v46 =	vor.u32 v0, v31  }
0xee: {  	v36 =	vor.u32 v3, v26;
	v51 =	vld.idx.msk [tilespmem:v44+s13+$0x0], $0xffff;
	v40 =	vmul.f32 v57, v13;
	[tilespmem:v38+s13+$0x0] =	vst.idx.msk $0xffff, v59  }
0xef: {  	[tilespmem:v43+s13+$0x0] =	vst.idx.msk $0xffff, v60;
	v43 =	vor.u32 v3, v25;
	v61 =	vmul.f32 v41, v15;
	v45 =	vld.idx.msk [tilespmem:v39+s13+$0x0], $0xffff  }
0xf0: {  	[tilespmem:v53+s13+$0x0] =	vst.idx.msk $0xffff, v40;
	v62 =	vld.idx.msk [tilespmem:v50+s13+$0x0], $0xffff;
	v41 =	vor.u32 v0, v28;
	v48 =	vmul.f32 v48, v18  }
0xf1: {  	v47 =	vmul.f32 v47, v22;
	v34 =	vmul.f32 v58, v11;
	v58 =	vld.idx.msk [tilespmem:v37+s13+$0x0], $0xffff;
	[tilespmem:v49+s13+$0x0] =	vst.idx.msk $0xffff, v61  }
0xf2: {  	v40 =	vor.u32 v5, v32;
	v56 =	vld.idx.msk [tilespmem:v46+s13+$0x0], $0xffff;
	[tilespmem:v52+s13+$0x0] =	vst.idx.msk $0xffff, v48  }
0xf3: {  	v59 =	vmul.f32 v51, v21;
	[tilespmem:v35+s13+$0x0] =	vst.idx.msk $0xffff, v47;
	v57 =	vld.idx.msk [tilespmem:v54+s13+$0x0], $0xffff  }
0xf4: {  	[tilespmem:v42+s13+$0x0] =	vst.idx.msk $0xffff, v34;
	v61 =	vld.idx.msk [tilespmem:v36+s13+$0x0], $0xffff;
	v52 =	vor.u32 v5, v29;
	v45 =	vmul.f32 v45, v14  }
0xf5: {  	v47 =	vor.u32 v5, v31;
	[tilespmem:v44+s13+$0x0] =	vst.idx.msk $0xffff, v59;
	v38 =	vmul.f32 v62, v23;
	v60 =	vld.idx.msk [tilespmem:v41+s13+$0x0], $0xffff  }
0xf6: {  	v44 =	vor.u32 v6, v33;
	v62 =	vld.idx.msk [tilespmem:v43+s13+$0x0], $0xffff;
	v34 =	vmul.f32 v58, v13;
	[tilespmem:v39+s13+$0x0] =	vst.idx.msk $0xffff, v45  }
0xf7: {  	v51 =	vor.u32 v5, v30;
	[tilespmem:v50+s13+$0x0] =	vst.idx.msk $0xffff, v38;
	v55 =	vmul.f32 v56, v15;
	v56 =	vld.idx.msk [tilespmem:v40+s13+$0x0], $0xffff  }
0xf8: {  	v45 =	vor.u32 v5, v28;
	[tilespmem:v37+s13+$0x0] =	vst.idx.msk $0xffff, v34;
	v49 =	vmul.f32 v57, v18  }
0xf9: {  	v38 =	vor.u32 v0, v26;
	v59 =	vmul.f32 v61, v22;
	[tilespmem:v46+s13+$0x0] =	vst.idx.msk $0xffff, v55;
	v57 =	vld.idx.msk [tilespmem:v52+s13+$0x0], $0xffff  }
0xfa: {  	v37 =	vor.u32 v6, v32;
	v35 =	vmul.f32 v60, v11;
	v58 =	vld.idx.msk [tilespmem:v47+s13+$0x0], $0xffff;
	[tilespmem:v54+s13+$0x0] =	vst.idx.msk $0xffff, v49  }
0xfb: {  	v61 =	vmul.f32 v62, v21;
	v46 =	vor.u32 v0, v25;
	[tilespmem:v36+s13+$0x0] =	vst.idx.msk $0xffff, v59;
	v50 =	vld.idx.msk [tilespmem:v44+s13+$0x0], $0xffff  }
0xfc: {  	v42 =	vor.u32 v6, v29;
	v60 =	vld.idx.msk [tilespmem:v51+s13+$0x0], $0xffff;
	[tilespmem:v41+s13+$0x0] =	vst.idx.msk $0xffff, v35;
	v55 =	vmul.f32 v56, v14  }
0xfd: {  	v36 =	vor.u32 v6, v31;
	[tilespmem:v43+s13+$0x0] =	vst.idx.msk $0xffff, v61;
	v62 =	vld.idx.msk [tilespmem:v45+s13+$0x0], $0xffff  }
0xfe: {  	v43 =	vor.u32 v7, v33;
	v56 =	vld.idx.msk [tilespmem:v38+s13+$0x0], $0xffff;
	[tilespmem:v40+s13+$0x0] =	vst.idx.msk $0xffff, v55;
	v39 =	vmul.f32 v57, v23  }
0xff: {  	v40 =	vor.u32 v6, v30;
	v58 =	vmul.f32 v58, v15;
	v59 =	vld.idx.msk [tilespmem:v37+s13+$0x0], $0xffff  }
0x100: {  	v57 =	vld.idx.msk [tilespmem:v46+s13+$0x0], $0xffff;
	[tilespmem:v52+s13+$0x0] =	vst.idx.msk $0xffff, v39;
	v52 =	vor.u32 v6, v28;
	v50 =	vmul.f32 v50, v18  }
0x101: {  	v35 =	vmul.f32 v60, v13;
	[tilespmem:v47+s13+$0x0] =	vst.idx.msk $0xffff, v58;
	v47 =	vor.u32 v5, v26;
	v34 =	vld.idx.msk [tilespmem:v42+s13+$0x0], $0xffff  }
0x102: {  	v41 =	vor.u32 v7, v32;
	v61 =	vmul.f32 v62, v11;
	v60 =	vld.idx.msk [tilespmem:v36+s13+$0x0], $0xffff;
	[tilespmem:v44+s13+$0x0] =	vst.idx.msk $0xffff, v50  }
0x103: {  	[tilespmem:v51+s13+$0x0] =	vst.idx.msk $0xffff, v35;
	v55 =	vmul.f32 v56, v22;
	v50 =	vor.u32 v5, v25;
	v62 =	vld.idx.msk [tilespmem:v43+s13+$0x0], $0xffff  }
0x104: {  	v48 =	vor.u32 v7, v29;
	[tilespmem:v45+s13+$0x0] =	vst.idx.msk $0xffff, v61;
	v56 =	vld.idx.msk [tilespmem:v40+s13+$0x0], $0xffff;
	v59 =	vmul.f32 v59, v14  }
0x105: {  	v49 =	vor.u32 v7, v31;
	[tilespmem:v38+s13+$0x0] =	vst.idx.msk $0xffff, v55;
	v57 =	vmul.f32 v57, v21;
	v58 =	vld.idx.msk [tilespmem:v52+s13+$0x0], $0xffff  }
0x106: {  	v33 =	vor.u32 v8, v33;
	v38 =	vld.idx.msk [tilespmem:v47+s13+$0x0], $0xffff;
	[tilespmem:v37+s13+$0x0] =	vst.idx.msk $0xffff, v59;
	v34 =	vmul.f32 v34, v23  }
0x107: {  	[tilespmem:v46+s13+$0x0] =	vst.idx.msk $0xffff, v57;
	v46 =	vor.u32 v7, v30;
	v60 =	vmul.f32 v60, v15;
	v37 =	vld.idx.msk [tilespmem:v41+s13+$0x0], $0xffff  }
0x108: {  	v53 =	vor.u32 v7, v28;
	v45 =	vld.idx.msk [tilespmem:v50+s13+$0x0], $0xffff;
	[tilespmem:v42+s13+$0x0] =	vst.idx.msk $0xffff, v34;
	v61 =	vmul.f32 v62, v18  }
0x109: {  	v35 =	vor.u32 v6, v26;
	[tilespmem:v36+s13+$0x0] =	vst.idx.msk $0xffff, v60;
	v42 =	vld.idx.msk [tilespmem:v48+s13+$0x0], $0xffff;
	v62 =	vmul.f32 v56, v13  }
0x10a: {  	v36 =	vor.u32 v8, v32;
	v54 =	vld.idx.msk [tilespmem:v49+s13+$0x0], $0xffff;
	v55 =	vmul.f32 v58, v11;
	[tilespmem:v43+s13+$0x0] =	vst.idx.msk $0xffff, v61  }
0x10b: {  	v39 =	vor.u32 v6, v25;
	v38 =	vmul.f32 v38, v22;
	[tilespmem:v40+s13+$0x0] =	vst.idx.msk $0xffff, v62;
	v56 =	vld.idx.msk [tilespmem:v33+s13+$0x0], $0xffff  }
0x10c: {  	v37 =	vmul.f32 v37, v14;
	[tilespmem:v52+s13+$0x0] =	vst.idx.msk $0xffff, v55;
	v57 =	vld.idx.msk [tilespmem:v46+s13+$0x0], $0xffff  }
0x10d: {  	v34 =	vor.u32 v8, v29;
	[tilespmem:v47+s13+$0x0] =	vst.idx.msk $0xffff, v38;
	v58 =	vmul.f32 v45, v21;
	v29 =	vld.idx.msk [tilespmem:v53+s13+$0x0], $0xffff  }
0x10e: {  	v38 =	vor.u32 v8, v31;
	v31 =	vld.idx.msk [tilespmem:v35+s13+$0x0], $0xffff;
	[tilespmem:v41+s13+$0x0] =	vst.idx.msk $0xffff, v37  }
0x10f: {  	v59 =	vmul.f32 v42, v23;
	v61 =	vld.idx.msk [tilespmem:v36+s13+$0x0], $0xffff;
	[tilespmem:v50+s13+$0x0] =	vst.idx.msk $0xffff, v58  }
0x110: {  	v37 =	vor.u32 v8, v30;
	v60 =	vmul.f32 v54, v15;
	v50 =	vld.idx.msk [tilespmem:v39+s13+$0x0], $0xffff  }
0x111: {  	[tilespmem:v48+s13+$0x0] =	vst.idx.msk $0xffff, v59;
	v62 =	vmul.f32 v56, v18  }
0x112: {  	[tilespmem:v49+s13+$0x0] =	vst.idx.msk $0xffff, v60;
	v30 =	vld.idx.msk [tilespmem:v34+s13+$0x0], $0xffff;
	v32 =	vmul.f32 v57, v13  }
0x113: {  	v44 =	vor.u32 v7, v25;
	v45 =	vld.idx.msk [tilespmem:v38+s13+$0x0], $0xffff;
	v29 =	vmul.f32 v29, v11;
	[tilespmem:v33+s13+$0x0] =	vst.idx.msk $0xffff, v62  }
0x114: {  	v42 =	vor.u32 v8, v28;
	v47 =	vmul.f32 v31, v22;
	[tilespmem:v46+s13+$0x0] =	vst.idx.msk $0xffff, v32;
	v33 =	vld.idx.msk [tilespmem:v27+s14+$0x0], $0xffff  }
0x115: {  	s26 =	simm.s32 $0x8;
	[tilespmem:v53+s13+$0x0] =	vst.idx.msk $0xffff, v29;
	v46 =	vld.idx.msk [tilespmem:v37+s13+$0x0], $0xffff;
	v27 =	vmul.f32 v61, v14;
	v28 =	vmul.f32 v50, v21  }
.LBB2_5:
0x116: {  	_ =	sdelay $0x2  }
0x117: {  	v31 =	vld.idx.msk [tilespmem:v42+s13+$0x0], $0xffff  }
0x118: {  	[tilespmem:$0x1FF90] =	vst v4;
	v40 =	vmov s26;
	s4 =	sadd.s32 $0x6, s26;
	v3 =	vld [tilespmem:$0x1FFD0]  }
0x119: {  	v4 =	vmov v26;
	v26 =	vld [tilespmem:$0x1FFF0];
	[tilespmem:v39+s13+$0x0] =	vst.idx.msk $0xffff, v28;
	v41 =	vmov s4  }
0x11a: {  	[tilespmem:v36+s13+$0x0] =	vst.idx.msk $0xffff, v27;
	v50 =	vld.idx.msk [tilespmem:v44+s13+$0x0], $0xffff  }
0x11b: {  	s11 =	sadd.s32 $0x7, s26;
	v12 =	vlaneseq.u32;
	v52 =	vld.idx.msk [tilespmem:v2+s14+$0x0], $0xffff  }
0x11c: {  	s30 =	smov.u32 s26;
	v49 =	vmov s11;
	v27 =	vshll.u32 v41, $0x7;
	v28 =	vmul.f32 v30, v23;
	[tilespmem:v33+s10+$0x0] =	vst.idx.add.f32.msk $0x1, v18  }
0x11d: {  	s29 =	sadd.s32 $0x1, s26;
	s2 =	sadd.s32 $0x4, s30;
	v57 =	vor.u32 v12, v27;
	v18 =	vmul.f32 v45, v15;
	v39 =	vld.idx.msk [tilespmem:v40+s20+$0x0], $0xffff  }
0x11e: {  	s3 =	sadd.s32 $0x2, s30;
	v51 =	vmov s2;
	v30 =	vmov s29;
	[tilespmem:v34+s13+$0x0] =	vst.idx.msk $0xffff, v28;
	v29 =	vld.idx.msk [tilespmem:v41+s20+$0x0], $0xffff  }
0x11f: {  	s19 =	sadd.s32 $0x3, s30;
	v2 =	vmov s3;
	v24 =	vmul.f32 v46, v13;
	v58 =	vmul.f32 v31, v11;
	[tilespmem:v38+s13+$0x0] =	vst.idx.msk $0xffff, v18;
	v53 =	vld.idx.msk [tilespmem:v16+s14+$0x0], $0xffff  }
0x120: {  	v33 =	vshll.u32 v49, $0x7;
	v28 =	vmov s19;
	v56 =	vld.idx.msk [tilespmem:v17+s14+$0x0], $0xffff;
	v62 =	vmul.f32 v50, v21  }
0x121: {  	v32 =	vshll.u32 v51, $0x7;
	v17 =	vmov v51;
	v50 =	vld.idx.msk [tilespmem:v49+s20+$0x0], $0xffff;
	v51 =	vor.u32 v12, v33;
	[tilespmem:v42+s13+$0x0] =	vst.idx.msk $0xffff, v58  }
0x122: {  	[tilespmem:v35+s13+$0x0] =	vst.idx.msk $0xffff, v47;
	v36 =	vshll.u32 v28, $0x7;
	v59 =	vld.idx.msk [tilespmem:v57+s13+$0x0], $0xffff  }
0x123: {  	s30 =	sadd.s32 $0x5, s30;
	[tilespmem:v37+s13+$0x0] =	vst.idx.msk $0xffff, v24;
	v37 =	vshll.u32 v2, $0x7;
	v54 =	vor.u32 v12, v36;
	v31 =	vld.idx.msk [tilespmem:v30+s20+$0x0], $0xffff  }
0x124: {  	v48 =	vshll.u32 v40, $0x7;
	v16 =	vmov s30;
	v42 =	vor.u32 v12, v37;
	[tilespmem:v44+s13+$0x0] =	vst.idx.msk $0xffff, v62;
	v62 =	vld.idx.msk [tilespmem:v2+s20+$0x0], $0xffff  }
0x125: {  	v43 =	vor.u32 v12, v48;
	v35 =	vshll.u32 v30, $0x7;
	v34 =	vshll.u32 v16, $0x7;
	v18 =	vld.idx.msk [tilespmem:v28+s20+$0x0], $0xffff  }
0x126: {  	v60 =	vor.u32 v12, v32;
	v55 =	vor.u32 v12, v34;
	v12 =	vor.u32 v12, v35;
	v61 =	vld.idx.msk [tilespmem:v51+s13+$0x0], $0xffff  }
0x127: {  	v9 =	vld.idx.msk [tilespmem:v17+s20+$0x0], $0xffff  }
0x128: {  	v44 =	vld.idx.msk [tilespmem:v54+s13+$0x0], $0xffff  }
0x129: {  	v0 =	vld.idx.msk [tilespmem:v42+s13+$0x0], $0xffff  }
0x12a: {  	v59 =	vmul.f32 v59, v29;
	[tilespmem:v52+s10+$0x0] =	vst.idx.add.f32.msk $0x1, v14  }
0x12b: {  	v52 =	vld.idx.msk [tilespmem:v12+s13+$0x0], $0xffff  }
0x12c: {  	v58 =	vor.u32 v26, v36;
	[tilespmem:v57+s13+$0x0] =	vst.idx.msk $0xffff, v59;
	v57 =	vld [tilespmem:$0x1FFA0]  }
0x12d: {  	v1 =	vor.u32 v26, v27;
	[tilespmem:v53+s10+$0x0] =	vst.idx.add.f32.msk $0x1, v23;
	v23 =	vmul.f32 v44, v18  }
0x12e: {  	v53 =	vld.idx.msk [tilespmem:v55+s13+$0x0], $0xffff  }
0x12f: {  	[tilespmem:v54+s13+$0x0] =	vst.idx.msk $0xffff, v23;
	v23 =	vld.idx.msk [tilespmem:v16+s20+$0x0], $0xffff  }
0x130: {  	v54 =	vld.idx.msk [tilespmem:v60+s13+$0x0], $0xffff  }
0x131: {  	v47 =	vor.u32 v3, v36;
	v59 =	vmov v49;
	v19 =	vld.idx.msk [tilespmem:v58+s13+$0x0], $0xffff  }
0x132: {  	v24 =	vmov v22;
	v20 =	vor.u32 v26, v37;
	v49 =	vld.idx.msk [tilespmem:v1+s13+$0x0], $0xffff;
	[tilespmem:$0x1FFA0] =	vst v59;
	v0 =	vmul.f32 v0, v62  }
0x133: {  	v22 =	vmov v63;
	v63 =	vor.u32 v26, v34;
	v61 =	vmul.f32 v61, v50;
	[tilespmem:v56+s10+$0x0] =	vst.idx.add.f32.msk $0x1, v15  }
0x134: {  	v15 =	vmov v9;
	[tilespmem:v42+s13+$0x0] =	vst.idx.msk $0xffff, v0;
	v57 =	vld.idx.msk [tilespmem:v57+s14+$0x0], $0xffff;
	v9 =	vmul.f32 v53, v23  }
0x135: {  	v14 =	vmov v62;
	v59 =	vor.u32 v26, v32;
	v62 =	vld [tilespmem:$0x1FFE0];
	[tilespmem:v51+s13+$0x0] =	vst.idx.msk $0xffff, v61;
	v0 =	vmul.f32 v54, v15  }
0x136: {  	v10 =	vor.u32 v26, v33;
	v61 =	vld.idx.msk [tilespmem:v43+s13+$0x0], $0xffff;
	v19 =	vmul.f32 v19, v18;
	[tilespmem:v55+s13+$0x0] =	vst.idx.msk $0xffff, v9  }
0x137: {  	v45 =	vor.u32 v26, v48;
	v44 =	vor.u32 v3, v48;
	v54 =	vld.idx.msk [tilespmem:v20+s13+$0x0], $0xffff;
	[tilespmem:v60+s13+$0x0] =	vst.idx.msk $0xffff, v0  }
0x138: {  	v52 =	vmul.f32 v52, v31;
	v55 =	vor.u32 v8, v25;
	v0 =	vld.idx.msk [tilespmem:v63+s13+$0x0], $0xffff;
	[tilespmem:v58+s13+$0x0] =	vst.idx.msk $0xffff, v19  }
0x139: {  	v25 =	vmov v48;
	v48 =	vmul.f32 v49, v29;
	v49 =	vor.u32 v26, v35;
	v56 =	vld.idx.msk [tilespmem:v47+s13+$0x0], $0xffff  }
0x13a: {  	v51 =	vor.u32 v3, v37;
	v19 =	vld.idx.msk [tilespmem:v59+s13+$0x0], $0xffff  }
0x13b: {  	[tilespmem:v12+s13+$0x0] =	vst.idx.msk $0xffff, v52;
	v58 =	vld.idx.msk [tilespmem:v10+s13+$0x0], $0xffff  }
0x13c: {  	v46 =	vor.u32 v3, v34;
	[tilespmem:v57+s10+$0x0] =	vst.idx.add.f32.msk $0x1, v13;
	v13 =	vmov v50;
	v50 =	vmul.f32 v54, v14  }
0x13d: {  	v53 =	vor.u32 v3, v27;
	v54 =	vor.u32 v3, v32;
	v57 =	vld.idx.msk [tilespmem:v55+s13+$0x0], $0xffff;
	v0 =	vmul.f32 v0, v23  }
0x13e: {  	v9 =	vor.u32 v3, v33;
	v52 =	vld.idx.msk [tilespmem:v49+s13+$0x0], $0xffff;
	[tilespmem:v20+s13+$0x0] =	vst.idx.msk $0xffff, v50;
	v56 =	vmul.f32 v56, v18  }
0x13f: {  	v60 =	vor.u32 v62, v36;
	v19 =	vmul.f32 v19, v15;
	v50 =	vld.idx.msk [tilespmem:v51+s13+$0x0], $0xffff;
	[tilespmem:v63+s13+$0x0] =	vst.idx.msk $0xffff, v0  }
0x140: {  	v58 =	vmul.f32 v58, v13;
	[tilespmem:v47+s13+$0x0] =	vst.idx.msk $0xffff, v56;
	v56 =	vor.u32 v3, v35;
	v3 =	vld [tilespmem:$0x1FFB0]  }
0x141: {  	[tilespmem:v59+s13+$0x0] =	vst.idx.msk $0xffff, v19;
	v19 =	vld.idx.msk [tilespmem:v46+s13+$0x0], $0xffff  }
0x142: {  	[tilespmem:v10+s13+$0x0] =	vst.idx.msk $0xffff, v58;
	v58 =	vor.u32 v62, v37;
	v47 =	vld.idx.msk [tilespmem:v54+s13+$0x0], $0xffff;
	v10 =	vmul.f32 v57, v21  }
0x143: {  	[tilespmem:v1+s13+$0x0] =	vst.idx.msk $0xffff, v48;
	v1 =	vld.idx.msk [tilespmem:v9+s13+$0x0], $0xffff  }
0x144: {  	v12 =	vor.u32 v62, v34;
	v59 =	vld.idx.msk [tilespmem:v60+s13+$0x0], $0xffff;
	[tilespmem:v55+s13+$0x0] =	vst.idx.msk $0xffff, v10;
	v10 =	vmul.f32 v50, v14  }
0x145: {  	v20 =	vor.u32 v62, v27;
	v57 =	vmul.f32 v61, v39;
	v48 =	vmul.f32 v52, v31;
	v61 =	vld.idx.msk [tilespmem:v53+s13+$0x0], $0xffff  }
0x146: {  	v0 =	vor.u32 v62, v33;
	v50 =	vor.u32 v62, v32;
	v55 =	vld.idx.msk [tilespmem:v22+s14+$0x0], $0xffff;
	[tilespmem:v51+s13+$0x0] =	vst.idx.msk $0xffff, v10  }
0x147: {  	[tilespmem:v49+s13+$0x0] =	vst.idx.msk $0xffff, v48;
	v19 =	vmul.f32 v19, v23;
	v10 =	vmul.f32 v47, v15;
	v47 =	vld.idx.msk [tilespmem:v58+s13+$0x0], $0xffff  }
0x148: {  	v63 =	vmov v40;
	v52 =	vor.u32 v5, v36;
	[tilespmem:v43+s13+$0x0] =	vst.idx.msk $0xffff, v57;
	v40 =	vld.idx.msk [tilespmem:v3+s14+$0x0], $0xffff  }
0x149: {  	v1 =	vmul.f32 v1, v13;
	[tilespmem:v46+s13+$0x0] =	vst.idx.msk $0xffff, v19;
	v3 =	vmov v41;
	v41 =	vld.idx.msk [tilespmem:v45+s13+$0x0], $0xffff  }
0x14a: {  	v59 =	vmul.f32 v59, v18;
	[tilespmem:v54+s13+$0x0] =	vst.idx.msk $0xffff, v10;
	v10 =	vld.idx.msk [tilespmem:v12+s13+$0x0], $0xffff  }
0x14b: {  	v61 =	vmul.f32 v61, v29;
	[tilespmem:v9+s13+$0x0] =	vst.idx.msk $0xffff, v1;
	v46 =	vld.idx.msk [tilespmem:v50+s13+$0x0], $0xffff  }
0x14c: {  	[tilespmem:v60+s13+$0x0] =	vst.idx.msk $0xffff, v59;
	v9 =	vld.idx.msk [tilespmem:v0+s13+$0x0], $0xffff  }
0x14d: {  	v38 =	vor.u32 v5, v34;
	v1 =	vor.u32 v5, v37;
	[tilespmem:v53+s13+$0x0] =	vst.idx.msk $0xffff, v61;
	v60 =	vld.idx.msk [tilespmem:v52+s13+$0x0], $0xffff  }
0x14e: {  	v42 =	vor.u32 v62, v25;
	[tilespmem:$0x1FFB0] =	vst v3;
	v61 =	vld.idx.msk [tilespmem:v20+s13+$0x0], $0xffff;
	v47 =	vmul.f32 v47, v14  }
0x14f: {  	v49 =	vor.u32 v5, v32;
	[tilespmem:v55+s10+$0x0] =	vst.idx.add.f32.msk $0x1, v21;
	v41 =	vmul.f32 v41, v39  }
0x150: {  	v54 =	vor.u32 v62, v35;
	v62 =	vld.idx.msk [tilespmem:v56+s13+$0x0], $0xffff;
	v10 =	vmul.f32 v10, v23;
	[tilespmem:v58+s13+$0x0] =	vst.idx.msk $0xffff, v47  }
0x151: {  	v19 =	vor.u32 v5, v33;
	v3 =	vld [tilespmem:$0x1FF90];
	v46 =	vmul.f32 v46, v15;
	[tilespmem:v45+s13+$0x0] =	vst.idx.msk $0xffff, v41  }
0x152: {  	v43 =	vor.u32 v5, v27;
	v9 =	vmul.f32 v9, v13;
	v47 =	vld.idx.msk [tilespmem:v1+s13+$0x0], $0xffff;
	[tilespmem:v12+s13+$0x0] =	vst.idx.msk $0xffff, v10  }
0x153: {  	v55 =	vmul.f32 v60, v18;
	v41 =	vor.u32 v6, v36;
	[tilespmem:v50+s13+$0x0] =	vst.idx.msk $0xffff, v46;
	v45 =	vld.idx.msk [tilespmem:v44+s13+$0x0], $0xffff  }
0x154: {  	v48 =	vmul.f32 v61, v29;
	v12 =	vor.u32 v7, v4;
	[tilespmem:v0+s13+$0x0] =	vst.idx.msk $0xffff, v9;
	v10 =	vld.idx.msk [tilespmem:v38+s13+$0x0], $0xffff  }
0x155: {  	v0 =	vmul.f32 v62, v31;
	[tilespmem:v52+s13+$0x0] =	vst.idx.msk $0xffff, v55;
	v46 =	vld.idx.msk [tilespmem:v49+s13+$0x0], $0xffff  }
0x156: {  	v9 =	vor.u32 v6, v37;
	[tilespmem:v20+s13+$0x0] =	vst.idx.msk $0xffff, v48;
	v20 =	vld.idx.msk [tilespmem:v19+s13+$0x0], $0xffff  }
0x157: {  	v21 =	vmov v39;
	v48 =	vld.idx.msk [tilespmem:v43+s13+$0x0], $0xffff;
	[tilespmem:v56+s13+$0x0] =	vst.idx.msk $0xffff, v0;
	v0 =	vmul.f32 v47, v14  }
0x158: {  	v47 =	vor.u32 v6, v32;
	v57 =	vld.idx.msk [tilespmem:v41+s13+$0x0], $0xffff;
	v58 =	vmul.f32 v45, v21  }
0x159: {  	v59 =	vld.idx.msk [tilespmem:v12+s13+$0x0], $0xffff;
	v45 =	vor.u32 v6, v34;
	v10 =	vmul.f32 v10, v23;
	[tilespmem:v1+s13+$0x0] =	vst.idx.msk $0xffff, v0  }
0x15a: {  	v60 =	vld.idx.msk [tilespmem:v54+s13+$0x0], $0xffff;
	v0 =	vmul.f32 v46, v15;
	v1 =	vor.u32 v6, v33;
	[tilespmem:v44+s13+$0x0] =	vst.idx.msk $0xffff, v58  }
0x15b: {  	v20 =	vmul.f32 v20, v13;
	v62 =	vld.idx.msk [tilespmem:v9+s13+$0x0], $0xffff;
	v44 =	vor.u32 v7, v36;
	[tilespmem:v38+s13+$0x0] =	vst.idx.msk $0xffff, v10  }
0x15c: {  	v56 =	vmul.f32 v48, v29;
	v10 =	vor.u32 v6, v27;
	[tilespmem:v49+s13+$0x0] =	vst.idx.msk $0xffff, v0;
	v61 =	vld.idx.msk [tilespmem:v42+s13+$0x0], $0xffff  }
0x15d: {  	v38 =	vor.u32 v8, v4;
	[tilespmem:v19+s13+$0x0] =	vst.idx.msk $0xffff, v20;
	v26 =	vld.idx.msk [tilespmem:v47+s13+$0x0], $0xffff;
	v50 =	vmul.f32 v57, v18  }
0x15e: {  	v49 =	vor.u32 v5, v35;
	[tilespmem:v43+s13+$0x0] =	vst.idx.msk $0xffff, v56;
	v19 =	vmul.f32 v59, v24;
	v0 =	vld.idx.msk [tilespmem:v45+s13+$0x0], $0xffff  }
0x15f: {  	v51 =	vor.u32 v7, v37;
	v20 =	vmul.f32 v60, v31;
	v57 =	vld.idx.msk [tilespmem:v1+s13+$0x0], $0xffff;
	[tilespmem:v41+s13+$0x0] =	vst.idx.msk $0xffff, v50  }
0x160: {  	v48 =	vor.u32 v5, v25;
	[tilespmem:v12+s13+$0x0] =	vst.idx.msk $0xffff, v19;
	v12 =	vmul.f32 v62, v14;
	v50 =	vld.idx.msk [tilespmem:v44+s13+$0x0], $0xffff  }
0x161: {  	v19 =	vor.u32 v7, v32;
	v59 =	vld.idx.msk [tilespmem:v10+s13+$0x0], $0xffff;
	[tilespmem:v54+s13+$0x0] =	vst.idx.msk $0xffff, v20;
	v58 =	vmul.f32 v61, v21  }
0x162: {  	v43 =	vor.u32 v7, v34;
	v20 =	vld.idx.msk [tilespmem:v38+s13+$0x0], $0xffff;
	[tilespmem:v9+s13+$0x0] =	vst.idx.msk $0xffff, v12;
	v9 =	vmul.f32 v26, v15  }
0x163: {  	v60 =	vld.idx.msk [tilespmem:v49+s13+$0x0], $0xffff;
	v12 =	vor.u32 v7, v33;
	[tilespmem:v42+s13+$0x0] =	vst.idx.msk $0xffff, v58;
	v0 =	vmul.f32 v0, v23  }
0x164: {  	v62 =	vld.idx.msk [tilespmem:v51+s13+$0x0], $0xffff;
	v42 =	vor.u32 v8, v36;
	[tilespmem:v47+s13+$0x0] =	vst.idx.msk $0xffff, v9;
	v54 =	vmul.f32 v57, v13  }
0x165: {  	v61 =	vld.idx.msk [tilespmem:v48+s13+$0x0], $0xffff;
	v50 =	vmul.f32 v50, v18;
	[tilespmem:v45+s13+$0x0] =	vst.idx.msk $0xffff, v0;
	v0 =	vor.u32 v7, v27  }
0x166: {  	v26 =	vmov v35;
	v55 =	vld.idx.msk [tilespmem:v19+s13+$0x0], $0xffff;
	v56 =	vmul.f32 v59, v29;
	[tilespmem:v1+s13+$0x0] =	vst.idx.msk $0xffff, v54  }
0x167: {  	v35 =	vor.u32 v6, v26;
	v9 =	vld.idx.msk [tilespmem:v43+s13+$0x0], $0xffff;
	v1 =	vmul.f32 v20, v24;
	[tilespmem:v44+s13+$0x0] =	vst.idx.msk $0xffff, v50  }
0x168: {  	v36 =	vor.u32 v8, v37;
	v20 =	vmul.f32 v60, v31;
	[tilespmem:v10+s13+$0x0] =	vst.idx.msk $0xffff, v56;
	v10 =	vld.idx.msk [tilespmem:v12+s13+$0x0], $0xffff  }
0x169: {  	v39 =	vor.u32 v6, v25;
	v57 =	vld.idx.msk [tilespmem:v42+s13+$0x0], $0xffff;
	[tilespmem:v38+s13+$0x0] =	vst.idx.msk $0xffff, v1  }
0x16a: {  	v1 =	vmul.f32 v62, v14;
	v38 =	vor.u32 v8, v32;
	[tilespmem:v49+s13+$0x0] =	vst.idx.msk $0xffff, v20;
	v59 =	vld.idx.msk [tilespmem:v0+s13+$0x0], $0xffff  }
0x16b: {  	v34 =	vor.u32 v8, v34;
	v58 =	vmul.f32 v61, v21;
	v20 =	vld.idx.msk [tilespmem:v3+s14+$0x0], $0xffff  }
0x16c: {  	v37 =	vor.u32 v8, v33;
	v60 =	vld.idx.msk [tilespmem:v35+s13+$0x0], $0xffff;
	[tilespmem:v51+s13+$0x0] =	vst.idx.msk $0xffff, v1;
	v1 =	vmul.f32 v55, v15  }
0x16d: {  	[tilespmem:v48+s13+$0x0] =	vst.idx.msk $0xffff, v58;
	v9 =	vmul.f32 v9, v23;
	v61 =	vld.idx.msk [tilespmem:v36+s13+$0x0], $0xffff  }
0x16e: {  	v48 =	vld.idx.msk [tilespmem:v39+s13+$0x0], $0xffff;
	[tilespmem:v19+s13+$0x0] =	vst.idx.msk $0xffff, v1;
	v1 =	vmul.f32 v10, v13  }
0x16f: {  	p0 =	slt.u32 s26, $0x28;
	v62 =	vmul.f32 v57, v18;
	[tilespmem:v43+s13+$0x0] =	vst.idx.msk $0xffff, v9;
	v45 =	vld.idx.msk [tilespmem:v38+s13+$0x0], $0xffff  }
.Ltmp3:
0x170: {  	v4 =	vmov v30;
	v30 =	vld.idx.msk [tilespmem:v34+s13+$0x0], $0xffff;
	[tilespmem:v12+s13+$0x0] =	vst.idx.msk $0xffff, v1;
	v9 =	vmul.f32 v59, v29;
	(pc) =	sbr.rel @p0 .LBB2_5-.Ltmp3, $4  }
0x171: {  	[tilespmem:v42+s13+$0x0] =	vst.idx.msk $0xffff, v62;
	v46 =	vld.idx.msk [tilespmem:v37+s13+$0x0], $0xffff  }
0x172: {  	v44 =	vor.u32 v7, v25;
	v33 =	vld.idx.msk [tilespmem:v28+s14+$0x0], $0xffff;
	[tilespmem:v0+s13+$0x0] =	vst.idx.msk $0xffff, v9  }
0x173: {  	s1 =	sadd.s32 $0x8, s26;
	v22 =	vmov v31;
	v42 =	vor.u32 v8, v27;
	v47 =	vmul.f32 v60, v31;
	[tilespmem:v40+s10+$0x0] =	vst.idx.add.f32.msk $0x1, v11  }
0x174: {  	s26 =	smov.u32 s1;
	v27 =	vmul.f32 v61, v14;
	v28 =	vmul.f32 v48, v21;
	v11 =	vmov v29;
	[tilespmem:v20+s10+$0x0] =	vst.idx.add.f32.msk $0x1, v24  }
0x175: {  	_ =	sdelay $0x2  }
0x176: {  	v0 =	vor.u32 v7, v26  }
0x177: {  	[tilespmem:v39+s13+$0x0] =	vst.idx.msk $0xffff, v28  }
0x178: {  	v1 =	vld.idx.msk [tilespmem:v44+s13+$0x0], $0xffff;
	_ =	sdelay $0x1  }
0x179: {  	[tilespmem:v35+s13+$0x0] =	vst.idx.msk $0xffff, v47  }
0x17a: {  	v10 =	vor.u32 v8, v25;
	v9 =	vld.idx.msk [tilespmem:v0+s13+$0x0], $0xffff;
	_ =	sdelay $0x1  }
0x17b: {  	v1 =	vmul.f32 v1, v21;
	_ =	sdelay $0x1  }
0x17c: {  	[tilespmem:v44+s13+$0x0] =	vst.idx.msk $0xffff, v1  }
0x17d: {  	v1 =	vmul.f32 v9, v22;
	v9 =	vld.idx.msk [tilespmem:v10+s13+$0x0], $0xffff  }
0x17e: {  	v12 =	vor.u32 v8, v26;
	v20 =	vld.idx.msk [tilespmem:v42+s13+$0x0], $0xffff  }
0x17f: {  	[tilespmem:v0+s13+$0x0] =	vst.idx.msk $0xffff, v1;
	v0 =	vmul.f32 v45, v15  }
0x180: {  	v19 =	vmul.f32 v30, v23;
	[tilespmem:v36+s13+$0x0] =	vst.idx.msk $0xffff, v27  }
0x181: {  	[tilespmem:v38+s13+$0x0] =	vst.idx.msk $0xffff, v0;
	v0 =	vmul.f32 v46, v13  }
0x182: {  	[tilespmem:v34+s13+$0x0] =	vst.idx.msk $0xffff, v19;
	v9 =	vmul.f32 v9, v21  }
0x183: {  	v20 =	vmul.f32 v20, v11;
	v1 =	vld.idx.msk [tilespmem:v12+s13+$0x0], $0xffff;
	[tilespmem:v37+s13+$0x0] =	vst.idx.msk $0xffff, v0  }
0x184: {  	v0 =	vld [tilespmem:$0x1FFA0];
	[tilespmem:v10+s13+$0x0] =	vst.idx.msk $0xffff, v9  }
0x185: {  	v19 =	vld.idx.msk [tilespmem:v2+s14+$0x0], $0xffff;
	[tilespmem:v42+s13+$0x0] =	vst.idx.msk $0xffff, v20  }
0x186: {  	v2 =	vld [tilespmem:$0x1FFB0];
	_ =	sdelay $0x1  }
0x187: {  	v16 =	vld.idx.msk [tilespmem:v16+s14+$0x0], $0xffff  }
0x188: {  	v1 =	vmul.f32 v1, v22  }
0x189: {  	v17 =	vld.idx.msk [tilespmem:v17+s14+$0x0], $0xffff  }
0x18a: {  	v9 =	vld.idx.msk [tilespmem:v63+s14+$0x0], $0xffff;
	[tilespmem:v12+s13+$0x0] =	vst.idx.msk $0xffff, v1  }
0x18b: {  	v1 =	vld.idx.msk [tilespmem:v4+s14+$0x0], $0xffff  }
0x18c: {  	v0 =	vld.idx.msk [tilespmem:v0+s14+$0x0], $0xffff  }
0x18d: {  	v10 =	vld.idx.msk [tilespmem:v2+s14+$0x0], $0xffff  }
0x18e: {  	[tilespmem:v33+s10+$0x0] =	vst.idx.add.f32.msk $0x1, v18  }
0x18f: {  	[tilespmem:v16+s10+$0x0] =	vst.idx.add.f32.msk $0x1, v23  }
0x190: {  	[tilespmem:v19+s10+$0x0] =	vst.idx.add.f32.msk $0x1, v14  }
0x191: {  	s4 =	smul.u32 $0x180, s0;
	[tilespmem:v17+s10+$0x0] =	vst.idx.add.f32.msk $0x1, v15  }
0x192: {  	[tilespmem:v9+s10+$0x0] =	vst.idx.add.f32.msk $0x1, v21  }
0x193: {  	s2 =	sadd.s32 $0x100, s4;
	[tilespmem:v1+s10+$0x0] =	vst.idx.add.f32.msk $0x1, v22  }
0x194: {  	s1 =	rddreg [dreg:$0x2];
	p0 =	seq.s32 s0, $0x0;
	s3 =	sand.u32 $0x1FC00, s2;
	[tilespmem:v0+s10+$0x0] =	vst.idx.add.f32.msk $0x1, v13  }
0x195: {  	s11 =	simm.s32 @!p0 $0x6;
	s2 =	sand.u32 $0x380, s2;
	s3 =	sadd.s32 s12, s3;
	[tilespmem:v10+s10+$0x0] =	vst.idx.add.f32.msk $0x1, v11  }
0x196: {  	[spmem:s1] =	stream.indirect.scatter.add.f32 [tilespmem:s13], [sflag:$0x4], $0x80, s14, s15, $0xb8;
	[tilespmem:$0x1FE80] =	vst v63  }
0x197: {  	s2 =	sor.u32 s2, s3;
	_ =	swait.ge @!p0 [sflag:s11], $0x1800  }
0x198: {  	s2 =	sshrl.u32 s2, $0x3;
	[sflag:s11] =	ssyncset.done @!p0 $0x0  }
0x199: {  	s26 =	simm.s32 $0x0;
	s19 =	sadd.s32 s5, s2;
	[sflag:s11] =	ssyncadd.s32 @!p0 $0xFFFFE800  }
0x19a: {  	[tilespmem:s21], [sflag:$0x7] =	stream.linear.gather [hbm4b:s19+s26], $0x80, $0x38;
	[tilespmem:$0x1FE80] =	vst v63  }
0x19b: {  	_ =	swait.ge [sflag:s8], $0x80  }
0x19c: {  	[sflag:s8] =	ssyncset.done $0x0  }
0x19d: {  	s2 =	sadd.s32 s6, s2;
	[sflag:s8] =	ssyncadd.s32 $0xFFFFFF80  }
0x19e: {  	[tilespmem:s22], [sflag:$0x7] =	stream.linear.gather [hbm4b:s2+s26], $0x80, $0x38;
	[tilespmem:$0x1FE80] =	vst v63  }
0x19f: {  	_ =	swait.ge [sflag:s8], $0x80  }
0x1a0: {  	[sflag:s8] =	ssyncset.done $0x0  }
0x1a1: {  	[sflag:s8] =	ssyncadd.s32 $0xFFFFFF80  }
0x1a2: {  	s29 =	rddreg [dreg:$0x1]  }
0x1a3: {  	[tilespmem:s23], [sflag:$0x3] =	stream.indirect.gather [hbm4b:s29+s15], $0x80, s21, s15, $0xb8;
	[tilespmem:$0x1FE80] =	vst v63  }
0x1a4: {  	_ =	swait.ge [sflag:s24], $0x1800  }
0x1a5: {  	v2 =	vld [tilespmem:$0x1FFF0]  }
0x1a6: {  	v19 =	vlaneseq.u32  }
0x1a7: {  	v3 =	vld [tilespmem:$0x1FFD0];
	_ =	sdelay $0x1  }
0x1a8: {  	[sflag:s24] =	ssyncset.done $0x0  }
0x1a9: {  	[sflag:s24] =	ssyncadd.s32 $0xFFFFE800  }
0x1aa: {  	v0 =	vld.idx.msk [tilespmem:v19+s16+$0x0], $0xffff  }
0x1ab: {  	v1 =	vld.idx.msk [tilespmem:v19+s17+$0x0], $0xffff  }
0x1ac: {  	v9 =	vld.idx.msk [tilespmem:v2+s16+$0x0], $0xffff  }
0x1ad: {  	v10 =	vld.idx.msk [tilespmem:v2+s17+$0x0], $0xffff  }
0x1ae: {  	v11 =	vld.idx.msk [tilespmem:v3+s16+$0x0], $0xffff  }
0x1af: {  	v12 =	vld.idx.msk [tilespmem:v3+s17+$0x0], $0xffff;
	_ =	sdelay $0x2  }
0x1b0: {  	v0 =	vld.idx.msk [tilespmem:v0+s7+$0x0], $0xffff  }
0x1b1: {  	v1 =	vld.idx.msk [tilespmem:v1+s9+$0x0], $0xffff  }
0x1b2: {  	v9 =	vld.idx.msk [tilespmem:v9+s7+$0x0], $0xffff  }
0x1b3: {  	v10 =	vld.idx.msk [tilespmem:v10+s9+$0x0], $0xffff  }
0x1b4: {  	v11 =	vld.idx.msk [tilespmem:v11+s7+$0x0], $0xffff  }
0x1b5: {  	v12 =	vld.idx.msk [tilespmem:v12+s9+$0x0], $0xffff;
	_ =	sdelay $0x3  }
0x1b6: {  	v0 =	vadd.f32 v1, v0  }
0x1b7: {  	v1 =	vadd.f32 v10, v9;
	v10 =	vadd.f32 v12, v11;
	v12 =	vld [tilespmem:$0x1FFC0];
	_ =	sdelay $0x1  }
0x1b8: {  	v9 =	vmul.f32 $2.000000030e-01, v0  }
0x1b9: {  	vm0 =	vgt.f32 v0, $0.0e+00;
	v11 =	vmul.f32 $2.000000030e-01, v1  }
0x1ba: {  	v0 =	vsel vm0, v0, v9;
	vm14 =	vgt.f32 v1, $0.0e+00;
	v9 =	vmul.f32 $2.000000030e-01, v10  }
0x1bb: {  	vm15 =	vgt.f32 v10, $0.0e+00;
	v1 =	vsel vm14, v1, v11;
	v0 =	vsub.f32 v0, v12  }
0x1bc: {  	v9 =	vsel vm15, v10, v9;
	v1 =	vsub.f32 v1, v12  }
0x1bd: {  	v9 =	vsub.f32 v9, v12;
	v0 =	vmul.f32 $1.442695020e+00, v0  }
0x1be: {  	v1 =	vmul.f32 $1.442695020e+00, v1  }
0x1bf: {  	(erf) = vpow2.f32 v0;
	v0 =	vmul.f32 $1.442695020e+00, v9  }
0x1c0: {  	(erf) = vpow2.f32 v1  }
0x1c1: {  	(erf) = vpow2.f32 v0;
	_ =	sdelay $0x4  }
0x1c2: {  	s30 =	simm.s32 $0x6  }
0x1c3: {  	v62 =	vmov s30;
	s1 =	simm.s32 $0x3  }
0x1c4: {  	s3 =	simm.s32 $0x5;
	v27 =	vmov s1;
	s11 =	simm.s32 $0x7;
	v0 =	vpop (erf)  }
0x1c5: {  	v16 =	vmov s3;
	v33 =	vshll.u32 v27, $0x7;
	v10 =	vmov s11;
	v1 =	vpop (erf);
	[tilespmem:v19+s20+$0x0] =	vst.idx.msk $0xffff, v0  }
0x1c6: {  	v29 =	vshll.u32 v16, $0x7;
	v0 =	vor.u32 v19, v33;
	[tilespmem:v2+s20+$0x0] =	vst.idx.msk $0xffff, v1;
	v1 =	vpop (erf)  }
0x1c7: {  	s19 =	simm.s32 $0x2;
	[tilespmem:v3+s20+$0x0] =	vst.idx.msk $0xffff, v1;
	v1 =	vor.u32 v19, v29  }
0x1c8: {  	s29 =	simm.s32 $0x4;
	v12 =	vmov v2;
	v2 =	vmov s19;
	v11 =	vld.idx.msk [tilespmem:v62+s20+$0x0], $0xffff  }
0x1c9: {  	v17 =	vmov s29;
	v32 =	vshll.u32 v2, $0x7;
	v18 =	vld.idx.msk [tilespmem:v27+s20+$0x0], $0xffff  }
0x1ca: {  	v58 =	vor.u32 v19, v32;
	v13 =	vld.idx.msk [tilespmem:v10+s20+$0x0], $0xffff  }
0x1cb: {  	v30 =	vshll.u32 v10, $0x7;
	v9 =	vld.idx.msk [tilespmem:v0+s18+$0x0], $0xffff  }
0x1cc: {  	v28 =	vshll.u32 v62, $0x7;
	v50 =	vor.u32 v19, v30;
	v22 =	vld.idx.msk [tilespmem:v1+s18+$0x0], $0xffff;
	[tilespmem:$0x1FF80] =	vst v10  }
0x1cd: {  	v59 =	vor.u32 v19, v28;
	v31 =	vshll.u32 v17, $0x7;
	v14 =	vld.idx.msk [tilespmem:v2+s20+$0x0], $0xffff  }
0x1ce: {  	v48 =	vor.u32 v19, v31;
	v15 =	vld.idx.msk [tilespmem:v17+s20+$0x0], $0xffff  }
0x1cf: {  	v49 =	vor.u32 v12, v33;
	v21 =	vld.idx.msk [tilespmem:v58+s18+$0x0], $0xffff  }
0x1d0: {  	v23 =	vld.idx.msk [tilespmem:v16+s20+$0x0], $0xffff  }
0x1d1: {  	s30 =	simm.s32 $0x1;
	v40 =	vld.idx.msk [tilespmem:v50+s18+$0x0], $0xffff;
	v9 =	vmul.f32 v9, v18  }
0x1d2: {  	v52 =	vmov s30;
	v53 =	vld.idx.msk [tilespmem:v59+s18+$0x0], $0xffff  }
0x1d3: {  	v61 =	vor.u32 v12, v32;
	[tilespmem:v0+s18+$0x0] =	vst.idx.msk $0xffff, v9;
	v0 =	vld.idx.msk [tilespmem:v48+s18+$0x0], $0xffff  }
0x1d4: {  	v57 =	vor.u32 v12, v30;
	v9 =	vld.idx.msk [tilespmem:v49+s18+$0x0], $0xffff;
	v43 =	vmul.f32 v21, v14  }
0x1d5: {  	v41 =	vor.u32 v12, v29;
	v56 =	vmul.f32 v22, v23  }
0x1d6: {  	v54 =	vor.u32 v12, v31;
	v40 =	vmul.f32 v40, v13;
	[tilespmem:v58+s18+$0x0] =	vst.idx.msk $0xffff, v43  }
0x1d7: {  	v22 =	vld.idx.msk [tilespmem:v52+s20+$0x0], $0xffff;
	v42 =	vmul.f32 v53, v11;
	v58 =	vor.u32 v12, v28;
	[tilespmem:v1+s18+$0x0] =	vst.idx.msk $0xffff, v56  }
0x1d8: {  	v26 =	vshll.u32 v52, $0x7;
	[tilespmem:v50+s18+$0x0] =	vst.idx.msk $0xffff, v40;
	v43 =	vld.idx.msk [tilespmem:v61+s18+$0x0], $0xffff;
	v0 =	vmul.f32 v0, v15  }
0x1d9: {  	v63 =	vmov s26;
	v55 =	vor.u32 v3, v33;
	[tilespmem:v59+s18+$0x0] =	vst.idx.msk $0xffff, v42;
	v59 =	vld.idx.msk [tilespmem:v57+s18+$0x0], $0xffff;
	v9 =	vmul.f32 v9, v18  }
0x1da: {  	v25 =	vshll.u32 v63, $0x7;
	v1 =	vor.u32 v19, v26;
	[tilespmem:v48+s18+$0x0] =	vst.idx.msk $0xffff, v0;
	v0 =	vld.idx.msk [tilespmem:v41+s18+$0x0], $0xffff  }
0x1db: {  	v35 =	vor.u32 v19, v25;
	[tilespmem:v49+s18+$0x0] =	vst.idx.msk $0xffff, v9;
	v9 =	vld.idx.msk [tilespmem:v54+s18+$0x0], $0xffff  }
0x1dc: {  	v42 =	vld.idx.msk [tilespmem:v58+s18+$0x0], $0xffff  }
0x1dd: {  	v37 =	vor.u32 v3, v32;
	v4 =	vld [tilespmem:$0x1FFE0]  }
0x1de: {  	v40 =	vor.u32 v3, v29;
	v36 =	vld.idx.msk [tilespmem:v55+s18+$0x0], $0xffff;
	v43 =	vmul.f32 v43, v14  }
0x1df: {  	v60 =	vor.u32 v3, v31;
	v48 =	vld.idx.msk [tilespmem:v1+s18+$0x0], $0xffff;
	v38 =	vmul.f32 v59, v13  }
0x1e0: {  	v51 =	vld.idx.msk [tilespmem:v35+s18+$0x0], $0xffff;
	v50 =	vor.u32 v3, v30;
	[tilespmem:v61+s18+$0x0] =	vst.idx.msk $0xffff, v43;
	v0 =	vmul.f32 v0, v23  }
0x1e1: {  	v39 =	vor.u32 v3, v28;
	v21 =	vld.idx.msk [tilespmem:v63+s20+$0x0], $0xffff;
	[tilespmem:v57+s18+$0x0] =	vst.idx.msk $0xffff, v38;
	v9 =	vmul.f32 v9, v15  }
0x1e2: {  	v43 =	vld.idx.msk [tilespmem:v37+s18+$0x0], $0xffff;
	v42 =	vmul.f32 v42, v11;
	v49 =	vor.u32 v4, v33;
	[tilespmem:v41+s18+$0x0] =	vst.idx.msk $0xffff, v0  }
0x1e3: {  	v36 =	vmul.f32 v36, v18;
	v0 =	vor.u32 v12, v26;
	[tilespmem:v54+s18+$0x0] =	vst.idx.msk $0xffff, v9;
	v9 =	vld.idx.msk [tilespmem:v40+s18+$0x0], $0xffff  }
0x1e4: {  	v53 =	vmul.f32 v48, v22;
	[tilespmem:v58+s18+$0x0] =	vst.idx.msk $0xffff, v42;
	v61 =	vld.idx.msk [tilespmem:v60+s18+$0x0], $0xffff  }
0x1e5: {  	v41 =	vor.u32 v12, v25;
	[tilespmem:v55+s18+$0x0] =	vst.idx.msk $0xffff, v36;
	v55 =	vld.idx.msk [tilespmem:v50+s18+$0x0], $0xffff  }
0x1e6: {  	v38 =	vor.u32 v4, v32;
	v54 =	vmul.f32 v51, v21;
	[tilespmem:v1+s18+$0x0] =	vst.idx.msk $0xffff, v53;
	v1 =	vld.idx.msk [tilespmem:v39+s18+$0x0], $0xffff  }
0x1e7: {  	v47 =	vor.u32 v4, v29;
	v56 =	vmul.f32 v43, v14;
	v45 =	vld.idx.msk [tilespmem:v49+s18+$0x0], $0xffff  }
0x1e8: {  	v57 =	vor.u32 v4, v31;
	[tilespmem:v35+s18+$0x0] =	vst.idx.msk $0xffff, v54;
	v44 =	vld.idx.msk [tilespmem:v0+s18+$0x0], $0xffff;
	v9 =	vmul.f32 v9, v23  }
0x1e9: {  	v35 =	vor.u32 v4, v30;
	[tilespmem:v37+s18+$0x0] =	vst.idx.msk $0xffff, v56;
	v36 =	vmul.f32 v61, v15  }
0x1ea: {  	v48 =	vld.idx.msk [tilespmem:v41+s18+$0x0], $0xffff;
	v37 =	vor.u32 v4, v28;
	v34 =	vmul.f32 v55, v13;
	[tilespmem:v40+s18+$0x0] =	vst.idx.msk $0xffff, v9  }
0x1eb: {  	v58 =	vor.u32 v5, v33;
	v42 =	vld.idx.msk [tilespmem:v38+s18+$0x0], $0xffff;
	v1 =	vmul.f32 v1, v11;
	[tilespmem:v60+s18+$0x0] =	vst.idx.msk $0xffff, v36  }
0x1ec: {  	v59 =	vld.idx.msk [tilespmem:v47+s18+$0x0], $0xffff;
	[tilespmem:v50+s18+$0x0] =	vst.idx.msk $0xffff, v34;
	v45 =	vmul.f32 v45, v18  }
0x1ed: {  	v9 =	vor.u32 v3, v26;
	[tilespmem:v39+s18+$0x0] =	vst.idx.msk $0xffff, v1;
	v60 =	vld.idx.msk [tilespmem:v57+s18+$0x0], $0xffff;
	v44 =	vmul.f32 v44, v22  }
0x1ee: {  	v40 =	vor.u32 v3, v25;
	v1 =	vld.idx.msk [tilespmem:v35+s18+$0x0], $0xffff;
	[tilespmem:v49+s18+$0x0] =	vst.idx.msk $0xffff, v45  }
0x1ef: {  	v34 =	vor.u32 v5, v32;
	v50 =	vmul.f32 v48, v21;
	[tilespmem:v0+s18+$0x0] =	vst.idx.msk $0xffff, v44;
	v0 =	vld.idx.msk [tilespmem:v37+s18+$0x0], $0xffff  }
0x1f0: {  	v42 =	vmul.f32 v42, v14;
	v49 =	vor.u32 v5, v29;
	v61 =	vld.idx.msk [tilespmem:v58+s18+$0x0], $0xffff  }
0x1f1: {  	v48 =	vor.u32 v5, v30;
	[tilespmem:v41+s18+$0x0] =	vst.idx.msk $0xffff, v50;
	v36 =	vmul.f32 v59, v23  }
0x1f2: {  	v44 =	vor.u32 v5, v31;
	v53 =	vld.idx.msk [tilespmem:v9+s18+$0x0], $0xffff;
	[tilespmem:v38+s18+$0x0] =	vst.idx.msk $0xffff, v42;
	v55 =	vmul.f32 v60, v15  }
0x1f3: {  	v41 =	vor.u32 v6, v33;
	v54 =	vld.idx.msk [tilespmem:v40+s18+$0x0], $0xffff;
	v1 =	vmul.f32 v1, v13;
	[tilespmem:v47+s18+$0x0] =	vst.idx.msk $0xffff, v36  }
0x1f4: {  	v42 =	vor.u32 v5, v28;
	v56 =	vld.idx.msk [tilespmem:v34+s18+$0x0], $0xffff;
	[tilespmem:v57+s18+$0x0] =	vst.idx.msk $0xffff, v55;
	v0 =	vmul.f32 v0, v11  }
0x1f5: {  	v36 =	vor.u32 v4, v26;
	v57 =	vld.idx.msk [tilespmem:v49+s18+$0x0], $0xffff;
	[tilespmem:v35+s18+$0x0] =	vst.idx.msk $0xffff, v1;
	v46 =	vmul.f32 v61, v18  }
0x1f6: {  	v43 =	vor.u32 v4, v25;
	[tilespmem:v37+s18+$0x0] =	vst.idx.msk $0xffff, v0;
	v0 =	vld.idx.msk [tilespmem:v48+s18+$0x0], $0xffff  }
0x1f7: {  	v1 =	vmul.f32 v53, v22;
	[tilespmem:v58+s18+$0x0] =	vst.idx.msk $0xffff, v46;
	v58 =	vld.idx.msk [tilespmem:v44+s18+$0x0], $0xffff  }
0x1f8: {  	v35 =	vor.u32 v6, v32;
	v60 =	vmul.f32 v54, v21;
	v59 =	vld.idx.msk [tilespmem:v41+s18+$0x0], $0xffff  }
0x1f9: {  	v39 =	vor.u32 v6, v29;
	v61 =	vld.idx.msk [tilespmem:v42+s18+$0x0], $0xffff;
	[tilespmem:v9+s18+$0x0] =	vst.idx.msk $0xffff, v1;
	v1 =	vmul.f32 v56, v14  }
0x1fa: {  	v9 =	vor.u32 v6, v31;
	[tilespmem:v40+s18+$0x0] =	vst.idx.msk $0xffff, v60;
	v53 =	vld.idx.msk [tilespmem:v36+s18+$0x0], $0xffff;
	v38 =	vmul.f32 v57, v23  }
0x1fb: {  	v54 =	vor.u32 v7, v33;
	v55 =	vld.idx.msk [tilespmem:v43+s18+$0x0], $0xffff;
	[tilespmem:v34+s18+$0x0] =	vst.idx.msk $0xffff, v1;
	v0 =	vmul.f32 v0, v13  }
0x1fc: {  	[tilespmem:v49+s18+$0x0] =	vst.idx.msk $0xffff, v38;
	v38 =	vor.u32 v6, v28;
	v1 =	vmul.f32 v58, v15  }
0x1fd: {  	v34 =	vor.u32 v6, v30;
	v56 =	vld.idx.msk [tilespmem:v35+s18+$0x0], $0xffff;
	v47 =	vmul.f32 v59, v18;
	[tilespmem:v48+s18+$0x0] =	vst.idx.msk $0xffff, v0  }
0x1fe: {  	v49 =	vor.u32 v5, v25;
	v58 =	vmul.f32 v61, v11;
	[tilespmem:v44+s18+$0x0] =	vst.idx.msk $0xffff, v1;
	v1 =	vld.idx.msk [tilespmem:v39+s18+$0x0], $0xffff  }
0x1ff: {  	v0 =	vmul.f32 v53, v22;
	v44 =	vor.u32 v5, v26;
	[tilespmem:v41+s18+$0x0] =	vst.idx.msk $0xffff, v47;
	v57 =	vld.idx.msk [tilespmem:v9+s18+$0x0], $0xffff  }
0x200: {  	v45 =	vmul.f32 v55, v21;
	[tilespmem:v42+s18+$0x0] =	vst.idx.msk $0xffff, v58;
	v59 =	vld.idx.msk [tilespmem:v54+s18+$0x0], $0xffff  }
0x201: {  	v37 =	vor.u32 v7, v32;
	[tilespmem:v36+s18+$0x0] =	vst.idx.msk $0xffff, v0;
	v61 =	vld.idx.msk [tilespmem:v38+s18+$0x0], $0xffff  }
0x202: {  	v60 =	vld.idx.msk [tilespmem:v34+s18+$0x0], $0xffff;
	v47 =	vor.u32 v7, v29;
	v0 =	vmul.f32 v56, v14;
	[tilespmem:v43+s18+$0x0] =	vst.idx.msk $0xffff, v45  }
0x203: {  	v46 =	vor.u32 v7, v31;
	v43 =	vld.idx.msk [tilespmem:v49+s18+$0x0], $0xffff;
	v1 =	vmul.f32 v1, v23  }
0x204: {  	v33 =	vor.u32 v8, v33;
	[tilespmem:v35+s18+$0x0] =	vst.idx.msk $0xffff, v0;
	v36 =	vld.idx.msk [tilespmem:v44+s18+$0x0], $0xffff;
	v0 =	vmul.f32 v57, v15  }
0x205: {  	v41 =	vor.u32 v7, v30;
	v50 =	vmul.f32 v59, v18;
	[tilespmem:v39+s18+$0x0] =	vst.idx.msk $0xffff, v1  }
0x206: {  	v53 =	vld.idx.msk [tilespmem:v37+s18+$0x0], $0xffff;
	v1 =	vor.u32 v7, v28;
	v55 =	vmul.f32 v61, v11;
	[tilespmem:v9+s18+$0x0] =	vst.idx.msk $0xffff, v0  }
0x207: {  	v39 =	vor.u32 v6, v25;
	v0 =	vld.idx.msk [tilespmem:v47+s18+$0x0], $0xffff;
	v9 =	vmul.f32 v60, v13;
	[tilespmem:v54+s18+$0x0] =	vst.idx.msk $0xffff, v50  }
0x208: {  	v35 =	vor.u32 v6, v26;
	v58 =	vmul.f32 v43, v21;
	v54 =	vld.idx.msk [tilespmem:v46+s18+$0x0], $0xffff;
	[tilespmem:v38+s18+$0x0] =	vst.idx.msk $0xffff, v55  }
0x209: {  	v56 =	vld.idx.msk [tilespmem:v33+s18+$0x0], $0xffff;
	[tilespmem:v34+s18+$0x0] =	vst.idx.msk $0xffff, v9;
	v9 =	vmul.f32 v36, v22;
	v36 =	vor.u32 v8, v32  }
0x20a: {  	[tilespmem:v49+s18+$0x0] =	vst.idx.msk $0xffff, v58;
	v57 =	vld.idx.msk [tilespmem:v41+s18+$0x0], $0xffff  }
0x20b: {  	v34 =	vor.u32 v8, v29;
	v29 =	vld.idx.msk [tilespmem:v1+s18+$0x0], $0xffff;
	[tilespmem:v44+s18+$0x0] =	vst.idx.msk $0xffff, v9;
	v9 =	vmul.f32 v53, v14  }
0x20c: {  	v38 =	vor.u32 v8, v31;
	v59 =	vld.idx.msk [tilespmem:v39+s18+$0x0], $0xffff  }
0x20d: {  	v31 =	vld.idx.msk [tilespmem:v35+s18+$0x0], $0xffff;
	v0 =	vmul.f32 v0, v23;
	[tilespmem:v37+s18+$0x0] =	vst.idx.msk $0xffff, v9  }
0x20e: {  	v9 =	vmul.f32 v54, v15;
	v37 =	vor.u32 v8, v30;
	v60 =	vld.idx.msk [tilespmem:v36+s18+$0x0], $0xffff  }
0x20f: {  	v61 =	vmul.f32 v56, v18;
	[tilespmem:v47+s18+$0x0] =	vst.idx.msk $0xffff, v0  }
0x210: {  	[tilespmem:v46+s18+$0x0] =	vst.idx.msk $0xffff, v9;
	v30 =	vld.idx.msk [tilespmem:v34+s18+$0x0], $0xffff;
	v0 =	vmul.f32 v57, v13  }
0x211: {  	v42 =	vor.u32 v8, v28;
	[tilespmem:v33+s18+$0x0] =	vst.idx.msk $0xffff, v61;
	v45 =	vld.idx.msk [tilespmem:v38+s18+$0x0], $0xffff;
	v9 =	vmul.f32 v29, v11  }
0x212: {  	v44 =	vor.u32 v7, v25;
	v28 =	vmul.f32 v59, v21;
	v33 =	vld.idx.msk [tilespmem:v27+s17+$0x0], $0xffff;
	[tilespmem:v41+s18+$0x0] =	vst.idx.msk $0xffff, v0  }
0x213: {  	s26 =	simm.s32 $0x8;
	v47 =	vmul.f32 v31, v22;
	[tilespmem:v1+s18+$0x0] =	vst.idx.msk $0xffff, v9;
	v46 =	vld.idx.msk [tilespmem:v37+s18+$0x0], $0xffff;
	v27 =	vmul.f32 v60, v14  }
.LBB2_7:
0x214: {  	_ =	sdelay $0x2  }
0x215: {  	v40 =	vmov s26;
	s3 =	sadd.s32 $0x6, s26;
	v1 =	vld.idx.msk [tilespmem:v42+s18+$0x0], $0xffff  }
0x216: {  	v4 =	vld [tilespmem:$0x1FFD0];
	[tilespmem:v39+s18+$0x0] =	vst.idx.msk $0xffff, v28;
	v41 =	vmov s3  }
0x217: {  	s11 =	sadd.s32 $0x7, s26;
	s30 =	smov.u32 s26;
	[tilespmem:v36+s18+$0x0] =	vst.idx.msk $0xffff, v27;
	v31 =	vld.idx.msk [tilespmem:v44+s18+$0x0], $0xffff  }
0x218: {  	v48 =	vmov s11;
	s11 =	sadd.s32 $0x3, s30;
	v50 =	vld.idx.msk [tilespmem:v2+s17+$0x0], $0xffff  }
0x219: {  	v3 =	vmov s11;
	v0 =	vmul.f32 v30, v23;
	[tilespmem:v33+s10+$0x0] =	vst.idx.add.f32.msk $0x1, v18  }
0x21a: {  	v18 =	vmul.f32 v45, v15;
	v39 =	vld.idx.msk [tilespmem:v40+s20+$0x0], $0xffff  }
0x21b: {  	s1 =	sadd.s32 $0x2, s30;
	[tilespmem:v34+s18+$0x0] =	vst.idx.msk $0xffff, v0;
	v29 =	vld.idx.msk [tilespmem:v41+s20+$0x0], $0xffff  }
0x21c: {  	v12 =	vlaneseq.u32;
	v27 =	vshll.u32 v41, $0x7;
	v2 =	vmov s1;
	[tilespmem:v38+s18+$0x0] =	vst.idx.msk $0xffff, v18;
	v0 =	vld.idx.msk [tilespmem:v16+s17+$0x0], $0xffff  }
0x21d: {  	s2 =	sadd.s32 $0x1, s26;
	s19 =	sadd.s32 $0x4, s30;
	v54 =	vor.u32 v12, v27;
	v53 =	vld.idx.msk [tilespmem:v17+s17+$0x0], $0xffff  }
0x21e: {  	v49 =	vmov s19;
	v36 =	vshll.u32 v3, $0x7;
	v30 =	vmov s2;
	v18 =	vld.idx.msk [tilespmem:v3+s20+$0x0], $0xffff  }
0x21f: {  	v32 =	vshll.u32 v49, $0x7;
	v51 =	vor.u32 v12, v36;
	v1 =	vmul.f32 v1, v11;
	v17 =	vmovc v49;
	v49 =	vld.idx.msk [tilespmem:v48+s20+$0x0], $0xffff  }
0x220: {  	[tilespmem:$0x1FF60] =	vst v3;
	v33 =	vshll.u32 v48, $0x7;
	v3 =	vld [tilespmem:$0x1FFF0]  }
0x221: {  	v55 =	vor.u32 v12, v33;
	[tilespmem:v42+s18+$0x0] =	vst.idx.msk $0xffff, v1;
	v59 =	vld.idx.msk [tilespmem:v2+s20+$0x0], $0xffff  }
0x222: {  	[tilespmem:v35+s18+$0x0] =	vst.idx.msk $0xffff, v47;
	s30 =	sadd.s32 $0x5, s30;
	v61 =	vmul.f32 v31, v21;
	v42 =	vld.idx.msk [tilespmem:v54+s18+$0x0], $0xffff  }
0x223: {  	[tilespmem:$0x1FF50] =	vst v52;
	v24 =	vmul.f32 v46, v13;
	v16 =	vmov s30;
	v31 =	vld.idx.msk [tilespmem:v30+s20+$0x0], $0xffff  }
0x224: {  	v28 =	vmovc v26;
	v26 =	vmov v7;
	v7 =	vmov v6;
	v34 =	vshll.u32 v16, $0x7;
	[tilespmem:v44+s18+$0x0] =	vst.idx.msk $0xffff, v61;
	v44 =	vld.idx.msk [tilespmem:v51+s18+$0x0], $0xffff  }
0x225: {  	v6 =	vmov v5;
	[tilespmem:v37+s18+$0x0] =	vst.idx.msk $0xffff, v24;
	v52 =	vor.u32 v12, v34;
	v38 =	vor.u32 v5, v34;
	v5 =	vld [tilespmem:$0x1FFE0]  }
0x226: {  	v58 =	vld.idx.msk [tilespmem:v55+s18+$0x0], $0xffff  }
0x227: {  	v57 =	vor.u32 v12, v32;
	v61 =	vld.idx.msk [tilespmem:v17+s20+$0x0], $0xffff;
	v42 =	vmul.f32 v42, v29  }
0x228: {  	v37 =	vshll.u32 v2, $0x7;
	v56 =	vor.u32 v3, v36;
	[tilespmem:v0+s10+$0x0] =	vst.idx.add.f32.msk $0x1, v23  }
0x229: {  	v0 =	vor.u32 v12, v37;
	v23 =	vmul.f32 v44, v18;
	[tilespmem:v54+s18+$0x0] =	vst.idx.msk $0xffff, v42;
	v54 =	vld [tilespmem:$0x1FF80]  }
0x22a: {  	[tilespmem:$0x1FF70] =	vst v11;
	v11 =	vmov v62;
	v62 =	vor.u32 v3, v27;
	v1 =	vld.idx.msk [tilespmem:v52+s18+$0x0], $0xffff  }
0x22b: {  	[tilespmem:v51+s18+$0x0] =	vst.idx.msk $0xffff, v23;
	v23 =	vld.idx.msk [tilespmem:v16+s20+$0x0], $0xffff  }
0x22c: {  	v9 =	vshll.u32 v40, $0x7;
	v35 =	vshll.u32 v30, $0x7;
	v51 =	vld.idx.msk [tilespmem:v57+s18+$0x0], $0xffff  }
0x22d: {  	v43 =	vor.u32 v12, v9;
	v12 =	vor.u32 v12, v35;
	v19 =	vld.idx.msk [tilespmem:v56+s18+$0x0], $0xffff  }
0x22e: {  	v24 =	vmov v22;
	v22 =	vmov v63;
	v63 =	vld.idx.msk [tilespmem:v0+s18+$0x0], $0xffff  }
0x22f: {  	v47 =	vor.u32 v4, v36;
	v46 =	vor.u32 v4, v34;
	v42 =	vmov v48;
	v48 =	vld.idx.msk [tilespmem:v62+s18+$0x0], $0xffff  }
0x230: {  	v60 =	vor.u32 v3, v34;
	v10 =	vor.u32 v3, v33;
	[tilespmem:v53+s10+$0x0] =	vst.idx.add.f32.msk $0x1, v15  }
0x231: {  	v20 =	vor.u32 v3, v37;
	v58 =	vmul.f32 v58, v49;
	[tilespmem:v50+s10+$0x0] =	vst.idx.add.f32.msk $0x1, v14  }
0x232: {  	v15 =	vmov v61;
	[tilespmem:$0x1FF80] =	vst v42;
	v14 =	vmov v59;
	v50 =	vld.idx.msk [tilespmem:v12+s18+$0x0], $0xffff;
	v19 =	vmul.f32 v19, v18  }
0x233: {  	v1 =	vmul.f32 v1, v23;
	v54 =	vld.idx.msk [tilespmem:v54+s17+$0x0], $0xffff;
	[tilespmem:v55+s18+$0x0] =	vst.idx.msk $0xffff, v58;
	v42 =	vmul.f32 v63, v59  }
0x234: {  	v63 =	vor.u32 v3, v32;
	[tilespmem:v56+s18+$0x0] =	vst.idx.msk $0xffff, v19;
	v19 =	vmul.f32 v48, v29;
	v59 =	vld.idx.msk [tilespmem:v43+s18+$0x0], $0xffff  }
0x235: {  	v48 =	vor.u32 v3, v35;
	v56 =	vld.idx.msk [tilespmem:v47+s18+$0x0], $0xffff;
	[tilespmem:v0+s18+$0x0] =	vst.idx.msk $0xffff, v42;
	v0 =	vmul.f32 v51, v15  }
0x236: {  	v45 =	vor.u32 v3, v9;
	[tilespmem:v52+s18+$0x0] =	vst.idx.msk $0xffff, v1;
	v52 =	vor.u32 v8, v25;
	v61 =	vld.idx.msk [tilespmem:v20+s18+$0x0], $0xffff  }
0x237: {  	v3 =	vmov v4;
	v50 =	vmul.f32 v50, v31;
	[tilespmem:v57+s18+$0x0] =	vst.idx.msk $0xffff, v0;
	v0 =	vld.idx.msk [tilespmem:v60+s18+$0x0], $0xffff  }
0x238: {  	v44 =	vor.u32 v4, v9;
	v1 =	vor.u32 v4, v33;
	v55 =	vor.u32 v3, v37;
	v57 =	vld.idx.msk [tilespmem:v10+s18+$0x0], $0xffff  }
0x239: {  	v25 =	vmov v9;
	v51 =	vor.u32 v4, v27;
	v4 =	vmov v5;
	[tilespmem:v12+s18+$0x0] =	vst.idx.msk $0xffff, v50;
	v9 =	vld.idx.msk [tilespmem:v63+s18+$0x0], $0xffff  }
0x23a: {  	v58 =	vor.u32 v4, v36;
	v50 =	vld.idx.msk [tilespmem:v48+s18+$0x0], $0xffff;
	v56 =	vmul.f32 v56, v18  }
0x23b: {  	v53 =	vor.u32 v3, v32;
	[tilespmem:v54+s10+$0x0] =	vst.idx.add.f32.msk $0x1, v13;
	v61 =	vmul.f32 v61, v14  }
0x23c: {  	v13 =	vmov v49;
	v54 =	vld.idx.msk [tilespmem:v52+s18+$0x0], $0xffff;
	[tilespmem:v47+s18+$0x0] =	vst.idx.msk $0xffff, v56;
	v0 =	vmul.f32 v0, v23  }
0x23d: {  	v56 =	vor.u32 v3, v35;
	v3 =	vld [tilespmem:$0x1FF50];
	v57 =	vmul.f32 v57, v13;
	[tilespmem:v20+s18+$0x0] =	vst.idx.msk $0xffff, v61  }
0x23e: {  	v9 =	vmul.f32 v9, v15;
	v49 =	vld.idx.msk [tilespmem:v55+s18+$0x0], $0xffff;
	[tilespmem:v60+s18+$0x0] =	vst.idx.msk $0xffff, v0  }
0x23f: {  	v60 =	vld.idx.msk [tilespmem:v58+s18+$0x0], $0xffff;
	[tilespmem:v10+s18+$0x0] =	vst.idx.msk $0xffff, v57  }
0x240: {  	v42 =	vor.u32 v5, v25;
	[tilespmem:v63+s18+$0x0] =	vst.idx.msk $0xffff, v9;
	v9 =	vld.idx.msk [tilespmem:v46+s18+$0x0], $0xffff  }
0x241: {  	v5 =	vmov v6;
	[tilespmem:v62+s18+$0x0] =	vst.idx.msk $0xffff, v19;
	v10 =	vmul.f32 v54, v21;
	v19 =	vld.idx.msk [tilespmem:v1+s18+$0x0], $0xffff  }
0x242: {  	v12 =	vor.u32 v4, v34;
	v54 =	vmul.f32 v59, v39;
	v57 =	vor.u32 v4, v37;
	v47 =	vld.idx.msk [tilespmem:v53+s18+$0x0], $0xffff  }
0x243: {  	v61 =	vld.idx.msk [tilespmem:v51+s18+$0x0], $0xffff;
	v59 =	vor.u32 v5, v36;
	[tilespmem:v52+s18+$0x0] =	vst.idx.msk $0xffff, v10;
	v10 =	vmul.f32 v49, v14  }
0x244: {  	v0 =	vor.u32 v4, v33;
	v52 =	vld.idx.msk [tilespmem:v22+s17+$0x0], $0xffff;
	[tilespmem:v43+s18+$0x0] =	vst.idx.msk $0xffff, v54;
	v60 =	vmul.f32 v60, v18  }
0x245: {  	v62 =	vmov v41;
	v63 =	vmov v40;
	v40 =	vld.idx.msk [tilespmem:v11+s17+$0x0], $0xffff;
	v9 =	vmul.f32 v9, v23;
	[tilespmem:v55+s18+$0x0] =	vst.idx.msk $0xffff, v10  }
0x246: {  	v41 =	vld.idx.msk [tilespmem:v45+s18+$0x0], $0xffff;
	v49 =	vor.u32 v4, v32;
	v19 =	vmul.f32 v19, v13;
	[tilespmem:v58+s18+$0x0] =	vst.idx.msk $0xffff, v60  }
0x247: {  	v10 =	vmul.f32 v47, v15;
	v47 =	vld.idx.msk [tilespmem:v57+s18+$0x0], $0xffff;
	[tilespmem:v46+s18+$0x0] =	vst.idx.msk $0xffff, v9  }
0x248: {  	v20 =	vor.u32 v4, v27;
	v50 =	vmul.f32 v50, v31;
	v60 =	vld.idx.msk [tilespmem:v59+s18+$0x0], $0xffff;
	[tilespmem:v1+s18+$0x0] =	vst.idx.msk $0xffff, v19  }
0x249: {  	v58 =	vmul.f32 v61, v29;
	[tilespmem:v53+s18+$0x0] =	vst.idx.msk $0xffff, v10;
	v10 =	vld.idx.msk [tilespmem:v12+s18+$0x0], $0xffff  }
0x24a: {  	[tilespmem:v48+s18+$0x0] =	vst.idx.msk $0xffff, v50;
	v19 =	vld.idx.msk [tilespmem:v0+s18+$0x0], $0xffff  }
0x24b: {  	v1 =	vor.u32 v5, v37;
	[tilespmem:v51+s18+$0x0] =	vst.idx.msk $0xffff, v58;
	v41 =	vmul.f32 v41, v39;
	v46 =	vld.idx.msk [tilespmem:v49+s18+$0x0], $0xffff  }
0x24c: {  	v6 =	vmov v7;
	[tilespmem:v52+s10+$0x0] =	vst.idx.add.f32.msk $0x1, v21  }
0x24d: {  	v61 =	vld.idx.msk [tilespmem:v20+s18+$0x0], $0xffff;
	[tilespmem:v45+s18+$0x0] =	vst.idx.msk $0xffff, v41;
	v41 =	vor.u32 v6, v36;
	v47 =	vmul.f32 v47, v14  }
0x24e: {  	v50 =	vor.u32 v5, v32;
	v58 =	vld.idx.msk [tilespmem:v56+s18+$0x0], $0xffff;
	v10 =	vmul.f32 v10, v23  }
0x24f: {  	v9 =	vor.u32 v5, v33;
	v45 =	vld.idx.msk [tilespmem:v44+s18+$0x0], $0xffff;
	v60 =	vmul.f32 v60, v18;
	[tilespmem:v57+s18+$0x0] =	vst.idx.msk $0xffff, v47  }
0x250: {  	v43 =	vor.u32 v5, v27;
	v46 =	vmul.f32 v46, v15;
	v47 =	vld.idx.msk [tilespmem:v1+s18+$0x0], $0xffff;
	[tilespmem:v12+s18+$0x0] =	vst.idx.msk $0xffff, v10  }
0x251: {  	[tilespmem:v59+s18+$0x0] =	vst.idx.msk $0xffff, v60;
	v12 =	vmul.f32 v19, v13;
	v19 =	vor.u32 v26, v28;
	v10 =	vld.idx.msk [tilespmem:v38+s18+$0x0], $0xffff  }
0x252: {  	v54 =	vor.u32 v4, v35;
	v48 =	vmul.f32 v61, v29;
	[tilespmem:v49+s18+$0x0] =	vst.idx.msk $0xffff, v46;
	v61 =	vld.idx.msk [tilespmem:v41+s18+$0x0], $0xffff  }
0x253: {  	v7 =	vmov v26;
	v21 =	vmov v39;
	v46 =	vld.idx.msk [tilespmem:v50+s18+$0x0], $0xffff;
	[tilespmem:v0+s18+$0x0] =	vst.idx.msk $0xffff, v12;
	v0 =	vmul.f32 v58, v31  }
0x254: {  	[tilespmem:v20+s18+$0x0] =	vst.idx.msk $0xffff, v48;
	v12 =	vor.u32 v6, v37;
	v55 =	vmul.f32 v45, v21;
	v20 =	vld.idx.msk [tilespmem:v9+s18+$0x0], $0xffff  }
0x255: {  	v45 =	vor.u32 v6, v34;
	v48 =	vld.idx.msk [tilespmem:v43+s18+$0x0], $0xffff;
	[tilespmem:v56+s18+$0x0] =	vst.idx.msk $0xffff, v0;
	v0 =	vmul.f32 v47, v14  }
0x256: {  	[tilespmem:v44+s18+$0x0] =	vst.idx.msk $0xffff, v55;
	v44 =	vor.u32 v26, v36;
	v56 =	vld.idx.msk [tilespmem:v19+s18+$0x0], $0xffff;
	v10 =	vmul.f32 v10, v23  }
0x257: {  	v47 =	vor.u32 v6, v32;
	v57 =	vld.idx.msk [tilespmem:v54+s18+$0x0], $0xffff;
	v49 =	vmul.f32 v61, v18;
	[tilespmem:v1+s18+$0x0] =	vst.idx.msk $0xffff, v0  }
0x258: {  	v52 =	vld.idx.msk [tilespmem:v42+s18+$0x0], $0xffff;
	v0 =	vmul.f32 v46, v15;
	v1 =	vor.u32 v6, v33;
	[tilespmem:v38+s18+$0x0] =	vst.idx.msk $0xffff, v10  }
0x259: {  	v58 =	vld.idx.msk [tilespmem:v12+s18+$0x0], $0xffff;
	v10 =	vor.u32 v6, v27;
	v20 =	vmul.f32 v20, v13;
	[tilespmem:v41+s18+$0x0] =	vst.idx.msk $0xffff, v49  }
0x25a: {  	v59 =	vmul.f32 v48, v29;
	v38 =	vor.u32 v8, v28;
	[tilespmem:v50+s18+$0x0] =	vst.idx.msk $0xffff, v0;
	v0 =	vld.idx.msk [tilespmem:v45+s18+$0x0], $0xffff  }
0x25b: {  	v50 =	vor.u32 v5, v35;
	v49 =	vld.idx.msk [tilespmem:v44+s18+$0x0], $0xffff;
	[tilespmem:v9+s18+$0x0] =	vst.idx.msk $0xffff, v20;
	v9 =	vmul.f32 v56, v24  }
0x25c: {  	v48 =	vor.u32 v5, v25;
	[tilespmem:v43+s18+$0x0] =	vst.idx.msk $0xffff, v59;
	v26 =	vld.idx.msk [tilespmem:v47+s18+$0x0], $0xffff;
	v20 =	vmul.f32 v57, v31  }
0x25d: {  	v51 =	vor.u32 v7, v37;
	v61 =	vmul.f32 v52, v21;
	v60 =	vld.idx.msk [tilespmem:v1+s18+$0x0], $0xffff;
	[tilespmem:v19+s18+$0x0] =	vst.idx.msk $0xffff, v9  }
0x25e: {  	v43 =	vor.u32 v7, v34;
	v56 =	vld.idx.msk [tilespmem:v10+s18+$0x0], $0xffff;
	[tilespmem:v54+s18+$0x0] =	vst.idx.msk $0xffff, v20;
	v9 =	vmul.f32 v58, v14  }
0x25f: {  	v19 =	vor.u32 v7, v32;
	[tilespmem:v42+s18+$0x0] =	vst.idx.msk $0xffff, v61;
	v20 =	vld.idx.msk [tilespmem:v38+s18+$0x0], $0xffff;
	v0 =	vmul.f32 v0, v23  }
0x260: {  	v42 =	vor.u32 v8, v36;
	v57 =	vld.idx.msk [tilespmem:v50+s18+$0x0], $0xffff;
	v59 =	vmul.f32 v49, v18;
	[tilespmem:v12+s18+$0x0] =	vst.idx.msk $0xffff, v9  }
0x261: {  	v58 =	vld.idx.msk [tilespmem:v48+s18+$0x0], $0xffff;
	v9 =	vmul.f32 v26, v15;
	v12 =	vor.u32 v7, v33;
	[tilespmem:v45+s18+$0x0] =	vst.idx.msk $0xffff, v0  }
0x262: {  	v53 =	vld.idx.msk [tilespmem:v51+s18+$0x0], $0xffff;
	v0 =	vor.u32 v7, v27;
	[tilespmem:v44+s18+$0x0] =	vst.idx.msk $0xffff, v59;
	v60 =	vmul.f32 v60, v13  }
0x263: {  	[tilespmem:v47+s18+$0x0] =	vst.idx.msk $0xffff, v9;
	v9 =	vld.idx.msk [tilespmem:v43+s18+$0x0], $0xffff;
	v55 =	vmul.f32 v56, v29  }
0x264: {  	v39 =	vor.u32 v6, v25;
	v61 =	vld.idx.msk [tilespmem:v19+s18+$0x0], $0xffff;
	[tilespmem:v1+s18+$0x0] =	vst.idx.msk $0xffff, v60;
	v1 =	vmul.f32 v20, v24  }
0x265: {  	v26 =	vmov v35;
	v56 =	vld.idx.msk [tilespmem:v42+s18+$0x0], $0xffff;
	v20 =	vmul.f32 v57, v31;
	[tilespmem:v10+s18+$0x0] =	vst.idx.msk $0xffff, v55  }
0x266: {  	v35 =	vor.u32 v6, v26;
	v10 =	vld.idx.msk [tilespmem:v12+s18+$0x0], $0xffff;
	[tilespmem:v38+s18+$0x0] =	vst.idx.msk $0xffff, v1  }
0x267: {  	v36 =	vor.u32 v8, v37;
	v57 =	vmul.f32 v58, v21;
	v58 =	vld.idx.msk [tilespmem:v0+s18+$0x0], $0xffff;
	[tilespmem:v50+s18+$0x0] =	vst.idx.msk $0xffff, v20  }
0x268: {  	v34 =	vor.u32 v8, v34;
	v20 =	vld.idx.msk [tilespmem:v3+s17+$0x0], $0xffff  }
0x269: {  	v1 =	vmul.f32 v53, v14;
	[tilespmem:v48+s18+$0x0] =	vst.idx.msk $0xffff, v57;
	v3 =	vld [tilespmem:$0x1FF60]  }
0x26a: {  	v38 =	vor.u32 v8, v32;
	v9 =	vmul.f32 v9, v23;
	v48 =	vld.idx.msk [tilespmem:v39+s18+$0x0], $0xffff  }
0x26b: {  	v37 =	vor.u32 v8, v33;
	v59 =	vld.idx.msk [tilespmem:v35+s18+$0x0], $0xffff;
	[tilespmem:v51+s18+$0x0] =	vst.idx.msk $0xffff, v1;
	v1 =	vmul.f32 v61, v15  }
0x26c: {  	v60 =	vld.idx.msk [tilespmem:v36+s18+$0x0], $0xffff;
	[tilespmem:v43+s18+$0x0] =	vst.idx.msk $0xffff, v9;
	v9 =	vmul.f32 v58, v29  }
0x26d: {  	v52 =	vmov v30;
	[tilespmem:v19+s18+$0x0] =	vst.idx.msk $0xffff, v1;
	v30 =	vld.idx.msk [tilespmem:v34+s18+$0x0], $0xffff;
	v1 =	vmul.f32 v10, v13  }
0x26e: {  	p0 =	slt.u32 s26, $0x28;
	v61 =	vmul.f32 v56, v18;
	[tilespmem:v0+s18+$0x0] =	vst.idx.msk $0xffff, v9;
	v0 =	vld [tilespmem:$0x1FF70]  }
.Ltmp4:
0x26f: {  	v45 =	vld.idx.msk [tilespmem:v38+s18+$0x0], $0xffff;
	[tilespmem:v12+s18+$0x0] =	vst.idx.msk $0xffff, v1;
	(pc) =	sbr.rel @p0 .LBB2_7-.Ltmp4, $4  }
0x270: {  	[tilespmem:v42+s18+$0x0] =	vst.idx.msk $0xffff, v61;
	v46 =	vld.idx.msk [tilespmem:v37+s18+$0x0], $0xffff  }
0x271: {  	v44 =	vor.u32 v7, v25;
	v33 =	vld.idx.msk [tilespmem:v3+s17+$0x0], $0xffff  }
0x272: {  	s29 =	sadd.s32 $0x8, s26;
	v11 =	vmov v29;
	v42 =	vor.u32 v8, v27;
	v28 =	vmul.f32 v48, v21;
	[tilespmem:v20+s10+$0x0] =	vst.idx.add.f32.msk $0x1, v24  }
0x273: {  	s26 =	smov.u32 s29;
	v22 =	vmov v31;
	v47 =	vmul.f32 v59, v31;
	v27 =	vmul.f32 v60, v14;
	[tilespmem:v40+s10+$0x0] =	vst.idx.add.f32.msk $0x1, v0  }
0x274: {  	_ =	sdelay $0x1  }
0x275: {  	v0 =	vor.u32 v7, v26;
	_ =	sdelay $0x1  }
0x276: {  	[tilespmem:v39+s18+$0x0] =	vst.idx.msk $0xffff, v28  }
0x277: {  	v1 =	vld.idx.msk [tilespmem:v44+s18+$0x0], $0xffff  }
0x278: {  	[tilespmem:v35+s18+$0x0] =	vst.idx.msk $0xffff, v47  }
0x279: {  	v9 =	vld.idx.msk [tilespmem:v0+s18+$0x0], $0xffff;
	_ =	sdelay $0x2  }
0x27a: {  	v1 =	vmul.f32 v1, v21  }
0x27b: {  	v10 =	vor.u32 v8, v25  }
0x27c: {  	[tilespmem:v44+s18+$0x0] =	vst.idx.msk $0xffff, v1;
	v1 =	vmul.f32 v9, v22  }
0x27d: {  	v12 =	vor.u32 v8, v26  }
0x27e: {  	[tilespmem:v0+s18+$0x0] =	vst.idx.msk $0xffff, v1;
	v0 =	vmul.f32 v45, v15  }
0x27f: {  	v19 =	vmul.f32 v30, v23;
	[tilespmem:v36+s18+$0x0] =	vst.idx.msk $0xffff, v27  }
0x280: {  	v9 =	vld.idx.msk [tilespmem:v10+s18+$0x0], $0xffff;
	[tilespmem:v38+s18+$0x0] =	vst.idx.msk $0xffff, v0;
	v0 =	vmul.f32 v46, v13  }
0x281: {  	v20 =	vld.idx.msk [tilespmem:v42+s18+$0x0], $0xffff;
	[tilespmem:v34+s18+$0x0] =	vst.idx.msk $0xffff, v19  }
0x282: {  	v1 =	vld.idx.msk [tilespmem:v12+s18+$0x0], $0xffff;
	[tilespmem:v37+s18+$0x0] =	vst.idx.msk $0xffff, v0  }
0x283: {  	v0 =	vld [tilespmem:$0x1FF80];
	_ =	sdelay $0x1  }
0x284: {  	v16 =	vld.idx.msk [tilespmem:v16+s17+$0x0], $0xffff;
	v9 =	vmul.f32 v9, v21  }
0x285: {  	v19 =	vld.idx.msk [tilespmem:v2+s17+$0x0], $0xffff;
	v20 =	vmul.f32 v20, v11  }
0x286: {  	v17 =	vld.idx.msk [tilespmem:v17+s17+$0x0], $0xffff;
	[tilespmem:v10+s18+$0x0] =	vst.idx.msk $0xffff, v9;
	v1 =	vmul.f32 v1, v22  }
0x287: {  	[tilespmem:v42+s18+$0x0] =	vst.idx.msk $0xffff, v20;
	v9 =	vld.idx.msk [tilespmem:v63+s17+$0x0], $0xffff  }
0x288: {  	v10 =	vld.idx.msk [tilespmem:v62+s17+$0x0], $0xffff;
	[tilespmem:v12+s18+$0x0] =	vst.idx.msk $0xffff, v1  }
0x289: {  	v1 =	vld.idx.msk [tilespmem:v52+s17+$0x0], $0xffff  }
0x28a: {  	v0 =	vld.idx.msk [tilespmem:v0+s17+$0x0], $0xffff  }
0x28b: {  	[tilespmem:v33+s10+$0x0] =	vst.idx.add.f32.msk $0x1, v18  }
0x28c: {  	[tilespmem:v16+s10+$0x0] =	vst.idx.add.f32.msk $0x1, v23  }
0x28d: {  	[tilespmem:v19+s10+$0x0] =	vst.idx.add.f32.msk $0x1, v14  }
0x28e: {  	[tilespmem:v17+s10+$0x0] =	vst.idx.add.f32.msk $0x1, v15  }
0x28f: {  	[tilespmem:v9+s10+$0x0] =	vst.idx.add.f32.msk $0x1, v21  }
0x290: {  	[tilespmem:v10+s10+$0x0] =	vst.idx.add.f32.msk $0x1, v11  }
0x291: {  	[tilespmem:v1+s10+$0x0] =	vst.idx.add.f32.msk $0x1, v22  }
0x292: {  	s1 =	rddreg [dreg:$0x2];
	p0 =	seq.s32 s0, $0x45;
	[tilespmem:v0+s10+$0x0] =	vst.idx.add.f32.msk $0x1, v13  }
0x293: {  	[spmem:s1] =	stream.indirect.scatter.add.f32 [tilespmem:s18], [sflag:$0x5], $0x80, s17, s15, $0xb8;
	[tilespmem:$0x1FE80] =	vst v63  }
0x294: {  	s1 =	sadd.s32 @!p0 $0x180, s4  }
0x295: {  	s2 =	sand.u32 @!p0 $0x1FC00, s1  }
0x296: {  	s3 =	simm.s32 @!p0 $0x4;
	s1 =	sand.u32 @!p0 $0x380, s1;
	s2 =	sadd.s32 @!p0 s12, s2  }
0x297: {  	_ =	swait.ge @!p0 [sflag:s3], $0x1800;
	s1 =	sor.u32 @!p0 s1, s2  }
0x298: {  	[sflag:s3] =	ssyncset.done @!p0 $0x0;
	s1 =	sshrl.u32 @!p0 s1, $0x3  }
0x299: {  	[sflag:s3] =	ssyncadd.s32 @!p0 $0xFFFFE800;
	s3 =	simm.s32 @!p0 $0x0;
	s2 =	sadd.s32 @!p0 s5, s1  }
0x29a: {  	[tilespmem:s3], [sflag:$0x7] =	stream.linear.gather @!p0 [hbm4b:s2+s3], $0x80, $0x38;
	[tilespmem:$0x1FE80] =	vst v63  }
0x29b: {  	s2 =	simm.s32 @!p0 $0x7  }
0x29c: {  	_ =	swait.ge @!p0 [sflag:s2], $0x80  }
0x29d: {  	[sflag:s2] =	ssyncset.done @!p0 $0x0  }
0x29e: {  	s11 =	simm.s32 @!p0 $0x80;
	s1 =	sadd.s32 @!p0 s6, s1;
	[sflag:s2] =	ssyncadd.s32 @!p0 $0xFFFFFF80  }
0x29f: {  	[tilespmem:s11], [sflag:$0x7] =	stream.linear.gather @!p0 [hbm4b:s1+s3], $0x80, $0x38;
	[tilespmem:$0x1FE80] =	vst v63  }
0x2a0: {  	_ =	swait.ge @!p0 [sflag:s2], $0x80  }
0x2a1: {  	[sflag:s2] =	ssyncset.done @!p0 $0x0  }
0x2a2: {  	[sflag:s2] =	ssyncadd.s32 @!p0 $0xFFFFFF80  }
0x2a3: {  	s1 =	simm.s32 @!p0 $0x30;
	s2 =	simm.s32 @!p0 $0x5280;
	s11 =	rddreg [dreg:$0x1]  }
0x2a4: {  	[tilespmem:s2], [sflag:$0x1] =	stream.indirect.gather @!p0 [hbm4b:s11+s1], $0x80, s3, s1, $0xb8;
	[tilespmem:$0x1FE80] =	vst v63  }
0x2a5: {  	_ =	swait.ge [sflag:s25], $0x1800  }
0x2a6: {  	v2 =	vld [tilespmem:$0x1FFF0]  }
0x2a7: {  	v19 =	vlaneseq.u32  }
0x2a8: {  	v20 =	vld [tilespmem:$0x1FFD0];
	_ =	sdelay $0x1  }
0x2a9: {  	[sflag:s25] =	ssyncset.done $0x0  }
0x2aa: {  	[sflag:s25] =	ssyncadd.s32 $0xFFFFE800  }
0x2ab: {  	v0 =	vld.idx.msk [tilespmem:v19+s21+$0x0], $0xffff  }
0x2ac: {  	v1 =	vld.idx.msk [tilespmem:v19+s22+$0x0], $0xffff  }
0x2ad: {  	v9 =	vld.idx.msk [tilespmem:v2+s21+$0x0], $0xffff  }
0x2ae: {  	v10 =	vld.idx.msk [tilespmem:v2+s22+$0x0], $0xffff  }
0x2af: {  	v11 =	vld.idx.msk [tilespmem:v20+s21+$0x0], $0xffff  }
0x2b0: {  	v12 =	vld.idx.msk [tilespmem:v20+s22+$0x0], $0xffff;
	_ =	sdelay $0x2  }
0x2b1: {  	v0 =	vld.idx.msk [tilespmem:v0+s7+$0x0], $0xffff  }
0x2b2: {  	v1 =	vld.idx.msk [tilespmem:v1+s9+$0x0], $0xffff  }
0x2b3: {  	v9 =	vld.idx.msk [tilespmem:v9+s7+$0x0], $0xffff  }
0x2b4: {  	v10 =	vld.idx.msk [tilespmem:v10+s9+$0x0], $0xffff  }
0x2b5: {  	v11 =	vld.idx.msk [tilespmem:v11+s7+$0x0], $0xffff  }
0x2b6: {  	v12 =	vld.idx.msk [tilespmem:v12+s9+$0x0], $0xffff;
	_ =	sdelay $0x3  }
0x2b7: {  	v0 =	vadd.f32 v1, v0  }
0x2b8: {  	v1 =	vadd.f32 v10, v9;
	v10 =	vadd.f32 v12, v11;
	v12 =	vld [tilespmem:$0x1FFC0];
	_ =	sdelay $0x1  }
0x2b9: {  	v9 =	vmul.f32 $2.000000030e-01, v0  }
0x2ba: {  	vm0 =	vgt.f32 v0, $0.0e+00;
	v11 =	vmul.f32 $2.000000030e-01, v1  }
0x2bb: {  	v0 =	vsel vm0, v0, v9;
	vm14 =	vgt.f32 v1, $0.0e+00;
	v9 =	vmul.f32 $2.000000030e-01, v10  }
0x2bc: {  	vm15 =	vgt.f32 v10, $0.0e+00;
	v1 =	vsel vm14, v1, v11;
	v0 =	vsub.f32 v0, v12  }
0x2bd: {  	v9 =	vsel vm15, v10, v9;
	v1 =	vsub.f32 v1, v12  }
0x2be: {  	v9 =	vsub.f32 v9, v12;
	v0 =	vmul.f32 $1.442695020e+00, v0  }
0x2bf: {  	v1 =	vmul.f32 $1.442695020e+00, v1  }
0x2c0: {  	(erf) = vpow2.f32 v0;
	v0 =	vmul.f32 $1.442695020e+00, v9  }
0x2c1: {  	(erf) = vpow2.f32 v1  }
0x2c2: {  	(erf) = vpow2.f32 v0;
	_ =	sdelay $0x4  }
0x2c3: {  	s26 =	simm.s32 $0x6  }
0x2c4: {  	s30 =	simm.s32 $0x3;
	v62 =	vmov s26  }
0x2c5: {  	v27 =	vmov s30;
	s2 =	simm.s32 $0x5;
	s3 =	simm.s32 $0x7;
	v0 =	vpop (erf)  }
0x2c6: {  	v33 =	vshll.u32 v27, $0x7;
	v16 =	vmov s2;
	v10 =	vmov s3;
	v1 =	vpop (erf);
	[tilespmem:v19+s20+$0x0] =	vst.idx.msk $0xffff, v0  }
0x2c7: {  	v29 =	vshll.u32 v16, $0x7;
	v0 =	vor.u32 v19, v33;
	[tilespmem:v2+s20+$0x0] =	vst.idx.msk $0xffff, v1;
	v1 =	vpop (erf)  }
0x2c8: {  	s11 =	simm.s32 $0x2;
	[tilespmem:v20+s20+$0x0] =	vst.idx.msk $0xffff, v1;
	v1 =	vor.u32 v19, v29  }
0x2c9: {  	s19 =	simm.s32 $0x4;
	v3 =	vmov s11;
	v11 =	vld.idx.msk [tilespmem:v62+s20+$0x0], $0xffff  }
0x2ca: {  	v17 =	vmov s19;
	v32 =	vshll.u32 v3, $0x7;
	v18 =	vld.idx.msk [tilespmem:v27+s20+$0x0], $0xffff  }
0x2cb: {  	v58 =	vor.u32 v19, v32;
	v13 =	vld.idx.msk [tilespmem:v10+s20+$0x0], $0xffff  }
0x2cc: {  	v30 =	vshll.u32 v10, $0x7;
	v9 =	vld.idx.msk [tilespmem:v0+s23+$0x0], $0xffff  }
0x2cd: {  	v28 =	vshll.u32 v62, $0x7;
	v50 =	vor.u32 v19, v30;
	v22 =	vld.idx.msk [tilespmem:v1+s23+$0x0], $0xffff;
	[tilespmem:$0x1FF40] =	vst v10  }
0x2ce: {  	v59 =	vor.u32 v19, v28;
	v31 =	vshll.u32 v17, $0x7;
	v14 =	vld.idx.msk [tilespmem:v3+s20+$0x0], $0xffff  }
0x2cf: {  	v48 =	vor.u32 v19, v31;
	v15 =	vld.idx.msk [tilespmem:v17+s20+$0x0], $0xffff  }
0x2d0: {  	v49 =	vor.u32 v2, v33;
	v21 =	vld.idx.msk [tilespmem:v58+s23+$0x0], $0xffff  }
0x2d1: {  	v23 =	vld.idx.msk [tilespmem:v16+s20+$0x0], $0xffff  }
0x2d2: {  	s30 =	simm.s32 $0x1;
	v40 =	vld.idx.msk [tilespmem:v50+s23+$0x0], $0xffff;
	v9 =	vmul.f32 v9, v18  }
0x2d3: {  	v52 =	vmov s30;
	v53 =	vld.idx.msk [tilespmem:v59+s23+$0x0], $0xffff  }
0x2d4: {  	v61 =	vor.u32 v2, v32;
	[tilespmem:v0+s23+$0x0] =	vst.idx.msk $0xffff, v9;
	v0 =	vld.idx.msk [tilespmem:v48+s23+$0x0], $0xffff  }
0x2d5: {  	v57 =	vor.u32 v2, v30;
	v9 =	vld.idx.msk [tilespmem:v49+s23+$0x0], $0xffff;
	v43 =	vmul.f32 v21, v14  }
0x2d6: {  	v41 =	vor.u32 v2, v29;
	v56 =	vmul.f32 v22, v23  }
0x2d7: {  	v54 =	vor.u32 v2, v31;
	v40 =	vmul.f32 v40, v13;
	[tilespmem:v58+s23+$0x0] =	vst.idx.msk $0xffff, v43  }
0x2d8: {  	v22 =	vld.idx.msk [tilespmem:v52+s20+$0x0], $0xffff;
	v42 =	vmul.f32 v53, v11;
	v58 =	vor.u32 v2, v28;
	[tilespmem:v1+s23+$0x0] =	vst.idx.msk $0xffff, v56  }
0x2d9: {  	s26 =	simm.s32 $0x0;
	v26 =	vshll.u32 v52, $0x7;
	[tilespmem:v50+s23+$0x0] =	vst.idx.msk $0xffff, v40;
	v43 =	vld.idx.msk [tilespmem:v61+s23+$0x0], $0xffff;
	v0 =	vmul.f32 v0, v15  }
0x2da: {  	v63 =	vmov s26;
	v55 =	vor.u32 v20, v33;
	[tilespmem:v59+s23+$0x0] =	vst.idx.msk $0xffff, v42;
	v59 =	vld.idx.msk [tilespmem:v57+s23+$0x0], $0xffff;
	v9 =	vmul.f32 v9, v18  }
0x2db: {  	v25 =	vshll.u32 v63, $0x7;
	v1 =	vor.u32 v19, v26;
	[tilespmem:v48+s23+$0x0] =	vst.idx.msk $0xffff, v0;
	v0 =	vld.idx.msk [tilespmem:v41+s23+$0x0], $0xffff  }
0x2dc: {  	v35 =	vor.u32 v19, v25;
	[tilespmem:v49+s23+$0x0] =	vst.idx.msk $0xffff, v9;
	v9 =	vld.idx.msk [tilespmem:v54+s23+$0x0], $0xffff  }
0x2dd: {  	v42 =	vld.idx.msk [tilespmem:v58+s23+$0x0], $0xffff  }
0x2de: {  	v37 =	vor.u32 v20, v32;
	v4 =	vld [tilespmem:$0x1FFE0]  }
0x2df: {  	v40 =	vor.u32 v20, v29;
	v36 =	vld.idx.msk [tilespmem:v55+s23+$0x0], $0xffff;
	v43 =	vmul.f32 v43, v14  }
0x2e0: {  	v60 =	vor.u32 v20, v31;
	v48 =	vld.idx.msk [tilespmem:v1+s23+$0x0], $0xffff;
	v38 =	vmul.f32 v59, v13  }
0x2e1: {  	v51 =	vld.idx.msk [tilespmem:v35+s23+$0x0], $0xffff;
	v50 =	vor.u32 v20, v30;
	[tilespmem:v61+s23+$0x0] =	vst.idx.msk $0xffff, v43;
	v0 =	vmul.f32 v0, v23  }
0x2e2: {  	v39 =	vor.u32 v20, v28;
	v21 =	vld.idx.msk [tilespmem:v63+s20+$0x0], $0xffff;
	[tilespmem:v57+s23+$0x0] =	vst.idx.msk $0xffff, v38;
	v9 =	vmul.f32 v9, v15  }
0x2e3: {  	v43 =	vld.idx.msk [tilespmem:v37+s23+$0x0], $0xffff;
	v42 =	vmul.f32 v42, v11;
	v49 =	vor.u32 v4, v33;
	[tilespmem:v41+s23+$0x0] =	vst.idx.msk $0xffff, v0  }
0x2e4: {  	v36 =	vmul.f32 v36, v18;
	v0 =	vor.u32 v2, v26;
	[tilespmem:v54+s23+$0x0] =	vst.idx.msk $0xffff, v9;
	v9 =	vld.idx.msk [tilespmem:v40+s23+$0x0], $0xffff  }
0x2e5: {  	v53 =	vmul.f32 v48, v22;
	[tilespmem:v58+s23+$0x0] =	vst.idx.msk $0xffff, v42;
	v61 =	vld.idx.msk [tilespmem:v60+s23+$0x0], $0xffff  }
0x2e6: {  	v41 =	vor.u32 v2, v25;
	[tilespmem:v55+s23+$0x0] =	vst.idx.msk $0xffff, v36;
	v55 =	vld.idx.msk [tilespmem:v50+s23+$0x0], $0xffff  }
0x2e7: {  	v38 =	vor.u32 v4, v32;
	v54 =	vmul.f32 v51, v21;
	[tilespmem:v1+s23+$0x0] =	vst.idx.msk $0xffff, v53;
	v1 =	vld.idx.msk [tilespmem:v39+s23+$0x0], $0xffff  }
0x2e8: {  	v47 =	vor.u32 v4, v29;
	v56 =	vmul.f32 v43, v14;
	v45 =	vld.idx.msk [tilespmem:v49+s23+$0x0], $0xffff  }
0x2e9: {  	v57 =	vor.u32 v4, v31;
	[tilespmem:v35+s23+$0x0] =	vst.idx.msk $0xffff, v54;
	v44 =	vld.idx.msk [tilespmem:v0+s23+$0x0], $0xffff;
	v9 =	vmul.f32 v9, v23  }
0x2ea: {  	v35 =	vor.u32 v4, v30;
	[tilespmem:v37+s23+$0x0] =	vst.idx.msk $0xffff, v56;
	v36 =	vmul.f32 v61, v15  }
0x2eb: {  	v48 =	vld.idx.msk [tilespmem:v41+s23+$0x0], $0xffff;
	v37 =	vor.u32 v4, v28;
	v34 =	vmul.f32 v55, v13;
	[tilespmem:v40+s23+$0x0] =	vst.idx.msk $0xffff, v9  }
0x2ec: {  	v58 =	vor.u32 v5, v33;
	v42 =	vld.idx.msk [tilespmem:v38+s23+$0x0], $0xffff;
	v1 =	vmul.f32 v1, v11;
	[tilespmem:v60+s23+$0x0] =	vst.idx.msk $0xffff, v36  }
0x2ed: {  	v59 =	vld.idx.msk [tilespmem:v47+s23+$0x0], $0xffff;
	[tilespmem:v50+s23+$0x0] =	vst.idx.msk $0xffff, v34;
	v45 =	vmul.f32 v45, v18  }
0x2ee: {  	v9 =	vor.u32 v20, v26;
	[tilespmem:v39+s23+$0x0] =	vst.idx.msk $0xffff, v1;
	v60 =	vld.idx.msk [tilespmem:v57+s23+$0x0], $0xffff;
	v44 =	vmul.f32 v44, v22  }
0x2ef: {  	v40 =	vor.u32 v20, v25;
	v1 =	vld.idx.msk [tilespmem:v35+s23+$0x0], $0xffff;
	[tilespmem:v49+s23+$0x0] =	vst.idx.msk $0xffff, v45  }
0x2f0: {  	v34 =	vor.u32 v5, v32;
	v50 =	vmul.f32 v48, v21;
	[tilespmem:v0+s23+$0x0] =	vst.idx.msk $0xffff, v44;
	v0 =	vld.idx.msk [tilespmem:v37+s23+$0x0], $0xffff  }
0x2f1: {  	v42 =	vmul.f32 v42, v14;
	v49 =	vor.u32 v5, v29;
	v61 =	vld.idx.msk [tilespmem:v58+s23+$0x0], $0xffff  }
0x2f2: {  	v48 =	vor.u32 v5, v30;
	[tilespmem:v41+s23+$0x0] =	vst.idx.msk $0xffff, v50;
	v36 =	vmul.f32 v59, v23  }
0x2f3: {  	v44 =	vor.u32 v5, v31;
	v53 =	vld.idx.msk [tilespmem:v9+s23+$0x0], $0xffff;
	[tilespmem:v38+s23+$0x0] =	vst.idx.msk $0xffff, v42;
	v55 =	vmul.f32 v60, v15  }
0x2f4: {  	v41 =	vor.u32 v6, v33;
	v54 =	vld.idx.msk [tilespmem:v40+s23+$0x0], $0xffff;
	v1 =	vmul.f32 v1, v13;
	[tilespmem:v47+s23+$0x0] =	vst.idx.msk $0xffff, v36  }
0x2f5: {  	v42 =	vor.u32 v5, v28;
	v56 =	vld.idx.msk [tilespmem:v34+s23+$0x0], $0xffff;
	[tilespmem:v57+s23+$0x0] =	vst.idx.msk $0xffff, v55;
	v0 =	vmul.f32 v0, v11  }
0x2f6: {  	v36 =	vor.u32 v4, v26;
	v57 =	vld.idx.msk [tilespmem:v49+s23+$0x0], $0xffff;
	[tilespmem:v35+s23+$0x0] =	vst.idx.msk $0xffff, v1;
	v46 =	vmul.f32 v61, v18  }
0x2f7: {  	v43 =	vor.u32 v4, v25;
	[tilespmem:v37+s23+$0x0] =	vst.idx.msk $0xffff, v0;
	v0 =	vld.idx.msk [tilespmem:v48+s23+$0x0], $0xffff  }
0x2f8: {  	v1 =	vmul.f32 v53, v22;
	[tilespmem:v58+s23+$0x0] =	vst.idx.msk $0xffff, v46;
	v58 =	vld.idx.msk [tilespmem:v44+s23+$0x0], $0xffff  }
0x2f9: {  	v35 =	vor.u32 v6, v32;
	v60 =	vmul.f32 v54, v21;
	v59 =	vld.idx.msk [tilespmem:v41+s23+$0x0], $0xffff  }
0x2fa: {  	v39 =	vor.u32 v6, v29;
	v61 =	vld.idx.msk [tilespmem:v42+s23+$0x0], $0xffff;
	[tilespmem:v9+s23+$0x0] =	vst.idx.msk $0xffff, v1;
	v1 =	vmul.f32 v56, v14  }
0x2fb: {  	v9 =	vor.u32 v6, v31;
	[tilespmem:v40+s23+$0x0] =	vst.idx.msk $0xffff, v60;
	v53 =	vld.idx.msk [tilespmem:v36+s23+$0x0], $0xffff;
	v38 =	vmul.f32 v57, v23  }
0x2fc: {  	v54 =	vor.u32 v7, v33;
	v55 =	vld.idx.msk [tilespmem:v43+s23+$0x0], $0xffff;
	[tilespmem:v34+s23+$0x0] =	vst.idx.msk $0xffff, v1;
	v0 =	vmul.f32 v0, v13  }
0x2fd: {  	[tilespmem:v49+s23+$0x0] =	vst.idx.msk $0xffff, v38;
	v38 =	vor.u32 v6, v28;
	v1 =	vmul.f32 v58, v15  }
0x2fe: {  	v34 =	vor.u32 v6, v30;
	v56 =	vld.idx.msk [tilespmem:v35+s23+$0x0], $0xffff;
	v47 =	vmul.f32 v59, v18;
	[tilespmem:v48+s23+$0x0] =	vst.idx.msk $0xffff, v0  }
0x2ff: {  	v49 =	vor.u32 v5, v25;
	v58 =	vmul.f32 v61, v11;
	[tilespmem:v44+s23+$0x0] =	vst.idx.msk $0xffff, v1;
	v1 =	vld.idx.msk [tilespmem:v39+s23+$0x0], $0xffff  }
0x300: {  	v0 =	vmul.f32 v53, v22;
	v44 =	vor.u32 v5, v26;
	[tilespmem:v41+s23+$0x0] =	vst.idx.msk $0xffff, v47;
	v57 =	vld.idx.msk [tilespmem:v9+s23+$0x0], $0xffff  }
0x301: {  	v45 =	vmul.f32 v55, v21;
	[tilespmem:v42+s23+$0x0] =	vst.idx.msk $0xffff, v58;
	v59 =	vld.idx.msk [tilespmem:v54+s23+$0x0], $0xffff  }
0x302: {  	v37 =	vor.u32 v7, v32;
	[tilespmem:v36+s23+$0x0] =	vst.idx.msk $0xffff, v0;
	v61 =	vld.idx.msk [tilespmem:v38+s23+$0x0], $0xffff  }
0x303: {  	v60 =	vld.idx.msk [tilespmem:v34+s23+$0x0], $0xffff;
	v47 =	vor.u32 v7, v29;
	v0 =	vmul.f32 v56, v14;
	[tilespmem:v43+s23+$0x0] =	vst.idx.msk $0xffff, v45  }
0x304: {  	v46 =	vor.u32 v7, v31;
	v43 =	vld.idx.msk [tilespmem:v49+s23+$0x0], $0xffff;
	v1 =	vmul.f32 v1, v23  }
0x305: {  	v33 =	vor.u32 v8, v33;
	[tilespmem:v35+s23+$0x0] =	vst.idx.msk $0xffff, v0;
	v36 =	vld.idx.msk [tilespmem:v44+s23+$0x0], $0xffff;
	v0 =	vmul.f32 v57, v15  }
0x306: {  	v41 =	vor.u32 v7, v30;
	v50 =	vmul.f32 v59, v18;
	[tilespmem:v39+s23+$0x0] =	vst.idx.msk $0xffff, v1  }
0x307: {  	v53 =	vld.idx.msk [tilespmem:v37+s23+$0x0], $0xffff;
	v1 =	vor.u32 v7, v28;
	v55 =	vmul.f32 v61, v11;
	[tilespmem:v9+s23+$0x0] =	vst.idx.msk $0xffff, v0  }
0x308: {  	v39 =	vor.u32 v6, v25;
	v0 =	vld.idx.msk [tilespmem:v47+s23+$0x0], $0xffff;
	v9 =	vmul.f32 v60, v13;
	[tilespmem:v54+s23+$0x0] =	vst.idx.msk $0xffff, v50  }
0x309: {  	v35 =	vor.u32 v6, v26;
	v58 =	vmul.f32 v43, v21;
	v54 =	vld.idx.msk [tilespmem:v46+s23+$0x0], $0xffff;
	[tilespmem:v38+s23+$0x0] =	vst.idx.msk $0xffff, v55  }
0x30a: {  	v56 =	vld.idx.msk [tilespmem:v33+s23+$0x0], $0xffff;
	[tilespmem:v34+s23+$0x0] =	vst.idx.msk $0xffff, v9;
	v9 =	vmul.f32 v36, v22;
	v36 =	vor.u32 v8, v32  }
0x30b: {  	[tilespmem:v49+s23+$0x0] =	vst.idx.msk $0xffff, v58;
	v57 =	vld.idx.msk [tilespmem:v41+s23+$0x0], $0xffff  }
0x30c: {  	v34 =	vor.u32 v8, v29;
	v29 =	vld.idx.msk [tilespmem:v1+s23+$0x0], $0xffff;
	[tilespmem:v44+s23+$0x0] =	vst.idx.msk $0xffff, v9;
	v9 =	vmul.f32 v53, v14  }
0x30d: {  	v38 =	vor.u32 v8, v31;
	v59 =	vld.idx.msk [tilespmem:v39+s23+$0x0], $0xffff  }
0x30e: {  	v31 =	vld.idx.msk [tilespmem:v35+s23+$0x0], $0xffff;
	v0 =	vmul.f32 v0, v23;
	[tilespmem:v37+s23+$0x0] =	vst.idx.msk $0xffff, v9  }
0x30f: {  	v9 =	vmul.f32 v54, v15;
	v37 =	vor.u32 v8, v30;
	v60 =	vld.idx.msk [tilespmem:v36+s23+$0x0], $0xffff  }
0x310: {  	v61 =	vmul.f32 v56, v18;
	[tilespmem:v47+s23+$0x0] =	vst.idx.msk $0xffff, v0  }
0x311: {  	[tilespmem:v46+s23+$0x0] =	vst.idx.msk $0xffff, v9;
	v30 =	vld.idx.msk [tilespmem:v34+s23+$0x0], $0xffff;
	v0 =	vmul.f32 v57, v13  }
0x312: {  	v42 =	vor.u32 v8, v28;
	[tilespmem:v33+s23+$0x0] =	vst.idx.msk $0xffff, v61;
	v45 =	vld.idx.msk [tilespmem:v38+s23+$0x0], $0xffff;
	v9 =	vmul.f32 v29, v11  }
0x313: {  	v44 =	vor.u32 v7, v25;
	v28 =	vmul.f32 v59, v21;
	v33 =	vld.idx.msk [tilespmem:v27+s22+$0x0], $0xffff;
	[tilespmem:v41+s23+$0x0] =	vst.idx.msk $0xffff, v0  }
0x314: {  	s29 =	simm.s32 $0x8;
	v47 =	vmul.f32 v31, v22;
	[tilespmem:v1+s23+$0x0] =	vst.idx.msk $0xffff, v9;
	v46 =	vld.idx.msk [tilespmem:v37+s23+$0x0], $0xffff;
	v27 =	vmul.f32 v60, v14  }
.LBB2_9:
0x315: {  	_ =	sdelay $0x2  }
0x316: {  	v1 =	vld.idx.msk [tilespmem:v42+s23+$0x0], $0xffff  }
0x317: {  	v40 =	vmov s29;
	s2 =	sadd.s32 $0x6, s29;
	v4 =	vld [tilespmem:$0x1FFE0]  }
0x318: {  	[tilespmem:v39+s23+$0x0] =	vst.idx.msk $0xffff, v28;
	v41 =	vmov s2;
	v28 =	vmov v26;
	v26 =	vld [tilespmem:$0x1FFD0]  }
0x319: {  	s3 =	sadd.s32 $0x7, s29;
	s11 =	smov.u32 s29;
	[tilespmem:v36+s23+$0x0] =	vst.idx.msk $0xffff, v27;
	v31 =	vld.idx.msk [tilespmem:v44+s23+$0x0], $0xffff  }
0x31a: {  	v48 =	vmov s3;
	s3 =	sadd.s32 $0x3, s11;
	v50 =	vld.idx.msk [tilespmem:v3+s22+$0x0], $0xffff  }
0x31b: {  	v3 =	vmov s3;
	v0 =	vmul.f32 v30, v23;
	[tilespmem:v33+s10+$0x0] =	vst.idx.add.f32.msk $0x1, v18  }
0x31c: {  	v12 =	vlaneseq.u32;
	v27 =	vshll.u32 v41, $0x7;
	v18 =	vmul.f32 v45, v15;
	v39 =	vld.idx.msk [tilespmem:v40+s20+$0x0], $0xffff  }
0x31d: {  	s1 =	sadd.s32 $0x1, s29;
	v54 =	vor.u32 v12, v27;
	[tilespmem:v34+s23+$0x0] =	vst.idx.msk $0xffff, v0;
	v29 =	vld.idx.msk [tilespmem:v41+s20+$0x0], $0xffff  }
0x31e: {  	v36 =	vshll.u32 v3, $0x7;
	v30 =	vmov s1;
	[tilespmem:v38+s23+$0x0] =	vst.idx.msk $0xffff, v18;
	v0 =	vld.idx.msk [tilespmem:v16+s22+$0x0], $0xffff  }
0x31f: {  	s30 =	sadd.s32 $0x4, s11;
	v51 =	vor.u32 v12, v36;
	v33 =	vshll.u32 v48, $0x7;
	v1 =	vmul.f32 v1, v11;
	v53 =	vld.idx.msk [tilespmem:v17+s22+$0x0], $0xffff  }
0x320: {  	s19 =	sadd.s32 $0x2, s11;
	v49 =	vmov s30;
	[tilespmem:$0x1FF20] =	vst v3;
	v55 =	vor.u32 v12, v33;
	v18 =	vld.idx.msk [tilespmem:v3+s20+$0x0], $0xffff  }
0x321: {  	v32 =	vshll.u32 v49, $0x7;
	v24 =	vmul.f32 v46, v13;
	v17 =	vmovc v49;
	v49 =	vld.idx.msk [tilespmem:v48+s20+$0x0], $0xffff;
	v3 =	vmov s19;
	[tilespmem:v42+s23+$0x0] =	vst.idx.msk $0xffff, v1  }
0x322: {  	[tilespmem:v35+s23+$0x0] =	vst.idx.msk $0xffff, v47;
	s30 =	sadd.s32 $0x5, s11;
	v61 =	vmul.f32 v31, v21;
	v42 =	vld.idx.msk [tilespmem:v54+s23+$0x0], $0xffff  }
0x323: {  	v16 =	vmov s30;
	[tilespmem:v37+s23+$0x0] =	vst.idx.msk $0xffff, v24;
	v31 =	vld.idx.msk [tilespmem:v30+s20+$0x0], $0xffff  }
0x324: {  	v34 =	vshll.u32 v16, $0x7;
	[tilespmem:v44+s23+$0x0] =	vst.idx.msk $0xffff, v61;
	v44 =	vld.idx.msk [tilespmem:v51+s23+$0x0], $0xffff  }
0x325: {  	[tilespmem:$0x1FF10] =	vst v52;
	v52 =	vor.u32 v12, v34;
	v58 =	vld.idx.msk [tilespmem:v55+s23+$0x0], $0xffff  }
0x326: {  	v59 =	vld.idx.msk [tilespmem:v3+s20+$0x0], $0xffff  }
0x327: {  	v57 =	vor.u32 v12, v32;
	v61 =	vld.idx.msk [tilespmem:v17+s20+$0x0], $0xffff;
	v42 =	vmul.f32 v42, v29  }
0x328: {  	v56 =	vor.u32 v2, v36;
	v37 =	vshll.u32 v3, $0x7;
	[tilespmem:v0+s10+$0x0] =	vst.idx.add.f32.msk $0x1, v23  }
0x329: {  	v0 =	vor.u32 v12, v37;
	v23 =	vmul.f32 v44, v18;
	[tilespmem:v54+s23+$0x0] =	vst.idx.msk $0xffff, v42;
	v54 =	vld [tilespmem:$0x1FF40]  }
0x32a: {  	[tilespmem:$0x1FF30] =	vst v11;
	v11 =	vmov v62;
	v62 =	vor.u32 v2, v27;
	v1 =	vld.idx.msk [tilespmem:v52+s23+$0x0], $0xffff  }
0x32b: {  	[tilespmem:v51+s23+$0x0] =	vst.idx.msk $0xffff, v23;
	v23 =	vld.idx.msk [tilespmem:v16+s20+$0x0], $0xffff  }
0x32c: {  	v9 =	vshll.u32 v40, $0x7;
	v35 =	vshll.u32 v30, $0x7;
	v51 =	vld.idx.msk [tilespmem:v57+s23+$0x0], $0xffff  }
0x32d: {  	v43 =	vor.u32 v12, v9;
	v12 =	vor.u32 v12, v35;
	v19 =	vld.idx.msk [tilespmem:v56+s23+$0x0], $0xffff  }
0x32e: {  	v24 =	vmov v22;
	v22 =	vmov v63;
	v63 =	vld.idx.msk [tilespmem:v0+s23+$0x0], $0xffff  }
0x32f: {  	v10 =	vor.u32 v2, v33;
	v42 =	vmov v48;
	v48 =	vld.idx.msk [tilespmem:v62+s23+$0x0], $0xffff  }
0x330: {  	v47 =	vor.u32 v26, v36;
	v60 =	vor.u32 v2, v34;
	[tilespmem:v53+s10+$0x0] =	vst.idx.add.f32.msk $0x1, v15  }
0x331: {  	v20 =	vor.u32 v2, v37;
	v58 =	vmul.f32 v58, v49;
	[tilespmem:v50+s10+$0x0] =	vst.idx.add.f32.msk $0x1, v14  }
0x332: {  	v15 =	vmov v61;
	[tilespmem:$0x1FF40] =	vst v42;
	v14 =	vmov v59;
	v50 =	vld.idx.msk [tilespmem:v12+s23+$0x0], $0xffff;
	v19 =	vmul.f32 v19, v18  }
0x333: {  	v1 =	vmul.f32 v1, v23;
	v54 =	vld.idx.msk [tilespmem:v54+s22+$0x0], $0xffff;
	[tilespmem:v55+s23+$0x0] =	vst.idx.msk $0xffff, v58;
	v42 =	vmul.f32 v63, v59  }
0x334: {  	v63 =	vor.u32 v2, v32;
	[tilespmem:v56+s23+$0x0] =	vst.idx.msk $0xffff, v19;
	v19 =	vmul.f32 v48, v29;
	v59 =	vld.idx.msk [tilespmem:v43+s23+$0x0], $0xffff  }
0x335: {  	v48 =	vor.u32 v2, v35;
	v56 =	vld.idx.msk [tilespmem:v47+s23+$0x0], $0xffff;
	[tilespmem:v0+s23+$0x0] =	vst.idx.msk $0xffff, v42;
	v0 =	vmul.f32 v51, v15  }
0x336: {  	v45 =	vor.u32 v2, v9;
	[tilespmem:v52+s23+$0x0] =	vst.idx.msk $0xffff, v1;
	v61 =	vld.idx.msk [tilespmem:v20+s23+$0x0], $0xffff  }
0x337: {  	v52 =	vor.u32 v8, v25;
	v50 =	vmul.f32 v50, v31;
	[tilespmem:v57+s23+$0x0] =	vst.idx.msk $0xffff, v0;
	v0 =	vld.idx.msk [tilespmem:v60+s23+$0x0], $0xffff  }
0x338: {  	v46 =	vor.u32 v26, v34;
	v44 =	vor.u32 v26, v9;
	v51 =	vor.u32 v26, v27;
	v57 =	vld.idx.msk [tilespmem:v10+s23+$0x0], $0xffff  }
0x339: {  	v55 =	vor.u32 v26, v37;
	v25 =	vmov v9;
	[tilespmem:v12+s23+$0x0] =	vst.idx.msk $0xffff, v50;
	v9 =	vld.idx.msk [tilespmem:v63+s23+$0x0], $0xffff  }
0x33a: {  	v58 =	vor.u32 v4, v36;
	[tilespmem:v62+s23+$0x0] =	vst.idx.msk $0xffff, v19;
	v50 =	vld.idx.msk [tilespmem:v48+s23+$0x0], $0xffff;
	v56 =	vmul.f32 v56, v18  }
0x33b: {  	v1 =	vor.u32 v26, v33;
	[tilespmem:v54+s10+$0x0] =	vst.idx.add.f32.msk $0x1, v13;
	v61 =	vmul.f32 v61, v14  }
0x33c: {  	v13 =	vmov v49;
	v54 =	vld.idx.msk [tilespmem:v52+s23+$0x0], $0xffff;
	[tilespmem:v47+s23+$0x0] =	vst.idx.msk $0xffff, v56;
	v0 =	vmul.f32 v0, v23  }
0x33d: {  	v53 =	vor.u32 v26, v32;
	v57 =	vmul.f32 v57, v13;
	[tilespmem:v20+s23+$0x0] =	vst.idx.msk $0xffff, v61;
	v61 =	vld.idx.msk [tilespmem:v51+s23+$0x0], $0xffff  }
0x33e: {  	v9 =	vmul.f32 v9, v15;
	v49 =	vld.idx.msk [tilespmem:v55+s23+$0x0], $0xffff;
	[tilespmem:v60+s23+$0x0] =	vst.idx.msk $0xffff, v0  }
0x33f: {  	v60 =	vld.idx.msk [tilespmem:v58+s23+$0x0], $0xffff;
	[tilespmem:v10+s23+$0x0] =	vst.idx.msk $0xffff, v57  }
0x340: {  	v42 =	vor.u32 v4, v25;
	[tilespmem:v63+s23+$0x0] =	vst.idx.msk $0xffff, v9;
	v9 =	vld.idx.msk [tilespmem:v46+s23+$0x0], $0xffff  }
0x341: {  	v12 =	vor.u32 v4, v34;
	v20 =	vor.u32 v4, v27;
	v10 =	vmul.f32 v54, v21;
	v19 =	vld.idx.msk [tilespmem:v1+s23+$0x0], $0xffff  }
0x342: {  	v54 =	vmul.f32 v59, v39;
	v57 =	vor.u32 v4, v37;
	v59 =	vor.u32 v5, v36;
	v47 =	vld.idx.msk [tilespmem:v53+s23+$0x0], $0xffff  }
0x343: {  	v62 =	vmov v41;
	v63 =	vmov v40;
	v40 =	vld.idx.msk [tilespmem:v11+s22+$0x0], $0xffff;
	[tilespmem:v52+s23+$0x0] =	vst.idx.msk $0xffff, v10;
	v10 =	vmul.f32 v49, v14  }
0x344: {  	v0 =	vor.u32 v4, v33;
	v52 =	vld.idx.msk [tilespmem:v22+s22+$0x0], $0xffff;
	[tilespmem:v43+s23+$0x0] =	vst.idx.msk $0xffff, v54;
	v60 =	vmul.f32 v60, v18  }
0x345: {  	v54 =	vor.u32 v4, v35;
	v41 =	vld.idx.msk [tilespmem:v45+s23+$0x0], $0xffff;
	v9 =	vmul.f32 v9, v23;
	[tilespmem:v55+s23+$0x0] =	vst.idx.msk $0xffff, v10  }
0x346: {  	v49 =	vor.u32 v4, v32;
	v4 =	vld [tilespmem:$0x1FF10];
	v19 =	vmul.f32 v19, v13;
	[tilespmem:v58+s23+$0x0] =	vst.idx.msk $0xffff, v60  }
0x347: {  	v10 =	vmul.f32 v47, v15;
	v47 =	vld.idx.msk [tilespmem:v57+s23+$0x0], $0xffff;
	[tilespmem:v46+s23+$0x0] =	vst.idx.msk $0xffff, v9  }
0x348: {  	v50 =	vmul.f32 v50, v31;
	v60 =	vld.idx.msk [tilespmem:v59+s23+$0x0], $0xffff;
	[tilespmem:v1+s23+$0x0] =	vst.idx.msk $0xffff, v19  }
0x349: {  	v56 =	vor.u32 v26, v35;
	v58 =	vmul.f32 v61, v29;
	[tilespmem:v53+s23+$0x0] =	vst.idx.msk $0xffff, v10;
	v10 =	vld.idx.msk [tilespmem:v12+s23+$0x0], $0xffff  }
0x34a: {  	[tilespmem:v48+s23+$0x0] =	vst.idx.msk $0xffff, v50;
	v19 =	vld.idx.msk [tilespmem:v0+s23+$0x0], $0xffff  }
0x34b: {  	v1 =	vor.u32 v5, v37;
	[tilespmem:v51+s23+$0x0] =	vst.idx.msk $0xffff, v58;
	v41 =	vmul.f32 v41, v39;
	v46 =	vld.idx.msk [tilespmem:v49+s23+$0x0], $0xffff  }
0x34c: {  	v38 =	vor.u32 v5, v34;
	[tilespmem:v52+s10+$0x0] =	vst.idx.add.f32.msk $0x1, v21  }
0x34d: {  	v61 =	vld.idx.msk [tilespmem:v20+s23+$0x0], $0xffff;
	[tilespmem:v45+s23+$0x0] =	vst.idx.msk $0xffff, v41;
	v41 =	vor.u32 v6, v36;
	v47 =	vmul.f32 v47, v14  }
0x34e: {  	v50 =	vor.u32 v5, v32;
	v58 =	vld.idx.msk [tilespmem:v56+s23+$0x0], $0xffff;
	v10 =	vmul.f32 v10, v23  }
0x34f: {  	v9 =	vor.u32 v5, v33;
	v45 =	vld.idx.msk [tilespmem:v44+s23+$0x0], $0xffff;
	v60 =	vmul.f32 v60, v18;
	[tilespmem:v57+s23+$0x0] =	vst.idx.msk $0xffff, v47  }
0x350: {  	v43 =	vor.u32 v5, v27;
	v46 =	vmul.f32 v46, v15;
	v47 =	vld.idx.msk [tilespmem:v1+s23+$0x0], $0xffff;
	[tilespmem:v12+s23+$0x0] =	vst.idx.msk $0xffff, v10  }
0x351: {  	[tilespmem:v59+s23+$0x0] =	vst.idx.msk $0xffff, v60;
	v12 =	vmul.f32 v19, v13;
	v19 =	vor.u32 v7, v28;
	v10 =	vld.idx.msk [tilespmem:v38+s23+$0x0], $0xffff  }
0x352: {  	v48 =	vmul.f32 v61, v29;
	[tilespmem:v49+s23+$0x0] =	vst.idx.msk $0xffff, v46;
	v61 =	vld.idx.msk [tilespmem:v41+s23+$0x0], $0xffff  }
0x353: {  	v21 =	vmov v39;
	v46 =	vld.idx.msk [tilespmem:v50+s23+$0x0], $0xffff;
	[tilespmem:v0+s23+$0x0] =	vst.idx.msk $0xffff, v12;
	v0 =	vmul.f32 v58, v31  }
0x354: {  	[tilespmem:v20+s23+$0x0] =	vst.idx.msk $0xffff, v48;
	v12 =	vor.u32 v6, v37;
	v55 =	vmul.f32 v45, v21;
	v20 =	vld.idx.msk [tilespmem:v9+s23+$0x0], $0xffff  }
0x355: {  	v45 =	vor.u32 v6, v34;
	v48 =	vld.idx.msk [tilespmem:v43+s23+$0x0], $0xffff;
	[tilespmem:v56+s23+$0x0] =	vst.idx.msk $0xffff, v0;
	v0 =	vmul.f32 v47, v14  }
0x356: {  	[tilespmem:v44+s23+$0x0] =	vst.idx.msk $0xffff, v55;
	v44 =	vor.u32 v7, v36;
	v56 =	vld.idx.msk [tilespmem:v19+s23+$0x0], $0xffff;
	v10 =	vmul.f32 v10, v23  }
0x357: {  	v47 =	vor.u32 v6, v32;
	v57 =	vld.idx.msk [tilespmem:v54+s23+$0x0], $0xffff;
	v49 =	vmul.f32 v61, v18;
	[tilespmem:v1+s23+$0x0] =	vst.idx.msk $0xffff, v0  }
0x358: {  	v52 =	vld.idx.msk [tilespmem:v42+s23+$0x0], $0xffff;
	v0 =	vmul.f32 v46, v15;
	v1 =	vor.u32 v6, v33;
	[tilespmem:v38+s23+$0x0] =	vst.idx.msk $0xffff, v10  }
0x359: {  	v58 =	vld.idx.msk [tilespmem:v12+s23+$0x0], $0xffff;
	v10 =	vor.u32 v6, v27;
	v20 =	vmul.f32 v20, v13;
	[tilespmem:v41+s23+$0x0] =	vst.idx.msk $0xffff, v49  }
0x35a: {  	v59 =	vmul.f32 v48, v29;
	v38 =	vor.u32 v8, v28;
	[tilespmem:v50+s23+$0x0] =	vst.idx.msk $0xffff, v0;
	v0 =	vld.idx.msk [tilespmem:v45+s23+$0x0], $0xffff  }
0x35b: {  	v50 =	vor.u32 v5, v35;
	v49 =	vld.idx.msk [tilespmem:v44+s23+$0x0], $0xffff;
	[tilespmem:v9+s23+$0x0] =	vst.idx.msk $0xffff, v20;
	v9 =	vmul.f32 v56, v24  }
0x35c: {  	v48 =	vor.u32 v5, v25;
	[tilespmem:v43+s23+$0x0] =	vst.idx.msk $0xffff, v59;
	v26 =	vld.idx.msk [tilespmem:v47+s23+$0x0], $0xffff;
	v20 =	vmul.f32 v57, v31  }
0x35d: {  	v51 =	vor.u32 v7, v37;
	v61 =	vmul.f32 v52, v21;
	v60 =	vld.idx.msk [tilespmem:v1+s23+$0x0], $0xffff;
	[tilespmem:v19+s23+$0x0] =	vst.idx.msk $0xffff, v9  }
0x35e: {  	v43 =	vor.u32 v7, v34;
	v56 =	vld.idx.msk [tilespmem:v10+s23+$0x0], $0xffff;
	[tilespmem:v54+s23+$0x0] =	vst.idx.msk $0xffff, v20;
	v9 =	vmul.f32 v58, v14  }
0x35f: {  	v19 =	vor.u32 v7, v32;
	[tilespmem:v42+s23+$0x0] =	vst.idx.msk $0xffff, v61;
	v20 =	vld.idx.msk [tilespmem:v38+s23+$0x0], $0xffff;
	v0 =	vmul.f32 v0, v23  }
0x360: {  	v42 =	vor.u32 v8, v36;
	v57 =	vld.idx.msk [tilespmem:v50+s23+$0x0], $0xffff;
	v59 =	vmul.f32 v49, v18;
	[tilespmem:v12+s23+$0x0] =	vst.idx.msk $0xffff, v9  }
0x361: {  	v58 =	vld.idx.msk [tilespmem:v48+s23+$0x0], $0xffff;
	v9 =	vmul.f32 v26, v15;
	v12 =	vor.u32 v7, v33;
	[tilespmem:v45+s23+$0x0] =	vst.idx.msk $0xffff, v0  }
0x362: {  	v53 =	vld.idx.msk [tilespmem:v51+s23+$0x0], $0xffff;
	v0 =	vor.u32 v7, v27;
	[tilespmem:v44+s23+$0x0] =	vst.idx.msk $0xffff, v59;
	v60 =	vmul.f32 v60, v13  }
0x363: {  	[tilespmem:v47+s23+$0x0] =	vst.idx.msk $0xffff, v9;
	v9 =	vld.idx.msk [tilespmem:v43+s23+$0x0], $0xffff;
	v55 =	vmul.f32 v56, v29  }
0x364: {  	v39 =	vor.u32 v6, v25;
	v61 =	vld.idx.msk [tilespmem:v19+s23+$0x0], $0xffff;
	[tilespmem:v1+s23+$0x0] =	vst.idx.msk $0xffff, v60;
	v1 =	vmul.f32 v20, v24  }
0x365: {  	v26 =	vmov v35;
	v56 =	vld.idx.msk [tilespmem:v42+s23+$0x0], $0xffff;
	v20 =	vmul.f32 v57, v31;
	[tilespmem:v10+s23+$0x0] =	vst.idx.msk $0xffff, v55  }
0x366: {  	v35 =	vor.u32 v6, v26;
	v10 =	vld.idx.msk [tilespmem:v12+s23+$0x0], $0xffff;
	[tilespmem:v38+s23+$0x0] =	vst.idx.msk $0xffff, v1  }
0x367: {  	v36 =	vor.u32 v8, v37;
	v57 =	vmul.f32 v58, v21;
	v58 =	vld.idx.msk [tilespmem:v0+s23+$0x0], $0xffff;
	[tilespmem:v50+s23+$0x0] =	vst.idx.msk $0xffff, v20  }
0x368: {  	v34 =	vor.u32 v8, v34;
	v20 =	vld.idx.msk [tilespmem:v4+s22+$0x0], $0xffff  }
0x369: {  	v1 =	vmul.f32 v53, v14;
	[tilespmem:v48+s23+$0x0] =	vst.idx.msk $0xffff, v57;
	v4 =	vld [tilespmem:$0x1FF20]  }
0x36a: {  	v38 =	vor.u32 v8, v32;
	v9 =	vmul.f32 v9, v23;
	v48 =	vld.idx.msk [tilespmem:v39+s23+$0x0], $0xffff  }
0x36b: {  	v37 =	vor.u32 v8, v33;
	v59 =	vld.idx.msk [tilespmem:v35+s23+$0x0], $0xffff;
	[tilespmem:v51+s23+$0x0] =	vst.idx.msk $0xffff, v1;
	v1 =	vmul.f32 v61, v15  }
0x36c: {  	v60 =	vld.idx.msk [tilespmem:v36+s23+$0x0], $0xffff;
	[tilespmem:v43+s23+$0x0] =	vst.idx.msk $0xffff, v9;
	v9 =	vmul.f32 v58, v29  }
0x36d: {  	v52 =	vmov v30;
	[tilespmem:v19+s23+$0x0] =	vst.idx.msk $0xffff, v1;
	v30 =	vld.idx.msk [tilespmem:v34+s23+$0x0], $0xffff;
	v1 =	vmul.f32 v10, v13  }
0x36e: {  	p1 =	slt.u32 s29, $0x28;
	v61 =	vmul.f32 v56, v18;
	[tilespmem:v0+s23+$0x0] =	vst.idx.msk $0xffff, v9;
	v0 =	vld [tilespmem:$0x1FF30]  }
.Ltmp5:
0x36f: {  	v45 =	vld.idx.msk [tilespmem:v38+s23+$0x0], $0xffff;
	[tilespmem:v12+s23+$0x0] =	vst.idx.msk $0xffff, v1;
	(pc) =	sbr.rel @p1 .LBB2_9-.Ltmp5, $4  }
0x370: {  	[tilespmem:v42+s23+$0x0] =	vst.idx.msk $0xffff, v61;
	v46 =	vld.idx.msk [tilespmem:v37+s23+$0x0], $0xffff  }
0x371: {  	v44 =	vor.u32 v7, v25;
	v33 =	vld.idx.msk [tilespmem:v4+s22+$0x0], $0xffff  }
0x372: {  	s26 =	sadd.s32 $0x8, s29;
	v11 =	vmov v29;
	v42 =	vor.u32 v8, v27;
	v28 =	vmul.f32 v48, v21;
	[tilespmem:v20+s10+$0x0] =	vst.idx.add.f32.msk $0x1, v24  }
0x373: {  	s29 =	smov.u32 s26;
	v22 =	vmov v31;
	v47 =	vmul.f32 v59, v31;
	v27 =	vmul.f32 v60, v14;
	[tilespmem:v40+s10+$0x0] =	vst.idx.add.f32.msk $0x1, v0  }
0x374: {  	_ =	sdelay $0x1  }
0x375: {  	v0 =	vor.u32 v7, v26;
	_ =	sdelay $0x1  }
0x376: {  	[tilespmem:v39+s23+$0x0] =	vst.idx.msk $0xffff, v28  }
0x377: {  	v1 =	vld.idx.msk [tilespmem:v44+s23+$0x0], $0xffff  }
0x378: {  	[tilespmem:v35+s23+$0x0] =	vst.idx.msk $0xffff, v47  }
0x379: {  	v9 =	vld.idx.msk [tilespmem:v0+s23+$0x0], $0xffff;
	_ =	sdelay $0x2  }
0x37a: {  	v1 =	vmul.f32 v1, v21  }
0x37b: {  	v10 =	vor.u32 v8, v25  }
0x37c: {  	[tilespmem:v44+s23+$0x0] =	vst.idx.msk $0xffff, v1;
	v1 =	vmul.f32 v9, v22  }
0x37d: {  	v12 =	vor.u32 v8, v26  }
0x37e: {  	[tilespmem:v0+s23+$0x0] =	vst.idx.msk $0xffff, v1;
	v0 =	vmul.f32 v45, v15  }
0x37f: {  	v19 =	vmul.f32 v30, v23;
	[tilespmem:v36+s23+$0x0] =	vst.idx.msk $0xffff, v27  }
0x380: {  	v9 =	vld.idx.msk [tilespmem:v10+s23+$0x0], $0xffff;
	[tilespmem:v38+s23+$0x0] =	vst.idx.msk $0xffff, v0;
	v0 =	vmul.f32 v46, v13  }
0x381: {  	v20 =	vld.idx.msk [tilespmem:v42+s23+$0x0], $0xffff;
	[tilespmem:v34+s23+$0x0] =	vst.idx.msk $0xffff, v19  }
0x382: {  	v1 =	vld.idx.msk [tilespmem:v12+s23+$0x0], $0xffff;
	[tilespmem:v37+s23+$0x0] =	vst.idx.msk $0xffff, v0  }
0x383: {  	v0 =	vld [tilespmem:$0x1FF40];
	_ =	sdelay $0x1  }
0x384: {  	v16 =	vld.idx.msk [tilespmem:v16+s22+$0x0], $0xffff;
	v9 =	vmul.f32 v9, v21  }
0x385: {  	v61 =	vld.idx.msk [tilespmem:v3+s22+$0x0], $0xffff;
	v20 =	vmul.f32 v20, v11  }
0x386: {  	v17 =	vld.idx.msk [tilespmem:v17+s22+$0x0], $0xffff;
	[tilespmem:v10+s23+$0x0] =	vst.idx.msk $0xffff, v9;
	v1 =	vmul.f32 v1, v22  }
0x387: {  	[tilespmem:v42+s23+$0x0] =	vst.idx.msk $0xffff, v20;
	v9 =	vld.idx.msk [tilespmem:v63+s22+$0x0], $0xffff  }
0x388: {  	v10 =	vld.idx.msk [tilespmem:v62+s22+$0x0], $0xffff;
	[tilespmem:v12+s23+$0x0] =	vst.idx.msk $0xffff, v1  }
0x389: {  	v1 =	vld.idx.msk [tilespmem:v52+s22+$0x0], $0xffff  }
0x38a: {  	v0 =	vld.idx.msk [tilespmem:v0+s22+$0x0], $0xffff  }
0x38b: {  	[tilespmem:v33+s10+$0x0] =	vst.idx.add.f32.msk $0x1, v18  }
0x38c: {  	[tilespmem:v16+s10+$0x0] =	vst.idx.add.f32.msk $0x1, v23  }
0x38d: {  	[tilespmem:v61+s10+$0x0] =	vst.idx.add.f32.msk $0x1, v14  }
0x38e: {  	[tilespmem:v17+s10+$0x0] =	vst.idx.add.f32.msk $0x1, v15  }
.Ltmp6:
0x38f: {  	[tilespmem:v9+s10+$0x0] =	vst.idx.add.f32.msk $0x1, v21;
	(pc) =	sbr.rel @p0 .LBB2_12-.Ltmp6, $4  }
0x390: {  	[tilespmem:v10+s10+$0x0] =	vst.idx.add.f32.msk $0x1, v11  }
0x391: {  	[tilespmem:v1+s10+$0x0] =	vst.idx.add.f32.msk $0x1, v22  }
0x392: {  	s1 =	rddreg [dreg:$0x2];
	[tilespmem:v0+s10+$0x0] =	vst.idx.add.f32.msk $0x1, v13  }
0x393: {  	[spmem:s1] =	stream.indirect.scatter.add.f32 [tilespmem:s23], [sflag:$0x6], $0x80, s22, s15, $0xb8;
	[tilespmem:$0x1FE80] =	vst v63  }
0x394: {  	s1 =	sadd.s32 $0x200, s4  }
0x395: {  	s2 =	sand.u32 $0x1FC00, s1  }
0x396: {  	s1 =	sand.u32 $0x380, s1;
	s2 =	sadd.s32 s12, s2  }
0x397: {  	_ =	swait.ge [sflag:s28], $0x1800;
	s1 =	sor.u32 s1, s2  }
0x398: {  	[sflag:s28] =	ssyncset.done $0x0;
	s1 =	sshrl.u32 s1, $0x3  }
0x399: {  	s3 =	simm.s32 $0x0;
	[sflag:s28] =	ssyncadd.s32 $0xFFFFE800;
	s29 =	sadd.s32 s5, s1  }
0x39a: {  	[tilespmem:s16], [sflag:$0x7] =	stream.linear.gather [hbm4b:s29+s3], $0x80, $0x38;
	[tilespmem:$0x1FE80] =	vst v63  }
0x39b: {  	_ =	swait.ge [sflag:s8], $0x80  }
0x39c: {  	[sflag:s8] =	ssyncset.done $0x0  }
0x39d: {  	s1 =	sadd.s32 s6, s1;
	[sflag:s8] =	ssyncadd.s32 $0xFFFFFF80  }
0x39e: {  	[tilespmem:s17], [sflag:$0x7] =	stream.linear.gather [hbm4b:s1+s3], $0x80, $0x38;
	[tilespmem:$0x1FE80] =	vst v63  }
.Ltmp7:
0x39f: {  	_ =	swait.ge [sflag:s8], $0x80;
	(pc) =	sbr.rel .LBB2_4-.Ltmp7, $4  }
0x3a0: {  	[sflag:s8] =	ssyncset.done $0x0  }
0x3a1: {  	[sflag:s8] =	ssyncadd.s32 $0xFFFFFF80  }
0x3a2: {  	s0 =	sadd.s32 $0x1, s0;
	s30 =	rddreg [dreg:$0x1]  }
0x3a3: {  	v0 =	vlaneseq.u32;
	[tilespmem:s18], [sflag:$0x2] =	stream.indirect.gather [hbm4b:s30+s15], $0x80, s16, s15, $0xb8;
	[tilespmem:$0x1FE80] =	vst v63  }
.LBB2_13:
0x3a4: {  	_ =	sfence.sel $0x180000  }
0x3a5: {  	[bflag:$0x0] =	sbarrier.arrive $0xFFFF  }
0x3a6: {  	_ =	strace $0x90000047  }
0x3a7: {  	s0 =	stileid.u32;
	[bflag:$0x2] =	sbarrier.arrive $0xFFFF  }
0x3a8: {  	p0 =	sne.s32 s0, $0x0;
	s0 =	rddreg [dreg:$0x3]  }
0x3a9: {  	s0 =	sadd.s32 @!p0 $0x100000, s0  }
0x3aa: {  	[sflag:s0] =	ssyncadd.tile.s32 @!p0 $0x1;
	_ =	shalt  }
.Lfunc_end2:
_tile_overlayer_lowered:
.L_overlay_start_2:
0x3ab: {  	(tag) =	ssettag $0x2  }
0x3ac: {  	s0 =	rddreg [dreg:$0x0];
	s2 =	stileid.u32  }
0x3ad: {  	s1 =	rddreg [dreg:$0x1];
	p0 =	sne.s32 s2, $0x0  }
0x3ae: {  	s3 =	rddreg [dreg:$0x2];
	[bflag:$0x3] =	sbarrier.arrive $0xFFFF;
	s2 =	simm.s32 @!p0 $0x1C07  }
0x3af: {  	[timem:s3], [sflag:s2] =	dma.local @!p0 [hbm:s0], s1  }
0x3b0: {  	s0 =	simm.s32 @!p0 $0x7  }
0x3b1: {  	_ =	swait.ge @!p0 [sflag:s0], s1  }
0x3b2: {  	s1 =	ssub.s32 @!p0 $0x0, s1;
	[sflag:s0] =	ssyncset.done @!p0 $0x0  }
0x3b3: {  	[sflag:s0] =	ssyncadd.s32 @!p0 s1  }
0x3b4: {  	[bflag:$0x3] =	sbarrier.arrive $0xFFFF  }
0x3b5: {  	_ =	shalt  }

</sc_bundles>
